<compile_context>
chip_gen: v7x
topology: tpu7x:2x2x1
jax: 0.10.2.dev20260603
libtpu: 0.0.44.dev20260713+nightly
codegen_flags: <defaults>
</compile_context>

<pallas_src>
import functools

import jax
import jax.numpy as jnp
from jax import lax
from jax.experimental import pallas as pl
from jax.experimental.pallas import tpu as pltpu
from jax.experimental.pallas import tpu_sc as plsc

N = 10000
E = 320000
D = 128

NC = 2
NS = 16
NW = NC * NS
CH = 128
NCHUNK = 80
TOTCH = NW * NCHUNK
EPAD = TOTCH * CH
HEAVY_CORE = 1
XHEAVY = 128
XLIGHT = 160 - XHEAVY
NSEG = 2
SEG = XHEAVY // NSEG
NPAD = 10112
RPT = NPAD // NS
ZFULL = RPT // CH
ZTAIL = RPT - ZFULL * CH
HW = 128
DW = 8
NB = 2
LAG = 1

_mesh = plsc.VectorSubcoreMesh(
    core_axis_name="c", subcore_axis_name="s", num_cores=NC, num_subcores=NS
)


@functools.partial(
    pl.kernel,
    out_type=jax.ShapeDtypeStruct((NC, NPAD, HW), jnp.float32),
    mesh=_mesh,
    scratch_types=[
        pltpu.VMEM((NCHUNK, CH), jnp.int32),
        pltpu.VMEM((CH, HW), jnp.float32),
        pltpu.VMEM_SHARED((NPAD, HW), jnp.float32),
    ],
)
def _deg_kernel(dst_hbm, out_hbm, didx, buf, hist_sh):
    cid = lax.axis_index("c")
    sid = lax.axis_index("s")
    wid = cid * NS + sid
    base = sid * RPT

    @pl.loop(0, CH)
    def _(r):
        buf[r, :] = jnp.zeros((HW,), jnp.float32)

    for k in range(ZFULL):
        pltpu.sync_copy(buf, hist_sh.at[pl.ds(base + k * CH, CH)])
    pltpu.sync_copy(buf.at[pl.ds(0, ZTAIL)],
                    hist_sh.at[pl.ds(base + ZFULL * CH, ZTAIL)])

    @pl.loop(0, CH)
    def _(r):
        buf[r, :] = jnp.ones((HW,), jnp.float32)

    pltpu.sync_copy(dst_hbm.at[pl.ds(pl.multiple_of(wid * NCHUNK, 8), NCHUNK)],
                    didx)
    plsc.subcore_barrier()

    @pl.loop(0, NCHUNK)
    def _(j):
        pltpu.sync_copy(buf, hist_sh.at[didx.at[j]], add=True)

    plsc.subcore_barrier()
    pltpu.sync_copy(
        hist_sh.at[pl.ds(base, RPT)],
        out_hbm.at[cid].at[pl.ds(base, RPT)],
    )


@functools.partial(
    pl.kernel,
    out_type=jax.ShapeDtypeStruct((NC, NPAD, D), jnp.float32),
    mesh=_mesh,
    scratch_types=[
        pltpu.VMEM((SEG, CH), jnp.int32),
        pltpu.VMEM((SEG, CH), jnp.int32),
        pltpu.VMEM((NB, CH, D), jnp.float32),
        pltpu.VMEM_SHARED((NPAD, D), jnp.float32),
        pltpu.SemaphoreType.DMA((NB,)),
        pltpu.SemaphoreType.DMA((NB,)),
    ],
)
def _msg_kernel(h_hbm, src_hbm, dst_hbm, out_hbm, sidx, didx, rows, acc_sh,
                gsem, ssem):
    cid = lax.axis_index("c")
    sid = lax.axis_index("s")
    base = sid * RPT

    @pl.loop(0, CH)
    def _(r):
        @pl.loop(0, D, step=16)
        def _(c):
            rows[0, r, pl.ds(c, 16)] = jnp.zeros((16,), jnp.float32)

    for k in range(ZFULL):
        pltpu.sync_copy(rows.at[0], acc_sh.at[pl.ds(base + k * CH, CH)])
    pltpu.sync_copy(rows.at[0].at[pl.ds(0, ZTAIL)],
                    acc_sh.at[pl.ds(base + ZFULL * CH, ZTAIL)])

    plsc.subcore_barrier()

    def run(start, nch):
        pltpu.sync_copy(src_hbm.at[pl.ds(start, nch)],
                        sidx.at[pl.ds(0, nch)])
        pltpu.sync_copy(dst_hbm.at[pl.ds(start, nch)],
                        didx.at[pl.ds(0, nch)])

        for b in range(NB):
            pltpu.async_copy(h_hbm.at[sidx.at[b]], rows.at[b], gsem.at[b])

        @pl.loop(0, nch)
        def _(i):
            b = lax.rem(i, NB)
            pltpu.make_async_copy(h_hbm.at[sidx.at[i]], rows.at[b],
                                  gsem.at[b]).wait()
            pltpu.async_copy(rows.at[b], acc_sh.at[didx.at[i]], ssem.at[b],
                             add=True)

            k = i - LAG

            @pl.when(jnp.logical_and(k >= 0, k + NB < nch))
            def _():
                bk = lax.rem(k, NB)
                pltpu.make_async_copy(rows.at[bk], acc_sh.at[didx.at[k]],
                                      ssem.at[bk]).wait()
                pltpu.async_copy(h_hbm.at[sidx.at[k + NB]], rows.at[bk],
                                 gsem.at[bk])

        for k in range(nch - NB, nch):
            pltpu.make_async_copy(rows.at[k % NB], acc_sh.at[didx.at[k]],
                                  ssem.at[k % NB]).wait()

    @pl.when(cid == HEAVY_CORE)
    def _():
        for g in range(NSEG):
            run(pl.multiple_of(sid * XHEAVY + g * SEG, 8), SEG)

    if XLIGHT:
        @pl.when(cid != HEAVY_CORE)
        def _():
            run(pl.multiple_of(NS * XHEAVY + sid * XLIGHT, 8), XLIGHT)

    plsc.subcore_barrier()
    pltpu.sync_copy(
        acc_sh.at[pl.ds(base, RPT)],
        out_hbm.at[cid].at[pl.ds(base, RPT)],
    )


def _h1_body(x_ref, w_ref, hist_ref, h_ref, dinv_ref):
    hist = hist_ref[...]
    deg = hist[0, :, 0:1] + hist[1, :, 0:1] + 1.0
    dinv = lax.rsqrt(deg)
    m = jnp.dot(x_ref[...], w_ref[...], preferred_element_type=jnp.float32)
    h_ref[...] = m * dinv
    dinv_ref[...] = jnp.broadcast_to(dinv, (NPAD, DW))


def _mid_body(acc_ref, h1_ref, dinv_ref, b1_ref, w2_ref, h2_ref):
    acc = acc_ref[...]
    d = dinv_ref[...][:, 0:1]
    z = (acc[0] + acc[1] + h1_ref[...]) * d + b1_ref[...]
    a = jnp.where(z > 0, z, jnp.exp(z) - 1.0)
    h2_ref[...] = jnp.dot(a, w2_ref[...], preferred_element_type=jnp.float32) * d


def _out_body(acc_ref, h2_ref, dinv_ref, b2_ref, o_ref):
    acc = acc_ref[...]
    d = dinv_ref[...][:, 0:1]
    z = (acc[0] + acc[1] + h2_ref[...]) * d + b2_ref[...]
    o_ref[...] = jnp.where(z > 0, z, jnp.exp(z) - 1.0)


@jax.jit
def kernel(x, edge_index, W1, b1, W2, b2):
    src = edge_index[0].astype(jnp.int32)
    dst = edge_index[1].astype(jnp.int32)
    pad = jnp.full((EPAD - E,), N, dtype=jnp.int32)
    src3 = jnp.concatenate([src, pad]).reshape(TOTCH, CH)
    dst3 = jnp.concatenate([dst, pad]).reshape(TOTCH, CH)
    xp = jnp.concatenate([x, jnp.zeros((NPAD - N, D), x.dtype)], axis=0)
    b1r = b1.reshape(1, D)
    b2r = b2.reshape(1, D)

    hist = _deg_kernel(dst3)
    h1, dinv = pl.pallas_call(
        _h1_body,
        out_shape=(
            jax.ShapeDtypeStruct((NPAD, D), jnp.float32),
            jax.ShapeDtypeStruct((NPAD, DW), jnp.float32),
        ),
    )(xp, W1, hist)
    acc1 = _msg_kernel(h1, src3, dst3)
    h2 = pl.pallas_call(
        _mid_body, out_shape=jax.ShapeDtypeStruct((NPAD, D), jnp.float32)
    )(acc1, h1, dinv, b1r, W2)
    acc2 = _msg_kernel(h2, src3, dst3)
    out = pl.pallas_call(
        _out_body, out_shape=jax.ShapeDtypeStruct((NPAD, D), jnp.float32)
    )(acc2, h2, dinv, b2r)
    return out[:N]

# --- scband reference (transcript-rebuilt; emitter-appended) ---
"""Pipeline reference for scband-encoder-28887950033670 (READ-ONLY COPY).

The authoritative reference and input builder live on the scoring server;
editing this copy changes nothing except your own understanding.
"""

import jax, jax.numpy as jnp
import numpy as np

N_NODES = 10000
N_EDGES = 320000
D = 128


def setup_inputs(seed: int = 0) -> dict:
    key = jax.random.key(seed)
    k1, k2, k3, k4, k5, k6 = jax.random.split(key, 6)
    x = jax.random.normal(k1, (N_NODES, D), dtype=jnp.float32)
    edge_index = jax.random.randint(k2, (2, N_EDGES), 0, N_NODES, dtype=jnp.int64)
    s = 1.0 / np.sqrt(D)
    W1 = jax.random.uniform(k3, (D, D), minval=-s, maxval=s, dtype=jnp.float32)
    b1 = jnp.zeros((D,), dtype=jnp.float32)
    W2 = jax.random.uniform(k4, (D, D), minval=-s, maxval=s, dtype=jnp.float32)
    b2 = jnp.zeros((D,), dtype=jnp.float32)
    return {"x": x, "edge_index": edge_index, "W1": W1, "b1": b1, "W2": W2, "b2": b2}


def _gcn_conv(x, src, dst, n, W, b):
    # add self loops
    loop = jnp.arange(n, dtype=src.dtype)
    src_f = jnp.concatenate([src, loop])
    dst_f = jnp.concatenate([dst, loop])
    # symmetric normalization D^{-1/2} (A+I) D^{-1/2}
    deg = jnp.zeros((n,), dtype=x.dtype).at[dst_f].add(1.0)
    dinv = jnp.where(deg > 0, 1.0 / jnp.sqrt(deg), 0.0)
    norm = dinv[src_f] * dinv[dst_f]
    h = x @ W
    msg = h[src_f] * norm[:, None]
    out = jnp.zeros((n, W.shape[1]), dtype=x.dtype).at[dst_f].add(msg)
    return out + b


def reference(x, edge_index, W1, b1, W2, b2):
    # Encoder with layer='gcn', bn='none' (Identity), activation='elu',
    # dropout treated as identity (eval-mode determinism).
    src = edge_index[0]
    dst = edge_index[1]
    n = x.shape[0]
    h = _gcn_conv(x, src, dst, n, W1, b1)
    h = jax.nn.elu(h)
    h = _gcn_conv(h, src, dst, n, W2, b2)
    h = jax.nn.elu(h)
    return h

if __name__ == "__main__":
    import jax
    _d = setup_inputs()
    print(jax.jit(kernel)(*tuple(_d.values())))

</pallas_src>

<mosaic_0001>
#map = affine_map<(d0, d1) -> (0, 0)>
#map1 = affine_map<(d0, d1) -> (0, 0, 0)>
module attributes {stable_mosaic.version = 14 : i64} {
  func.func @_msg_kernel(%arg0: i32, %arg1: i32, %arg2: memref<10112x128xf32, #tpu.memory_space<hbm>>, %arg3: memref<2560x128xi32, #tpu.memory_space<hbm>>, %arg4: memref<2560x128xi32, #tpu.memory_space<hbm>>, %arg5: memref<2x10112x128xf32, #tpu.memory_space<hbm>>, %arg6: memref<64x128xi32, #tpu.memory_space<vmem>>, %arg7: memref<64x128xi32, #tpu.memory_space<vmem>>, %arg8: memref<2x128x128xf32, #tpu.memory_space<vmem>>, %arg9: memref<10112x128xf32, #tpu.memory_space<vmem_shared>>, %arg10: memref<2x!tpu.dma_semaphore, #tpu.memory_space<semaphore_mem>>, %arg11: memref<2x!tpu.dma_semaphore, #tpu.memory_space<semaphore_mem>>) attributes {dimension_semantics = [#tpu.dimension_semantics<core_parallel>, #tpu.dimension_semantics<subcore_parallel>], iteration_bounds = array<i64: 2, 16>, scalar_prefetch = 0 : i64, scratch_operands = 6 : i64, tpu.core_type = #tpu.core_type<sc_vector_subcore>, window_params = [{transform_indices = #map}, {transform_indices = #map}, {transform_indices = #map}, {transform_indices = #map1}]} {
    %mul3A = arith.constant 632 : i32
    %mul3A_0 = arith.muli %arg1, %mul3A : i32
    %scan3A = arith.constant 0 : i32
    %scan3A_1 = arith.constant 128 : i32
    %scan3A_2 = arith.addi %scan3A, %scan3A_1 : i32
    %scan3A_3 = arith.constant 1 : i32
    scf.for %scan3A_25 = %scan3A to %scan3A_2 step %scan3A_3  : i32 {
      %mul3A_26 = arith.constant 1 : i32
      %mul3A_27 = arith.muli %scan3A_25, %mul3A_26 : i32
      %add3A_28 = arith.constant 0 : i32
      %add3A_29 = arith.addi %add3A_28, %mul3A_27 : i32
      %scan3A_30 = arith.constant 0 : i32
      %scan3A_31 = arith.constant 8 : i32
      %scan3A_32 = arith.addi %scan3A_30, %scan3A_31 : i32
      %scan3A_33 = arith.constant 1 : i32
      scf.for %scan3A_35 = %scan3A_30 to %scan3A_32 step %scan3A_33  : i32 {
        %mul3A_36 = arith.constant 16 : i32
        %mul3A_37 = arith.muli %scan3A_35, %mul3A_36 : i32
        %add3A_38 = arith.constant 0 : i32
        %add3A_39 = arith.addi %add3A_38, %mul3A_37 : i32
        %broadcast_in_dim3A = arith.constant 0.000000e+00 : f32
        %broadcast_in_dim3A_40 = vector.broadcast %broadcast_in_dim3A : f32 to vector<16xf32>
        %swap3A = arith.constant 0 : i32
        %swap3A_41 = arith.index_cast %swap3A : i32 to index
        %swap3A_42 = arith.index_cast %add3A_29 : i32 to index
        %swap3A_43 = arith.index_cast %add3A_39 : i32 to index
        %swap3A_44 = tpu.vector_load %arg8[%swap3A_41, %swap3A_42, %swap3A_43] {strides = array<i32>} : memref<2x128x128xf32, #tpu.memory_space<vmem>>, vector<1x1x16xf32>,
        %swap3A_45 = vector.shape_cast %swap3A_44 : vector<1x1x16xf32> to vector<16xf32>
        %swap3A_46 = vector.shape_cast %broadcast_in_dim3A_40 : vector<16xf32> to vector<1x1x16xf32>
        tpu.vector_store %arg8[%swap3A_41, %swap3A_42, %swap3A_43], %swap3A_46 {strides = array<i32>} : memref<2x128x128xf32, #tpu.memory_space<vmem>>, vector<1x1x16xf32>,
      }
      %scan3A_34 = arith.constant 8 : i32
    }
    %scan3A_4 = arith.constant 128 : i32
    %add3A = arith.constant 0 : i32
    %add3A_5 = arith.addi %mul3A_0, %add3A : i32
    %run_scoped3A = arith.constant 0 : i32
    "tpu.region"() ({
      %run_scoped3A_25 = tpu.sem_alloc : memref<!tpu.dma_semaphore, #tpu.memory_space<semaphore_mem>>
      %dma_start3A = arith.constant 0 : i32
      %dma_start3A_26 = arith.constant 0 : i32
      %dma_start3A_27 = tpu.memref_slice %arg8[%run_scoped3A, %dma_start3A, %dma_start3A_26] : memref<2x128x128xf32, #tpu.memory_space<vmem>> -> memref<1x128x128xf32, #tpu.memory_space<vmem>>
      %dma_start3A_28 = tpu.memref_squeeze %dma_start3A_27 : memref<1x128x128xf32, #tpu.memory_space<vmem>> -> memref<128x128xf32, #tpu.memory_space<vmem>>
      %dma_start3A_29 = arith.constant 0 : i32
      %dma_start3A_30 = tpu.memref_slice %arg9[%add3A_5, %dma_start3A_29] : memref<10112x128xf32, #tpu.memory_space<vmem_shared>> -> memref<128x128xf32, #tpu.memory_space<vmem_shared>>
      %dma_start3A_31 = arith.constant 0 : i32
      %dma_start3A_32 = tpu.memref_slice %arg9[%add3A_5, %dma_start3A_31] : memref<10112x128xf32, #tpu.memory_space<vmem_shared>> -> memref<128x128xf32, #tpu.memory_space<vmem_shared>>
      %dma_start3A_33 = arith.constant 0 : i32
      %dma_start3A_34 = arith.constant 0 : i32
      %dma_start3A_35 = tpu.memref_slice %arg8[%run_scoped3A, %dma_start3A_33, %dma_start3A_34] : memref<2x128x128xf32, #tpu.memory_space<vmem>> -> memref<1x128x128xf32, #tpu.memory_space<vmem>>
      %dma_start3A_36 = tpu.memref_squeeze %dma_start3A_35 : memref<1x128x128xf32, #tpu.memory_space<vmem>> -> memref<128x128xf32, #tpu.memory_space<vmem>>
      tpu.enqueue_dma source(%dma_start3A_36 : memref<128x128xf32, #tpu.memory_space<vmem>>) target(%dma_start3A_32 : memref<128x128xf32, #tpu.memory_space<vmem_shared>>) target_semaphore(%run_scoped3A_25 : memref<!tpu.dma_semaphore, #tpu.memory_space<semaphore_mem>>)
      %dma_wait3A = arith.constant 0 : i32
      %dma_wait3A_37 = arith.constant 0 : i32
      %dma_wait3A_38 = tpu.memref_slice %arg8[%run_scoped3A, %dma_wait3A, %dma_wait3A_37] : memref<2x128x128xf32, #tpu.memory_space<vmem>> -> memref<1x128x128xf32, #tpu.memory_space<vmem>>
      %dma_wait3A_39 = tpu.memref_squeeze %dma_wait3A_38 : memref<1x128x128xf32, #tpu.memory_space<vmem>> -> memref<128x128xf32, #tpu.memory_space<vmem>>
      %dma_wait3A_40 = arith.constant 0 : i32
      %dma_wait3A_41 = tpu.memref_slice %arg9[%add3A_5, %dma_wait3A_40] : memref<10112x128xf32, #tpu.memory_space<vmem_shared>> -> memref<128x128xf32, #tpu.memory_space<vmem_shared>>
      %dma_wait3A_42 = arith.constant 0 : i32
      %dma_wait3A_43 = tpu.memref_slice %arg9[%add3A_5, %dma_wait3A_42] : memref<10112x128xf32, #tpu.memory_space<vmem_shared>> -> memref<128x128xf32, #tpu.memory_space<vmem_shared>>
      %dma_wait3A_44 = arith.constant 0 : i32
      %dma_wait3A_45 = arith.constant 0 : i32
      %dma_wait3A_46 = tpu.memref_slice %arg8[%run_scoped3A, %dma_wait3A_44, %dma_wait3A_45] : memref<2x128x128xf32, #tpu.memory_space<vmem>> -> memref<1x128x128xf32, #tpu.memory_space<vmem>>
      %dma_wait3A_47 = tpu.memref_squeeze %dma_wait3A_46 : memref<1x128x128xf32, #tpu.memory_space<vmem>> -> memref<128x128xf32, #tpu.memory_space<vmem>>
      tpu.wait_dma2 semaphore(%run_scoped3A_25 : memref<!tpu.dma_semaphore, #tpu.memory_space<semaphore_mem>>) src(%dma_wait3A_47 : memref<128x128xf32, #tpu.memory_space<vmem>>) dst(%dma_wait3A_43 : memref<128x128xf32, #tpu.memory_space<vmem_shared>>)
      tpu.yield
    }) : () -> ()
    %add3A_6 = arith.constant 128 : i32
    %add3A_7 = arith.addi %mul3A_0, %add3A_6 : i32
    %run_scoped3A_8 = arith.constant 0 : i32
    "tpu.region"() ({
      %run_scoped3A_25 = tpu.sem_alloc : memref<!tpu.dma_semaphore, #tpu.memory_space<semaphore_mem>>
      %dma_start3A = arith.constant 0 : i32
      %dma_start3A_26 = arith.constant 0 : i32
      %dma_start3A_27 = tpu.memref_slice %arg8[%run_scoped3A_8, %dma_start3A, %dma_start3A_26] : memref<2x128x128xf32, #tpu.memory_space<vmem>> -> memref<1x128x128xf32, #tpu.memory_space<vmem>>
      %dma_start3A_28 = tpu.memref_squeeze %dma_start3A_27 : memref<1x128x128xf32, #tpu.memory_space<vmem>> -> memref<128x128xf32, #tpu.memory_space<vmem>>
      %dma_start3A_29 = arith.constant 0 : i32
      %dma_start3A_30 = tpu.memref_slice %arg9[%add3A_7, %dma_start3A_29] : memref<10112x128xf32, #tpu.memory_space<vmem_shared>> -> memref<128x128xf32, #tpu.memory_space<vmem_shared>>
      %dma_start3A_31 = arith.constant 0 : i32
      %dma_start3A_32 = tpu.memref_slice %arg9[%add3A_7, %dma_start3A_31] : memref<10112x128xf32, #tpu.memory_space<vmem_shared>> -> memref<128x128xf32, #tpu.memory_space<vmem_shared>>
      %dma_start3A_33 = arith.constant 0 : i32
      %dma_start3A_34 = arith.constant 0 : i32
      %dma_start3A_35 = tpu.memref_slice %arg8[%run_scoped3A_8, %dma_start3A_33, %dma_start3A_34] : memref<2x128x128xf32, #tpu.memory_space<vmem>> -> memref<1x128x128xf32, #tpu.memory_space<vmem>>
      %dma_start3A_36 = tpu.memref_squeeze %dma_start3A_35 : memref<1x128x128xf32, #tpu.memory_space<vmem>> -> memref<128x128xf32, #tpu.memory_space<vmem>>
      tpu.enqueue_dma source(%dma_start3A_36 : memref<128x128xf32, #tpu.memory_space<vmem>>) target(%dma_start3A_32 : memref<128x128xf32, #tpu.memory_space<vmem_shared>>) target_semaphore(%run_scoped3A_25 : memref<!tpu.dma_semaphore, #tpu.memory_space<semaphore_mem>>)
      %dma_wait3A = arith.constant 0 : i32
      %dma_wait3A_37 = arith.constant 0 : i32
      %dma_wait3A_38 = tpu.memref_slice %arg8[%run_scoped3A_8, %dma_wait3A, %dma_wait3A_37] : memref<2x128x128xf32, #tpu.memory_space<vmem>> -> memref<1x128x128xf32, #tpu.memory_space<vmem>>
      %dma_wait3A_39 = tpu.memref_squeeze %dma_wait3A_38 : memref<1x128x128xf32, #tpu.memory_space<vmem>> -> memref<128x128xf32, #tpu.memory_space<vmem>>
      %dma_wait3A_40 = arith.constant 0 : i32
      %dma_wait3A_41 = tpu.memref_slice %arg9[%add3A_7, %dma_wait3A_40] : memref<10112x128xf32, #tpu.memory_space<vmem_shared>> -> memref<128x128xf32, #tpu.memory_space<vmem_shared>>
      %dma_wait3A_42 = arith.constant 0 : i32
      %dma_wait3A_43 = tpu.memref_slice %arg9[%add3A_7, %dma_wait3A_42] : memref<10112x128xf32, #tpu.memory_space<vmem_shared>> -> memref<128x128xf32, #tpu.memory_space<vmem_shared>>
      %dma_wait3A_44 = arith.constant 0 : i32
      %dma_wait3A_45 = arith.constant 0 : i32
      %dma_wait3A_46 = tpu.memref_slice %arg8[%run_scoped3A_8, %dma_wait3A_44, %dma_wait3A_45] : memref<2x128x128xf32, #tpu.memory_space<vmem>> -> memref<1x128x128xf32, #tpu.memory_space<vmem>>
      %dma_wait3A_47 = tpu.memref_squeeze %dma_wait3A_46 : memref<1x128x128xf32, #tpu.memory_space<vmem>> -> memref<128x128xf32, #tpu.memory_space<vmem>>
      tpu.wait_dma2 semaphore(%run_scoped3A_25 : memref<!tpu.dma_semaphore, #tpu.memory_space<semaphore_mem>>) src(%dma_wait3A_47 : memref<128x128xf32, #tpu.memory_space<vmem>>) dst(%dma_wait3A_43 : memref<128x128xf32, #tpu.memory_space<vmem_shared>>)
      tpu.yield
    }) : () -> ()
    %add3A_9 = arith.constant 256 : i32
    %add3A_10 = arith.addi %mul3A_0, %add3A_9 : i32
    %run_scoped3A_11 = arith.constant 0 : i32
    "tpu.region"() ({
      %run_scoped3A_25 = tpu.sem_alloc : memref<!tpu.dma_semaphore, #tpu.memory_space<semaphore_mem>>
      %dma_start3A = arith.constant 0 : i32
      %dma_start3A_26 = arith.constant 0 : i32
      %dma_start3A_27 = tpu.memref_slice %arg8[%run_scoped3A_11, %dma_start3A, %dma_start3A_26] : memref<2x128x128xf32, #tpu.memory_space<vmem>> -> memref<1x128x128xf32, #tpu.memory_space<vmem>>
      %dma_start3A_28 = tpu.memref_squeeze %dma_start3A_27 : memref<1x128x128xf32, #tpu.memory_space<vmem>> -> memref<128x128xf32, #tpu.memory_space<vmem>>
      %dma_start3A_29 = arith.constant 0 : i32
      %dma_start3A_30 = tpu.memref_slice %arg9[%add3A_10, %dma_start3A_29] : memref<10112x128xf32, #tpu.memory_space<vmem_shared>> -> memref<128x128xf32, #tpu.memory_space<vmem_shared>>
      %dma_start3A_31 = arith.constant 0 : i32
      %dma_start3A_32 = tpu.memref_slice %arg9[%add3A_10, %dma_start3A_31] : memref<10112x128xf32, #tpu.memory_space<vmem_shared>> -> memref<128x128xf32, #tpu.memory_space<vmem_shared>>
      %dma_start3A_33 = arith.constant 0 : i32
      %dma_start3A_34 = arith.constant 0 : i32
      %dma_start3A_35 = tpu.memref_slice %arg8[%run_scoped3A_11, %dma_start3A_33, %dma_start3A_34] : memref<2x128x128xf32, #tpu.memory_space<vmem>> -> memref<1x128x128xf32, #tpu.memory_space<vmem>>
      %dma_start3A_36 = tpu.memref_squeeze %dma_start3A_35 : memref<1x128x128xf32, #tpu.memory_space<vmem>> -> memref<128x128xf32, #tpu.memory_space<vmem>>
      tpu.enqueue_dma source(%dma_start3A_36 : memref<128x128xf32, #tpu.memory_space<vmem>>) target(%dma_start3A_32 : memref<128x128xf32, #tpu.memory_space<vmem_shared>>) target_semaphore(%run_scoped3A_25 : memref<!tpu.dma_semaphore, #tpu.memory_space<semaphore_mem>>)
      %dma_wait3A = arith.constant 0 : i32
      %dma_wait3A_37 = arith.constant 0 : i32
      %dma_wait3A_38 = tpu.memref_slice %arg8[%run_scoped3A_11, %dma_wait3A, %dma_wait3A_37] : memref<2x128x128xf32, #tpu.memory_space<vmem>> -> memref<1x128x128xf32, #tpu.memory_space<vmem>>
      %dma_wait3A_39 = tpu.memref_squeeze %dma_wait3A_38 : memref<1x128x128xf32, #tpu.memory_space<vmem>> -> memref<128x128xf32, #tpu.memory_space<vmem>>
      %dma_wait3A_40 = arith.constant 0 : i32
      %dma_wait3A_41 = tpu.memref_slice %arg9[%add3A_10, %dma_wait3A_40] : memref<10112x128xf32, #tpu.memory_space<vmem_shared>> -> memref<128x128xf32, #tpu.memory_space<vmem_shared>>
      %dma_wait3A_42 = arith.constant 0 : i32
      %dma_wait3A_43 = tpu.memref_slice %arg9[%add3A_10, %dma_wait3A_42] : memref<10112x128xf32, #tpu.memory_space<vmem_shared>> -> memref<128x128xf32, #tpu.memory_space<vmem_shared>>
      %dma_wait3A_44 = arith.constant 0 : i32
      %dma_wait3A_45 = arith.constant 0 : i32
      %dma_wait3A_46 = tpu.memref_slice %arg8[%run_scoped3A_11, %dma_wait3A_44, %dma_wait3A_45] : memref<2x128x128xf32, #tpu.memory_space<vmem>> -> memref<1x128x128xf32, #tpu.memory_space<vmem>>
      %dma_wait3A_47 = tpu.memref_squeeze %dma_wait3A_46 : memref<1x128x128xf32, #tpu.memory_space<vmem>> -> memref<128x128xf32, #tpu.memory_space<vmem>>
      tpu.wait_dma2 semaphore(%run_scoped3A_25 : memref<!tpu.dma_semaphore, #tpu.memory_space<semaphore_mem>>) src(%dma_wait3A_47 : memref<128x128xf32, #tpu.memory_space<vmem>>) dst(%dma_wait3A_43 : memref<128x128xf32, #tpu.memory_space<vmem_shared>>)
      tpu.yield
    }) : () -> ()
    %add3A_12 = arith.constant 384 : i32
    %add3A_13 = arith.addi %mul3A_0, %add3A_12 : i32
    %run_scoped3A_14 = arith.constant 0 : i32
    "tpu.region"() ({
      %run_scoped3A_25 = tpu.sem_alloc : memref<!tpu.dma_semaphore, #tpu.memory_space<semaphore_mem>>
      %dma_start3A = arith.constant 0 : i32
      %dma_start3A_26 = arith.constant 0 : i32
      %dma_start3A_27 = tpu.memref_slice %arg8[%run_scoped3A_14, %dma_start3A, %dma_start3A_26] : memref<2x128x128xf32, #tpu.memory_space<vmem>> -> memref<1x128x128xf32, #tpu.memory_space<vmem>>
      %dma_start3A_28 = tpu.memref_squeeze %dma_start3A_27 : memref<1x128x128xf32, #tpu.memory_space<vmem>> -> memref<128x128xf32, #tpu.memory_space<vmem>>
      %dma_start3A_29 = arith.constant 0 : i32
      %dma_start3A_30 = tpu.memref_slice %arg9[%add3A_13, %dma_start3A_29] : memref<10112x128xf32, #tpu.memory_space<vmem_shared>> -> memref<128x128xf32, #tpu.memory_space<vmem_shared>>
      %dma_start3A_31 = arith.constant 0 : i32
      %dma_start3A_32 = tpu.memref_slice %arg9[%add3A_13, %dma_start3A_31] : memref<10112x128xf32, #tpu.memory_space<vmem_shared>> -> memref<128x128xf32, #tpu.memory_space<vmem_shared>>
      %dma_start3A_33 = arith.constant 0 : i32
      %dma_start3A_34 = arith.constant 0 : i32
      %dma_start3A_35 = tpu.memref_slice %arg8[%run_scoped3A_14, %dma_start3A_33, %dma_start3A_34] : memref<2x128x128xf32, #tpu.memory_space<vmem>> -> memref<1x128x128xf32, #tpu.memory_space<vmem>>
      %dma_start3A_36 = tpu.memref_squeeze %dma_start3A_35 : memref<1x128x128xf32, #tpu.memory_space<vmem>> -> memref<128x128xf32, #tpu.memory_space<vmem>>
      tpu.enqueue_dma source(%dma_start3A_36 : memref<128x128xf32, #tpu.memory_space<vmem>>) target(%dma_start3A_32 : memref<128x128xf32, #tpu.memory_space<vmem_shared>>) target_semaphore(%run_scoped3A_25 : memref<!tpu.dma_semaphore, #tpu.memory_space<semaphore_mem>>)
      %dma_wait3A = arith.constant 0 : i32
      %dma_wait3A_37 = arith.constant 0 : i32
      %dma_wait3A_38 = tpu.memref_slice %arg8[%run_scoped3A_14, %dma_wait3A, %dma_wait3A_37] : memref<2x128x128xf32, #tpu.memory_space<vmem>> -> memref<1x128x128xf32, #tpu.memory_space<vmem>>
      %dma_wait3A_39 = tpu.memref_squeeze %dma_wait3A_38 : memref<1x128x128xf32, #tpu.memory_space<vmem>> -> memref<128x128xf32, #tpu.memory_space<vmem>>
      %dma_wait3A_40 = arith.constant 0 : i32
      %dma_wait3A_41 = tpu.memref_slice %arg9[%add3A_13, %dma_wait3A_40] : memref<10112x128xf32, #tpu.memory_space<vmem_shared>> -> memref<128x128xf32, #tpu.memory_space<vmem_shared>>
      %dma_wait3A_42 = arith.constant 0 : i32
      %dma_wait3A_43 = tpu.memref_slice %arg9[%add3A_13, %dma_wait3A_42] : memref<10112x128xf32, #tpu.memory_space<vmem_shared>> -> memref<128x128xf32, #tpu.memory_space<vmem_shared>>
      %dma_wait3A_44 = arith.constant 0 : i32
      %dma_wait3A_45 = arith.constant 0 : i32
      %dma_wait3A_46 = tpu.memref_slice %arg8[%run_scoped3A_14, %dma_wait3A_44, %dma_wait3A_45] : memref<2x128x128xf32, #tpu.memory_space<vmem>> -> memref<1x128x128xf32, #tpu.memory_space<vmem>>
      %dma_wait3A_47 = tpu.memref_squeeze %dma_wait3A_46 : memref<1x128x128xf32, #tpu.memory_space<vmem>> -> memref<128x128xf32, #tpu.memory_space<vmem>>
      tpu.wait_dma2 semaphore(%run_scoped3A_25 : memref<!tpu.dma_semaphore, #tpu.memory_space<semaphore_mem>>) src(%dma_wait3A_47 : memref<128x128xf32, #tpu.memory_space<vmem>>) dst(%dma_wait3A_43 : memref<128x128xf32, #tpu.memory_space<vmem_shared>>)
      tpu.yield
    }) : () -> ()
    %add3A_15 = arith.constant 512 : i32
    %add3A_16 = arith.addi %mul3A_0, %add3A_15 : i32
    %run_scoped3A_17 = arith.constant 0 : i32
    "tpu.region"() ({
      %run_scoped3A_25 = tpu.sem_alloc : memref<!tpu.dma_semaphore, #tpu.memory_space<semaphore_mem>>
      %dma_start3A = arith.constant 0 : i32
      %dma_start3A_26 = arith.constant 0 : i32
      %dma_start3A_27 = tpu.memref_slice %arg8[%run_scoped3A_17, %dma_start3A, %dma_start3A_26] : memref<2x128x128xf32, #tpu.memory_space<vmem>> -> memref<1x128x128xf32, #tpu.memory_space<vmem>>
      %dma_start3A_28 = tpu.memref_squeeze %dma_start3A_27 : memref<1x128x128xf32, #tpu.memory_space<vmem>> -> memref<128x128xf32, #tpu.memory_space<vmem>>
      %dma_start3A_29 = arith.constant 0 : i32
      %dma_start3A_30 = arith.constant 0 : i32
      %dma_start3A_31 = tpu.memref_slice %dma_start3A_28[%dma_start3A_29, %dma_start3A_30] : memref<128x128xf32, #tpu.memory_space<vmem>> -> memref<120x128xf32, #tpu.memory_space<vmem>>
      %dma_start3A_32 = arith.constant 0 : i32
      %dma_start3A_33 = tpu.memref_slice %arg9[%add3A_16, %dma_start3A_32] : memref<10112x128xf32, #tpu.memory_space<vmem_shared>> -> memref<120x128xf32, #tpu.memory_space<vmem_shared>>
      %dma_start3A_34 = arith.constant 0 : i32
      %dma_start3A_35 = tpu.memref_slice %arg9[%add3A_16, %dma_start3A_34] : memref<10112x128xf32, #tpu.memory_space<vmem_shared>> -> memref<120x128xf32, #tpu.memory_space<vmem_shared>>
      %dma_start3A_36 = arith.constant 0 : i32
      %dma_start3A_37 = arith.constant 0 : i32
      %dma_start3A_38 = tpu.memref_slice %arg8[%run_scoped3A_17, %dma_start3A_36, %dma_start3A_37] : memref<2x128x128xf32, #tpu.memory_space<vmem>> -> memref<1x128x128xf32, #tpu.memory_space<vmem>>
      %dma_start3A_39 = tpu.memref_squeeze %dma_start3A_38 : memref<1x128x128xf32, #tpu.memory_space<vmem>> -> memref<128x128xf32, #tpu.memory_space<vmem>>
      %dma_start3A_40 = arith.constant 0 : i32
      %dma_start3A_41 = arith.constant 0 : i32
      %dma_start3A_42 = tpu.memref_slice %dma_start3A_39[%dma_start3A_40, %dma_start3A_41] : memref<128x128xf32, #tpu.memory_space<vmem>> -> memref<120x128xf32, #tpu.memory_space<vmem>>
      tpu.enqueue_dma source(%dma_start3A_42 : memref<120x128xf32, #tpu.memory_space<vmem>>) target(%dma_start3A_35 : memref<120x128xf32, #tpu.memory_space<vmem_shared>>) target_semaphore(%run_scoped3A_25 : memref<!tpu.dma_semaphore, #tpu.memory_space<semaphore_mem>>)
      %dma_wait3A = arith.constant 0 : i32
      %dma_wait3A_43 = arith.constant 0 : i32
      %dma_wait3A_44 = tpu.memref_slice %arg8[%run_scoped3A_17, %dma_wait3A, %dma_wait3A_43] : memref<2x128x128xf32, #tpu.memory_space<vmem>> -> memref<1x128x128xf32, #tpu.memory_space<vmem>>
      %dma_wait3A_45 = tpu.memref_squeeze %dma_wait3A_44 : memref<1x128x128xf32, #tpu.memory_space<vmem>> -> memref<128x128xf32, #tpu.memory_space<vmem>>
      %dma_wait3A_46 = arith.constant 0 : i32
      %dma_wait3A_47 = arith.constant 0 : i32
      %dma_wait3A_48 = tpu.memref_slice %dma_wait3A_45[%dma_wait3A_46, %dma_wait3A_47] : memref<128x128xf32, #tpu.memory_space<vmem>> -> memref<120x128xf32, #tpu.memory_space<vmem>>
      %dma_wait3A_49 = arith.constant 0 : i32
      %dma_wait3A_50 = tpu.memref_slice %arg9[%add3A_16, %dma_wait3A_49] : memref<10112x128xf32, #tpu.memory_space<vmem_shared>> -> memref<120x128xf32, #tpu.memory_space<vmem_shared>>
      %dma_wait3A_51 = arith.constant 0 : i32
      %dma_wait3A_52 = tpu.memref_slice %arg9[%add3A_16, %dma_wait3A_51] : memref<10112x128xf32, #tpu.memory_space<vmem_shared>> -> memref<120x128xf32, #tpu.memory_space<vmem_shared>>
      %dma_wait3A_53 = arith.constant 0 : i32
      %dma_wait3A_54 = arith.constant 0 : i32
      %dma_wait3A_55 = tpu.memref_slice %arg8[%run_scoped3A_17, %dma_wait3A_53, %dma_wait3A_54] : memref<2x128x128xf32, #tpu.memory_space<vmem>> -> memref<1x128x128xf32, #tpu.memory_space<vmem>>
      %dma_wait3A_56 = tpu.memref_squeeze %dma_wait3A_55 : memref<1x128x128xf32, #tpu.memory_space<vmem>> -> memref<128x128xf32, #tpu.memory_space<vmem>>
      %dma_wait3A_57 = arith.constant 0 : i32
      %dma_wait3A_58 = arith.constant 0 : i32
      %dma_wait3A_59 = tpu.memref_slice %dma_wait3A_56[%dma_wait3A_57, %dma_wait3A_58] : memref<128x128xf32, #tpu.memory_space<vmem>> -> memref<120x128xf32, #tpu.memory_space<vmem>>
      tpu.wait_dma2 semaphore(%run_scoped3A_25 : memref<!tpu.dma_semaphore, #tpu.memory_space<semaphore_mem>>) src(%dma_wait3A_59 : memref<120x128xf32, #tpu.memory_space<vmem>>) dst(%dma_wait3A_52 : memref<120x128xf32, #tpu.memory_space<vmem_shared>>)
      tpu.yield
    }) : () -> ()
    %barrier3A = arith.constant 0 : index
    tpu.barrier barrier_id(%barrier3A)
    %eq3A = arith.constant 1 : i32
    %eq3A_18 = arith.cmpi eq, %arg0, %eq3A : i32
    %convert_element_type3A = arith.extui %eq3A_18 : i1 to i32
    %cond3A = arith.constant 0 : i32
    %cond3A_19 = arith.cmpi ne, %convert_element_type3A, %cond3A : i32
    scf.if %cond3A_19 {
      %mul3A_25 = arith.constant 128 : i32
      %mul3A_26 = arith.muli %arg1, %mul3A_25 : i32
      %add3A_27 = arith.constant 0 : i32
      %add3A_28 = arith.addi %mul3A_26, %add3A_27 : i32
      %multiple_of3A = tpu.assume_multiple %add3A_28, 8 : i32
      "tpu.region"() ({
        %run_scoped3A_162 = tpu.sem_alloc : memref<!tpu.dma_semaphore, #tpu.memory_space<semaphore_mem>>
        %dma_start3A_163 = arith.constant 0 : i32
        %dma_start3A_164 = arith.constant 0 : i32
        %dma_start3A_165 = tpu.memref_slice %arg6[%dma_start3A_163, %dma_start3A_164] : memref<64x128xi32, #tpu.memory_space<vmem>> -> memref<64x128xi32, #tpu.memory_space<vmem>>
        %dma_start3A_166 = arith.constant 0 : i32
        %dma_start3A_167 = tpu.memref_slice %arg3[%multiple_of3A, %dma_start3A_166] : memref<2560x128xi32, #tpu.memory_space<hbm>> -> memref<64x128xi32, #tpu.memory_space<hbm>>
        %dma_start3A_168 = arith.constant 0 : i32
        %dma_start3A_169 = arith.constant 0 : i32
        %dma_start3A_170 = tpu.memref_slice %arg6[%dma_start3A_168, %dma_start3A_169] : memref<64x128xi32, #tpu.memory_space<vmem>> -> memref<64x128xi32, #tpu.memory_space<vmem>>
        %dma_start3A_171 = arith.constant 0 : i32
        %dma_start3A_172 = tpu.memref_slice %arg3[%multiple_of3A, %dma_start3A_171] : memref<2560x128xi32, #tpu.memory_space<hbm>> -> memref<64x128xi32, #tpu.memory_space<hbm>>
        tpu.enqueue_dma source(%dma_start3A_172 : memref<64x128xi32, #tpu.memory_space<hbm>>) target(%dma_start3A_170 : memref<64x128xi32, #tpu.memory_space<vmem>>) target_semaphore(%run_scoped3A_162 : memref<!tpu.dma_semaphore, #tpu.memory_space<semaphore_mem>>)
        %dma_wait3A_173 = arith.constant 0 : i32
        %dma_wait3A_174 = arith.constant 0 : i32
        %dma_wait3A_175 = tpu.memref_slice %arg6[%dma_wait3A_173, %dma_wait3A_174] : memref<64x128xi32, #tpu.memory_space<vmem>> -> memref<64x128xi32, #tpu.memory_space<vmem>>
        %dma_wait3A_176 = arith.constant 0 : i32
        %dma_wait3A_177 = tpu.memref_slice %arg3[%multiple_of3A, %dma_wait3A_176] : memref<2560x128xi32, #tpu.memory_space<hbm>> -> memref<64x128xi32, #tpu.memory_space<hbm>>
        %dma_wait3A_178 = arith.constant 0 : i32
        %dma_wait3A_179 = arith.constant 0 : i32
        %dma_wait3A_180 = tpu.memref_slice %arg6[%dma_wait3A_178, %dma_wait3A_179] : memref<64x128xi32, #tpu.memory_space<vmem>> -> memref<64x128xi32, #tpu.memory_space<vmem>>
        %dma_wait3A_181 = arith.constant 0 : i32
        %dma_wait3A_182 = tpu.memref_slice %arg3[%multiple_of3A, %dma_wait3A_181] : memref<2560x128xi32, #tpu.memory_space<hbm>> -> memref<64x128xi32, #tpu.memory_space<hbm>>
        tpu.wait_dma2 semaphore(%run_scoped3A_162 : memref<!tpu.dma_semaphore, #tpu.memory_space<semaphore_mem>>) src(%dma_wait3A_182 : memref<64x128xi32, #tpu.memory_space<hbm>>) dst(%dma_wait3A_180 : memref<64x128xi32, #tpu.memory_space<vmem>>)
        tpu.yield
      }) : () -> ()
      "tpu.region"() ({
        %run_scoped3A_162 = tpu.sem_alloc : memref<!tpu.dma_semaphore, #tpu.memory_space<semaphore_mem>>
        %dma_start3A_163 = arith.constant 0 : i32
        %dma_start3A_164 = arith.constant 0 : i32
        %dma_start3A_165 = tpu.memref_slice %arg7[%dma_start3A_163, %dma_start3A_164] : memref<64x128xi32, #tpu.memory_space<vmem>> -> memref<64x128xi32, #tpu.memory_space<vmem>>
        %dma_start3A_166 = arith.constant 0 : i32
        %dma_start3A_167 = tpu.memref_slice %arg4[%multiple_of3A, %dma_start3A_166] : memref<2560x128xi32, #tpu.memory_space<hbm>> -> memref<64x128xi32, #tpu.memory_space<hbm>>
        %dma_start3A_168 = arith.constant 0 : i32
        %dma_start3A_169 = arith.constant 0 : i32
        %dma_start3A_170 = tpu.memref_slice %arg7[%dma_start3A_168, %dma_start3A_169] : memref<64x128xi32, #tpu.memory_space<vmem>> -> memref<64x128xi32, #tpu.memory_space<vmem>>
        %dma_start3A_171 = arith.constant 0 : i32
        %dma_start3A_172 = tpu.memref_slice %arg4[%multiple_of3A, %dma_start3A_171] : memref<2560x128xi32, #tpu.memory_space<hbm>> -> memref<64x128xi32, #tpu.memory_space<hbm>>
        tpu.enqueue_dma source(%dma_start3A_172 : memref<64x128xi32, #tpu.memory_space<hbm>>) target(%dma_start3A_170 : memref<64x128xi32, #tpu.memory_space<vmem>>) target_semaphore(%run_scoped3A_162 : memref<!tpu.dma_semaphore, #tpu.memory_space<semaphore_mem>>)
        %dma_wait3A_173 = arith.constant 0 : i32
        %dma_wait3A_174 = arith.constant 0 : i32
        %dma_wait3A_175 = tpu.memref_slice %arg7[%dma_wait3A_173, %dma_wait3A_174] : memref<64x128xi32, #tpu.memory_space<vmem>> -> memref<64x128xi32, #tpu.memory_space<vmem>>
        %dma_wait3A_176 = arith.constant 0 : i32
        %dma_wait3A_177 = tpu.memref_slice %arg4[%multiple_of3A, %dma_wait3A_176] : memref<2560x128xi32, #tpu.memory_space<hbm>> -> memref<64x128xi32, #tpu.memory_space<hbm>>
        %dma_wait3A_178 = arith.constant 0 : i32
        %dma_wait3A_179 = arith.constant 0 : i32
        %dma_wait3A_180 = tpu.memref_slice %arg7[%dma_wait3A_178, %dma_wait3A_179] : memref<64x128xi32, #tpu.memory_space<vmem>> -> memref<64x128xi32, #tpu.memory_space<vmem>>
        %dma_wait3A_181 = arith.constant 0 : i32
        %dma_wait3A_182 = tpu.memref_slice %arg4[%multiple_of3A, %dma_wait3A_181] : memref<2560x128xi32, #tpu.memory_space<hbm>> -> memref<64x128xi32, #tpu.memory_space<hbm>>
        tpu.wait_dma2 semaphore(%run_scoped3A_162 : memref<!tpu.dma_semaphore, #tpu.memory_space<semaphore_mem>>) src(%dma_wait3A_182 : memref<64x128xi32, #tpu.memory_space<hbm>>) dst(%dma_wait3A_180 : memref<64x128xi32, #tpu.memory_space<vmem>>)
        tpu.yield
      }) : () -> ()
      %dma_start3A = arith.constant 0 : i32
      %dma_start3A_29 = arith.constant 0 : i32
      %dma_start3A_30 = arith.constant 0 : i32
      %dma_start3A_31 = arith.constant 0 : i32
      %dma_start3A_32 = arith.constant 0 : i32
      %dma_start3A_33 = tpu.memref_slice %arg8[%dma_start3A_29, %dma_start3A_31, %dma_start3A_32] : memref<2x128x128xf32, #tpu.memory_space<vmem>> -> memref<1x128x128xf32, #tpu.memory_space<vmem>>
      %dma_start3A_34 = tpu.memref_squeeze %dma_start3A_33 : memref<1x128x128xf32, #tpu.memory_space<vmem>> -> memref<128x128xf32, #tpu.memory_space<vmem>>
      %dma_start3A_35 = arith.constant 0 : i32
      %dma_start3A_36 = tpu.memref_slice %arg6[%dma_start3A, %dma_start3A_35] : memref<64x128xi32, #tpu.memory_space<vmem>> -> memref<1x128xi32, #tpu.memory_space<vmem>>
      %dma_start3A_37 = tpu.memref_squeeze %dma_start3A_36 : memref<1x128xi32, #tpu.memory_space<vmem>> -> memref<128xi32, #tpu.memory_space<vmem>>
      %dma_start3A_38 = arith.constant 0 : i32
      %dma_start3A_39 = arith.constant 0 : i32
      %dma_start3A_40 = tpu.memref_slice %arg2[%dma_start3A_38, %dma_start3A_39] : memref<10112x128xf32, #tpu.memory_space<hbm>> -> memref<10112x128xf32, #tpu.memory_space<hbm>>
      %dma_start3A_41 = tpu.memref_slice %arg10[%dma_start3A_30] : memref<2x!tpu.dma_semaphore, #tpu.memory_space<semaphore_mem>> -> memref<1x!tpu.dma_semaphore, #tpu.memory_space<semaphore_mem>>
      %dma_start3A_42 = tpu.memref_squeeze %dma_start3A_41 : memref<1x!tpu.dma_semaphore, #tpu.memory_space<semaphore_mem>> -> memref<!tpu.dma_semaphore, #tpu.memory_space<semaphore_mem>>
      tpu.enqueue_indirect_dma source(%dma_start3A_40 : memref<10112x128xf32, #tpu.memory_space<hbm>>) target(%dma_start3A_34 : memref<128x128xf32, #tpu.memory_space<vmem>>) offsets(%dma_start3A_37 : memref<128xi32, #tpu.memory_space<vmem>>) semaphore(%dma_start3A_42 : memref<!tpu.dma_semaphore, #tpu.memory_space<semaphore_mem>>)
      %dma_start3A_43 = arith.constant 1 : i32
      %dma_start3A_44 = arith.constant 1 : i32
      %dma_start3A_45 = arith.constant 1 : i32
      %dma_start3A_46 = arith.constant 0 : i32
      %dma_start3A_47 = arith.constant 0 : i32
      %dma_start3A_48 = tpu.memref_slice %arg8[%dma_start3A_44, %dma_start3A_46, %dma_start3A_47] : memref<2x128x128xf32, #tpu.memory_space<vmem>> -> memref<1x128x128xf32, #tpu.memory_space<vmem>>
      %dma_start3A_49 = tpu.memref_squeeze %dma_start3A_48 : memref<1x128x128xf32, #tpu.memory_space<vmem>> -> memref<128x128xf32, #tpu.memory_space<vmem>>
      %dma_start3A_50 = arith.constant 0 : i32
      %dma_start3A_51 = tpu.memref_slice %arg6[%dma_start3A_43, %dma_start3A_50] : memref<64x128xi32, #tpu.memory_space<vmem>> -> memref<1x128xi32, #tpu.memory_space<vmem>>
      %dma_start3A_52 = tpu.memref_squeeze %dma_start3A_51 : memref<1x128xi32, #tpu.memory_space<vmem>> -> memref<128xi32, #tpu.memory_space<vmem>>
      %dma_start3A_53 = arith.constant 0 : i32
      %dma_start3A_54 = arith.constant 0 : i32
      %dma_start3A_55 = tpu.memref_slice %arg2[%dma_start3A_53, %dma_start3A_54] : memref<10112x128xf32, #tpu.memory_space<hbm>> -> memref<10112x128xf32, #tpu.memory_space<hbm>>
      %dma_start3A_56 = tpu.memref_slice %arg10[%dma_start3A_45] : memref<2x!tpu.dma_semaphore, #tpu.memory_space<semaphore_mem>> -> memref<1x!tpu.dma_semaphore, #tpu.memory_space<semaphore_mem>>
      %dma_start3A_57 = tpu.memref_squeeze %dma_start3A_56 : memref<1x!tpu.dma_semaphore, #tpu.memory_space<semaphore_mem>> -> memref<!tpu.dma_semaphore, #tpu.memory_space<semaphore_mem>>
      tpu.enqueue_indirect_dma source(%dma_start3A_55 : memref<10112x128xf32, #tpu.memory_space<hbm>>) target(%dma_start3A_49 : memref<128x128xf32, #tpu.memory_space<vmem>>) offsets(%dma_start3A_52 : memref<128xi32, #tpu.memory_space<vmem>>) semaphore(%dma_start3A_57 : memref<!tpu.dma_semaphore, #tpu.memory_space<semaphore_mem>>)
      %scan3A_58 = arith.constant 0 : i32
      %scan3A_59 = arith.constant 64 : i32
      %scan3A_60 = arith.addi %scan3A_58, %scan3A_59 : i32
      %scan3A_61 = arith.constant 1 : i32
      scf.for %scan3A_162 = %scan3A_58 to %scan3A_60 step %scan3A_61  : i32 {
        %mul3A_163 = arith.constant 1 : i32
        %mul3A_164 = arith.muli %scan3A_162, %mul3A_163 : i32
        %add3A_165 = arith.constant 0 : i32
        %add3A_166 = arith.addi %add3A_165, %mul3A_164 : i32
        %rem3A = arith.constant 2 : i32
        %rem3A_167 = arith.remsi %add3A_166, %rem3A : i32
        %dma_wait3A_168 = arith.constant 0 : i32
        %dma_wait3A_169 = arith.constant 0 : i32
        %dma_wait3A_170 = tpu.memref_slice %arg8[%rem3A_167, %dma_wait3A_168, %dma_wait3A_169] : memref<2x128x128xf32, #tpu.memory_space<vmem>> -> memref<1x128x128xf32, #tpu.memory_space<vmem>>
        %dma_wait3A_171 = tpu.memref_squeeze %dma_wait3A_170 : memref<1x128x128xf32, #tpu.memory_space<vmem>> -> memref<128x128xf32, #tpu.memory_space<vmem>>
        %dma_wait3A_172 = arith.constant 0 : i32
        %dma_wait3A_173 = tpu.memref_slice %arg6[%add3A_166, %dma_wait3A_172] : memref<64x128xi32, #tpu.memory_space<vmem>> -> memref<1x128xi32, #tpu.memory_space<vmem>>
        %dma_wait3A_174 = tpu.memref_squeeze %dma_wait3A_173 : memref<1x128xi32, #tpu.memory_space<vmem>> -> memref<128xi32, #tpu.memory_space<vmem>>
        %dma_wait3A_175 = arith.constant 0 : i32
        %dma_wait3A_176 = arith.constant 0 : i32
        %dma_wait3A_177 = tpu.memref_slice %arg2[%dma_wait3A_175, %dma_wait3A_176] : memref<10112x128xf32, #tpu.memory_space<hbm>> -> memref<10112x128xf32, #tpu.memory_space<hbm>>
        %dma_wait3A_178 = tpu.memref_slice %arg10[%rem3A_167] : memref<2x!tpu.dma_semaphore, #tpu.memory_space<semaphore_mem>> -> memref<1x!tpu.dma_semaphore, #tpu.memory_space<semaphore_mem>>
        %dma_wait3A_179 = tpu.memref_squeeze %dma_wait3A_178 : memref<1x!tpu.dma_semaphore, #tpu.memory_space<semaphore_mem>> -> memref<!tpu.dma_semaphore, #tpu.memory_space<semaphore_mem>>
        tpu.wait_indirect_dma semaphore(%dma_wait3A_179 : memref<!tpu.dma_semaphore, #tpu.memory_space<semaphore_mem>>) src(%dma_wait3A_177 : memref<10112x128xf32, #tpu.memory_space<hbm>>) dst(%dma_wait3A_171 : memref<128x128xf32, #tpu.memory_space<vmem>>)
        %dma_start3A_180 = arith.constant 0 : i32
        %dma_start3A_181 = arith.constant 0 : i32
        %dma_start3A_182 = tpu.memref_slice %arg8[%rem3A_167, %dma_start3A_180, %dma_start3A_181] : memref<2x128x128xf32, #tpu.memory_space<vmem>> -> memref<1x128x128xf32, #tpu.memory_space<vmem>>
        %dma_start3A_183 = tpu.memref_squeeze %dma_start3A_182 : memref<1x128x128xf32, #tpu.memory_space<vmem>> -> memref<128x128xf32, #tpu.memory_space<vmem>>
        %dma_start3A_184 = arith.constant 0 : i32
        %dma_start3A_185 = tpu.memref_slice %arg7[%add3A_166, %dma_start3A_184] : memref<64x128xi32, #tpu.memory_space<vmem>> -> memref<1x128xi32, #tpu.memory_space<vmem>>
        %dma_start3A_186 = tpu.memref_squeeze %dma_start3A_185 : memref<1x128xi32, #tpu.memory_space<vmem>> -> memref<128xi32, #tpu.memory_space<vmem>>
        %dma_start3A_187 = arith.constant 0 : i32
        %dma_start3A_188 = arith.constant 0 : i32
        %dma_start3A_189 = tpu.memref_slice %arg9[%dma_start3A_187, %dma_start3A_188] : memref<10112x128xf32, #tpu.memory_space<vmem_shared>> -> memref<10112x128xf32, #tpu.memory_space<vmem_shared>>
        %dma_start3A_190 = tpu.memref_slice %arg11[%rem3A_167] : memref<2x!tpu.dma_semaphore, #tpu.memory_space<semaphore_mem>> -> memref<1x!tpu.dma_semaphore, #tpu.memory_space<semaphore_mem>>
        %dma_start3A_191 = tpu.memref_squeeze %dma_start3A_190 : memref<1x!tpu.dma_semaphore, #tpu.memory_space<semaphore_mem>> -> memref<!tpu.dma_semaphore, #tpu.memory_space<semaphore_mem>>
        tpu.enqueue_indirect_dma source(%dma_start3A_183 : memref<128x128xf32, #tpu.memory_space<vmem>>) target(%dma_start3A_189 : memref<10112x128xf32, #tpu.memory_space<vmem_shared>>) offsets(%dma_start3A_186 : memref<128xi32, #tpu.memory_space<vmem>>) semaphore(%dma_start3A_191 : memref<!tpu.dma_semaphore, #tpu.memory_space<semaphore_mem>>) {add = true}
        %sub3A = arith.constant 1 : i32
        %sub3A_192 = arith.subi %add3A_166, %sub3A : i32
        %ge3A = arith.constant 0 : i32
        %ge3A_193 = arith.cmpi sge, %sub3A_192, %ge3A : i32
        %add3A_194 = arith.constant 2 : i32
        %add3A_195 = arith.addi %sub3A_192, %add3A_194 : i32
        %lt3A = arith.constant 64 : i32
        %lt3A_196 = arith.cmpi slt, %add3A_195, %lt3A : i32
        %and3A = arith.andi %ge3A_193, %lt3A_196 : i1
        %convert_element_type3A_197 = arith.extui %and3A : i1 to i32
        %cond3A_198 = arith.constant 0 : i32
        %cond3A_199 = arith.cmpi ne, %convert_element_type3A_197, %cond3A_198 : i32
        scf.if %cond3A_199 {
          %rem3A_200 = arith.constant 2 : i32
          %rem3A_201 = arith.remsi %sub3A_192, %rem3A_200 : i32
          %dma_wait3A_202 = arith.constant 0 : i32
          %dma_wait3A_203 = arith.constant 0 : i32
          %dma_wait3A_204 = tpu.memref_slice %arg8[%rem3A_201, %dma_wait3A_202, %dma_wait3A_203] : memref<2x128x128xf32, #tpu.memory_space<vmem>> -> memref<1x128x128xf32, #tpu.memory_space<vmem>>
          %dma_wait3A_205 = tpu.memref_squeeze %dma_wait3A_204 : memref<1x128x128xf32, #tpu.memory_space<vmem>> -> memref<128x128xf32, #tpu.memory_space<vmem>>
          %dma_wait3A_206 = arith.constant 0 : i32
          %dma_wait3A_207 = tpu.memref_slice %arg7[%sub3A_192, %dma_wait3A_206] : memref<64x128xi32, #tpu.memory_space<vmem>> -> memref<1x128xi32, #tpu.memory_space<vmem>>
          %dma_wait3A_208 = tpu.memref_squeeze %dma_wait3A_207 : memref<1x128xi32, #tpu.memory_space<vmem>> -> memref<128xi32, #tpu.memory_space<vmem>>
          %dma_wait3A_209 = arith.constant 0 : i32
          %dma_wait3A_210 = arith.constant 0 : i32
          %dma_wait3A_211 = tpu.memref_slice %arg9[%dma_wait3A_209, %dma_wait3A_210] : memref<10112x128xf32, #tpu.memory_space<vmem_shared>> -> memref<10112x128xf32, #tpu.memory_space<vmem_shared>>
          %dma_wait3A_212 = tpu.memref_slice %arg11[%rem3A_201] : memref<2x!tpu.dma_semaphore, #tpu.memory_space<semaphore_mem>> -> memref<1x!tpu.dma_semaphore, #tpu.memory_space<semaphore_mem>>
          %dma_wait3A_213 = tpu.memref_squeeze %dma_wait3A_212 : memref<1x!tpu.dma_semaphore, #tpu.memory_space<semaphore_mem>> -> memref<!tpu.dma_semaphore, #tpu.memory_space<semaphore_mem>>
          tpu.wait_indirect_dma semaphore(%dma_wait3A_213 : memref<!tpu.dma_semaphore, #tpu.memory_space<semaphore_mem>>) src(%dma_wait3A_205 : memref<128x128xf32, #tpu.memory_space<vmem>>) dst(%dma_wait3A_211 : memref<10112x128xf32, #tpu.memory_space<vmem_shared>>)
          %add3A_214 = arith.constant 2 : i32
          %add3A_215 = arith.addi %sub3A_192, %add3A_214 : i32
          %dma_start3A_216 = arith.constant 0 : i32
          %dma_start3A_217 = arith.constant 0 : i32
          %dma_start3A_218 = tpu.memref_slice %arg8[%rem3A_201, %dma_start3A_216, %dma_start3A_217] : memref<2x128x128xf32, #tpu.memory_space<vmem>> -> memref<1x128x128xf32, #tpu.memory_space<vmem>>
          %dma_start3A_219 = tpu.memref_squeeze %dma_start3A_218 : memref<1x128x128xf32, #tpu.memory_space<vmem>> -> memref<128x128xf32, #tpu.memory_space<vmem>>
          %dma_start3A_220 = arith.constant 0 : i32
          %dma_start3A_221 = tpu.memref_slice %arg6[%add3A_215, %dma_start3A_220] : memref<64x128xi32, #tpu.memory_space<vmem>> -> memref<1x128xi32, #tpu.memory_space<vmem>>
          %dma_start3A_222 = tpu.memref_squeeze %dma_start3A_221 : memref<1x128xi32, #tpu.memory_space<vmem>> -> memref<128xi32, #tpu.memory_space<vmem>>
          %dma_start3A_223 = arith.constant 0 : i32
          %dma_start3A_224 = arith.constant 0 : i32
          %dma_start3A_225 = tpu.memref_slice %arg2[%dma_start3A_223, %dma_start3A_224] : memref<10112x128xf32, #tpu.memory_space<hbm>> -> memref<10112x128xf32, #tpu.memory_space<hbm>>
          %dma_start3A_226 = tpu.memref_slice %arg10[%rem3A_201] : memref<2x!tpu.dma_semaphore, #tpu.memory_space<semaphore_mem>> -> memref<1x!tpu.dma_semaphore, #tpu.memory_space<semaphore_mem>>
          %dma_start3A_227 = tpu.memref_squeeze %dma_start3A_226 : memref<1x!tpu.dma_semaphore, #tpu.memory_space<semaphore_mem>> -> memref<!tpu.dma_semaphore, #tpu.memory_space<semaphore_mem>>
          tpu.enqueue_indirect_dma source(%dma_start3A_225 : memref<10112x128xf32, #tpu.memory_space<hbm>>) target(%dma_start3A_219 : memref<128x128xf32, #tpu.memory_space<vmem>>) offsets(%dma_start3A_222 : memref<128xi32, #tpu.memory_space<vmem>>) semaphore(%dma_start3A_227 : memref<!tpu.dma_semaphore, #tpu.memory_space<semaphore_mem>>)
        } else {
        }
      }
      %scan3A_62 = arith.constant 64 : i32
      %dma_wait3A = arith.constant 0 : i32
      %dma_wait3A_63 = arith.constant 62 : i32
      %dma_wait3A_64 = arith.constant 0 : i32
      %dma_wait3A_65 = arith.constant 0 : i32
      %dma_wait3A_66 = arith.constant 0 : i32
      %dma_wait3A_67 = tpu.memref_slice %arg8[%dma_wait3A, %dma_wait3A_65, %dma_wait3A_66] : memref<2x128x128xf32, #tpu.memory_space<vmem>> -> memref<1x128x128xf32, #tpu.memory_space<vmem>>
      %dma_wait3A_68 = tpu.memref_squeeze %dma_wait3A_67 : memref<1x128x128xf32, #tpu.memory_space<vmem>> -> memref<128x128xf32, #tpu.memory_space<vmem>>
      %dma_wait3A_69 = arith.constant 0 : i32
      %dma_wait3A_70 = tpu.memref_slice %arg7[%dma_wait3A_63, %dma_wait3A_69] : memref<64x128xi32, #tpu.memory_space<vmem>> -> memref<1x128xi32, #tpu.memory_space<vmem>>
      %dma_wait3A_71 = tpu.memref_squeeze %dma_wait3A_70 : memref<1x128xi32, #tpu.memory_space<vmem>> -> memref<128xi32, #tpu.memory_space<vmem>>
      %dma_wait3A_72 = arith.constant 0 : i32
      %dma_wait3A_73 = arith.constant 0 : i32
      %dma_wait3A_74 = tpu.memref_slice %arg9[%dma_wait3A_72, %dma_wait3A_73] : memref<10112x128xf32, #tpu.memory_space<vmem_shared>> -> memref<10112x128xf32, #tpu.memory_space<vmem_shared>>
      %dma_wait3A_75 = tpu.memref_slice %arg11[%dma_wait3A_64] : memref<2x!tpu.dma_semaphore, #tpu.memory_space<semaphore_mem>> -> memref<1x!tpu.dma_semaphore, #tpu.memory_space<semaphore_mem>>
      %dma_wait3A_76 = tpu.memref_squeeze %dma_wait3A_75 : memref<1x!tpu.dma_semaphore, #tpu.memory_space<semaphore_mem>> -> memref<!tpu.dma_semaphore, #tpu.memory_space<semaphore_mem>>
      tpu.wait_indirect_dma semaphore(%dma_wait3A_76 : memref<!tpu.dma_semaphore, #tpu.memory_space<semaphore_mem>>) src(%dma_wait3A_68 : memref<128x128xf32, #tpu.memory_space<vmem>>) dst(%dma_wait3A_74 : memref<10112x128xf32, #tpu.memory_space<vmem_shared>>)
      %dma_wait3A_77 = arith.constant 1 : i32
      %dma_wait3A_78 = arith.constant 63 : i32
      %dma_wait3A_79 = arith.constant 1 : i32
      %dma_wait3A_80 = arith.constant 0 : i32
      %dma_wait3A_81 = arith.constant 0 : i32
      %dma_wait3A_82 = tpu.memref_slice %arg8[%dma_wait3A_77, %dma_wait3A_80, %dma_wait3A_81] : memref<2x128x128xf32, #tpu.memory_space<vmem>> -> memref<1x128x128xf32, #tpu.memory_space<vmem>>
      %dma_wait3A_83 = tpu.memref_squeeze %dma_wait3A_82 : memref<1x128x128xf32, #tpu.memory_space<vmem>> -> memref<128x128xf32, #tpu.memory_space<vmem>>
      %dma_wait3A_84 = arith.constant 0 : i32
      %dma_wait3A_85 = tpu.memref_slice %arg7[%dma_wait3A_78, %dma_wait3A_84] : memref<64x128xi32, #tpu.memory_space<vmem>> -> memref<1x128xi32, #tpu.memory_space<vmem>>
      %dma_wait3A_86 = tpu.memref_squeeze %dma_wait3A_85 : memref<1x128xi32, #tpu.memory_space<vmem>> -> memref<128xi32, #tpu.memory_space<vmem>>
      %dma_wait3A_87 = arith.constant 0 : i32
      %dma_wait3A_88 = arith.constant 0 : i32
      %dma_wait3A_89 = tpu.memref_slice %arg9[%dma_wait3A_87, %dma_wait3A_88] : memref<10112x128xf32, #tpu.memory_space<vmem_shared>> -> memref<10112x128xf32, #tpu.memory_space<vmem_shared>>
      %dma_wait3A_90 = tpu.memref_slice %arg11[%dma_wait3A_79] : memref<2x!tpu.dma_semaphore, #tpu.memory_space<semaphore_mem>> -> memref<1x!tpu.dma_semaphore, #tpu.memory_space<semaphore_mem>>
      %dma_wait3A_91 = tpu.memref_squeeze %dma_wait3A_90 : memref<1x!tpu.dma_semaphore, #tpu.memory_space<semaphore_mem>> -> memref<!tpu.dma_semaphore, #tpu.memory_space<semaphore_mem>>
      tpu.wait_indirect_dma semaphore(%dma_wait3A_91 : memref<!tpu.dma_semaphore, #tpu.memory_space<semaphore_mem>>) src(%dma_wait3A_83 : memref<128x128xf32, #tpu.memory_space<vmem>>) dst(%dma_wait3A_89 : memref<10112x128xf32, #tpu.memory_space<vmem_shared>>)
      %mul3A_92 = arith.constant 128 : i32
      %mul3A_93 = arith.muli %arg1, %mul3A_92 : i32
      %add3A_94 = arith.constant 64 : i32
      %add3A_95 = arith.addi %mul3A_93, %add3A_94 : i32
      %multiple_of3A_96 = tpu.assume_multiple %add3A_95, 8 : i32
      "tpu.region"() ({
        %run_scoped3A_162 = tpu.sem_alloc : memref<!tpu.dma_semaphore, #tpu.memory_space<semaphore_mem>>
        %dma_start3A_163 = arith.constant 0 : i32
        %dma_start3A_164 = arith.constant 0 : i32
        %dma_start3A_165 = tpu.memref_slice %arg6[%dma_start3A_163, %dma_start3A_164] : memref<64x128xi32, #tpu.memory_space<vmem>> -> memref<64x128xi32, #tpu.memory_space<vmem>>
        %dma_start3A_166 = arith.constant 0 : i32
        %dma_start3A_167 = tpu.memref_slice %arg3[%multiple_of3A_96, %dma_start3A_166] : memref<2560x128xi32, #tpu.memory_space<hbm>> -> memref<64x128xi32, #tpu.memory_space<hbm>>
        %dma_start3A_168 = arith.constant 0 : i32
        %dma_start3A_169 = arith.constant 0 : i32
        %dma_start3A_170 = tpu.memref_slice %arg6[%dma_start3A_168, %dma_start3A_169] : memref<64x128xi32, #tpu.memory_space<vmem>> -> memref<64x128xi32, #tpu.memory_space<vmem>>
        %dma_start3A_171 = arith.constant 0 : i32
        %dma_start3A_172 = tpu.memref_slice %arg3[%multiple_of3A_96, %dma_start3A_171] : memref<2560x128xi32, #tpu.memory_space<hbm>> -> memref<64x128xi32, #tpu.memory_space<hbm>>
        tpu.enqueue_dma source(%dma_start3A_172 : memref<64x128xi32, #tpu.memory_space<hbm>>) target(%dma_start3A_170 : memref<64x128xi32, #tpu.memory_space<vmem>>) target_semaphore(%run_scoped3A_162 : memref<!tpu.dma_semaphore, #tpu.memory_space<semaphore_mem>>)
        %dma_wait3A_173 = arith.constant 0 : i32
        %dma_wait3A_174 = arith.constant 0 : i32
        %dma_wait3A_175 = tpu.memref_slice %arg6[%dma_wait3A_173, %dma_wait3A_174] : memref<64x128xi32, #tpu.memory_space<vmem>> -> memref<64x128xi32, #tpu.memory_space<vmem>>
        %dma_wait3A_176 = arith.constant 0 : i32
        %dma_wait3A_177 = tpu.memref_slice %arg3[%multiple_of3A_96, %dma_wait3A_176] : memref<2560x128xi32, #tpu.memory_space<hbm>> -> memref<64x128xi32, #tpu.memory_space<hbm>>
        %dma_wait3A_178 = arith.constant 0 : i32
        %dma_wait3A_179 = arith.constant 0 : i32
        %dma_wait3A_180 = tpu.memref_slice %arg6[%dma_wait3A_178, %dma_wait3A_179] : memref<64x128xi32, #tpu.memory_space<vmem>> -> memref<64x128xi32, #tpu.memory_space<vmem>>
        %dma_wait3A_181 = arith.constant 0 : i32
        %dma_wait3A_182 = tpu.memref_slice %arg3[%multiple_of3A_96, %dma_wait3A_181] : memref<2560x128xi32, #tpu.memory_space<hbm>> -> memref<64x128xi32, #tpu.memory_space<hbm>>
        tpu.wait_dma2 semaphore(%run_scoped3A_162 : memref<!tpu.dma_semaphore, #tpu.memory_space<semaphore_mem>>) src(%dma_wait3A_182 : memref<64x128xi32, #tpu.memory_space<hbm>>) dst(%dma_wait3A_180 : memref<64x128xi32, #tpu.memory_space<vmem>>)
        tpu.yield
      }) : () -> ()
      "tpu.region"() ({
        %run_scoped3A_162 = tpu.sem_alloc : memref<!tpu.dma_semaphore, #tpu.memory_space<semaphore_mem>>
        %dma_start3A_163 = arith.constant 0 : i32
        %dma_start3A_164 = arith.constant 0 : i32
        %dma_start3A_165 = tpu.memref_slice %arg7[%dma_start3A_163, %dma_start3A_164] : memref<64x128xi32, #tpu.memory_space<vmem>> -> memref<64x128xi32, #tpu.memory_space<vmem>>
        %dma_start3A_166 = arith.constant 0 : i32
        %dma_start3A_167 = tpu.memref_slice %arg4[%multiple_of3A_96, %dma_start3A_166] : memref<2560x128xi32, #tpu.memory_space<hbm>> -> memref<64x128xi32, #tpu.memory_space<hbm>>
        %dma_start3A_168 = arith.constant 0 : i32
        %dma_start3A_169 = arith.constant 0 : i32
        %dma_start3A_170 = tpu.memref_slice %arg7[%dma_start3A_168, %dma_start3A_169] : memref<64x128xi32, #tpu.memory_space<vmem>> -> memref<64x128xi32, #tpu.memory_space<vmem>>
        %dma_start3A_171 = arith.constant 0 : i32
        %dma_start3A_172 = tpu.memref_slice %arg4[%multiple_of3A_96, %dma_start3A_171] : memref<2560x128xi32, #tpu.memory_space<hbm>> -> memref<64x128xi32, #tpu.memory_space<hbm>>
        tpu.enqueue_dma source(%dma_start3A_172 : memref<64x128xi32, #tpu.memory_space<hbm>>) target(%dma_start3A_170 : memref<64x128xi32, #tpu.memory_space<vmem>>) target_semaphore(%run_scoped3A_162 : memref<!tpu.dma_semaphore, #tpu.memory_space<semaphore_mem>>)
        %dma_wait3A_173 = arith.constant 0 : i32
        %dma_wait3A_174 = arith.constant 0 : i32
        %dma_wait3A_175 = tpu.memref_slice %arg7[%dma_wait3A_173, %dma_wait3A_174] : memref<64x128xi32, #tpu.memory_space<vmem>> -> memref<64x128xi32, #tpu.memory_space<vmem>>
        %dma_wait3A_176 = arith.constant 0 : i32
        %dma_wait3A_177 = tpu.memref_slice %arg4[%multiple_of3A_96, %dma_wait3A_176] : memref<2560x128xi32, #tpu.memory_space<hbm>> -> memref<64x128xi32, #tpu.memory_space<hbm>>
        %dma_wait3A_178 = arith.constant 0 : i32
        %dma_wait3A_179 = arith.constant 0 : i32
        %dma_wait3A_180 = tpu.memref_slice %arg7[%dma_wait3A_178, %dma_wait3A_179] : memref<64x128xi32, #tpu.memory_space<vmem>> -> memref<64x128xi32, #tpu.memory_space<vmem>>
        %dma_wait3A_181 = arith.constant 0 : i32
        %dma_wait3A_182 = tpu.memref_slice %arg4[%multiple_of3A_96, %dma_wait3A_181] : memref<2560x128xi32, #tpu.memory_space<hbm>> -> memref<64x128xi32, #tpu.memory_space<hbm>>
        tpu.wait_dma2 semaphore(%run_scoped3A_162 : memref<!tpu.dma_semaphore, #tpu.memory_space<semaphore_mem>>) src(%dma_wait3A_182 : memref<64x128xi32, #tpu.memory_space<hbm>>) dst(%dma_wait3A_180 : memref<64x128xi32, #tpu.memory_space<vmem>>)
        tpu.yield
      }) : () -> ()
      %dma_start3A_97 = arith.constant 0 : i32
      %dma_start3A_98 = arith.constant 0 : i32
      %dma_start3A_99 = arith.constant 0 : i32
      %dma_start3A_100 = arith.constant 0 : i32
      %dma_start3A_101 = arith.constant 0 : i32
      %dma_start3A_102 = tpu.memref_slice %arg8[%dma_start3A_98, %dma_start3A_100, %dma_start3A_101] : memref<2x128x128xf32, #tpu.memory_space<vmem>> -> memref<1x128x128xf32, #tpu.memory_space<vmem>>
      %dma_start3A_103 = tpu.memref_squeeze %dma_start3A_102 : memref<1x128x128xf32, #tpu.memory_space<vmem>> -> memref<128x128xf32, #tpu.memory_space<vmem>>
      %dma_start3A_104 = arith.constant 0 : i32
      %dma_start3A_105 = tpu.memref_slice %arg6[%dma_start3A_97, %dma_start3A_104] : memref<64x128xi32, #tpu.memory_space<vmem>> -> memref<1x128xi32, #tpu.memory_space<vmem>>
      %dma_start3A_106 = tpu.memref_squeeze %dma_start3A_105 : memref<1x128xi32, #tpu.memory_space<vmem>> -> memref<128xi32, #tpu.memory_space<vmem>>
      %dma_start3A_107 = arith.constant 0 : i32
      %dma_start3A_108 = arith.constant 0 : i32
      %dma_start3A_109 = tpu.memref_slice %arg2[%dma_start3A_107, %dma_start3A_108] : memref<10112x128xf32, #tpu.memory_space<hbm>> -> memref<10112x128xf32, #tpu.memory_space<hbm>>
      %dma_start3A_110 = tpu.memref_slice %arg10[%dma_start3A_99] : memref<2x!tpu.dma_semaphore, #tpu.memory_space<semaphore_mem>> -> memref<1x!tpu.dma_semaphore, #tpu.memory_space<semaphore_mem>>
      %dma_start3A_111 = tpu.memref_squeeze %dma_start3A_110 : memref<1x!tpu.dma_semaphore, #tpu.memory_space<semaphore_mem>> -> memref<!tpu.dma_semaphore, #tpu.memory_space<semaphore_mem>>
      tpu.enqueue_indirect_dma source(%dma_start3A_109 : memref<10112x128xf32, #tpu.memory_space<hbm>>) target(%dma_start3A_103 : memref<128x128xf32, #tpu.memory_space<vmem>>) offsets(%dma_start3A_106 : memref<128xi32, #tpu.memory_space<vmem>>) semaphore(%dma_start3A_111 : memref<!tpu.dma_semaphore, #tpu.memory_space<semaphore_mem>>)
      %dma_start3A_112 = arith.constant 1 : i32
      %dma_start3A_113 = arith.constant 1 : i32
      %dma_start3A_114 = arith.constant 1 : i32
      %dma_start3A_115 = arith.constant 0 : i32
      %dma_start3A_116 = arith.constant 0 : i32
      %dma_start3A_117 = tpu.memref_slice %arg8[%dma_start3A_113, %dma_start3A_115, %dma_start3A_116] : memref<2x128x128xf32, #tpu.memory_space<vmem>> -> memref<1x128x128xf32, #tpu.memory_space<vmem>>
      %dma_start3A_118 = tpu.memref_squeeze %dma_start3A_117 : memref<1x128x128xf32, #tpu.memory_space<vmem>> -> memref<128x128xf32, #tpu.memory_space<vmem>>
      %dma_start3A_119 = arith.constant 0 : i32
      %dma_start3A_120 = tpu.memref_slice %arg6[%dma_start3A_112, %dma_start3A_119] : memref<64x128xi32, #tpu.memory_space<vmem>> -> memref<1x128xi32, #tpu.memory_space<vmem>>
      %dma_start3A_121 = tpu.memref_squeeze %dma_start3A_120 : memref<1x128xi32, #tpu.memory_space<vmem>> -> memref<128xi32, #tpu.memory_space<vmem>>
      %dma_start3A_122 = arith.constant 0 : i32
      %dma_start3A_123 = arith.constant 0 : i32
      %dma_start3A_124 = tpu.memref_slice %arg2[%dma_start3A_122, %dma_start3A_123] : memref<10112x128xf32, #tpu.memory_space<hbm>> -> memref<10112x128xf32, #tpu.memory_space<hbm>>
      %dma_start3A_125 = tpu.memref_slice %arg10[%dma_start3A_114] : memref<2x!tpu.dma_semaphore, #tpu.memory_space<semaphore_mem>> -> memref<1x!tpu.dma_semaphore, #tpu.memory_space<semaphore_mem>>
      %dma_start3A_126 = tpu.memref_squeeze %dma_start3A_125 : memref<1x!tpu.dma_semaphore, #tpu.memory_space<semaphore_mem>> -> memref<!tpu.dma_semaphore, #tpu.memory_space<semaphore_mem>>
      tpu.enqueue_indirect_dma source(%dma_start3A_124 : memref<10112x128xf32, #tpu.memory_space<hbm>>) target(%dma_start3A_118 : memref<128x128xf32, #tpu.memory_space<vmem>>) offsets(%dma_start3A_121 : memref<128xi32, #tpu.memory_space<vmem>>) semaphore(%dma_start3A_126 : memref<!tpu.dma_semaphore, #tpu.memory_space<semaphore_mem>>)
      %scan3A_127 = arith.constant 0 : i32
      %scan3A_128 = arith.constant 64 : i32
      %scan3A_129 = arith.addi %scan3A_127, %scan3A_128 : i32
      %scan3A_130 = arith.constant 1 : i32
      scf.for %scan3A_162 = %scan3A_127 to %scan3A_129 step %scan3A_130  : i32 {
        %mul3A_163 = arith.constant 1 : i32
        %mul3A_164 = arith.muli %scan3A_162, %mul3A_163 : i32
        %add3A_165 = arith.constant 0 : i32
        %add3A_166 = arith.addi %add3A_165, %mul3A_164 : i32
        %rem3A = arith.constant 2 : i32
        %rem3A_167 = arith.remsi %add3A_166, %rem3A : i32
        %dma_wait3A_168 = arith.constant 0 : i32
        %dma_wait3A_169 = arith.constant 0 : i32
        %dma_wait3A_170 = tpu.memref_slice %arg8[%rem3A_167, %dma_wait3A_168, %dma_wait3A_169] : memref<2x128x128xf32, #tpu.memory_space<vmem>> -> memref<1x128x128xf32, #tpu.memory_space<vmem>>
        %dma_wait3A_171 = tpu.memref_squeeze %dma_wait3A_170 : memref<1x128x128xf32, #tpu.memory_space<vmem>> -> memref<128x128xf32, #tpu.memory_space<vmem>>
        %dma_wait3A_172 = arith.constant 0 : i32
        %dma_wait3A_173 = tpu.memref_slice %arg6[%add3A_166, %dma_wait3A_172] : memref<64x128xi32, #tpu.memory_space<vmem>> -> memref<1x128xi32, #tpu.memory_space<vmem>>
        %dma_wait3A_174 = tpu.memref_squeeze %dma_wait3A_173 : memref<1x128xi32, #tpu.memory_space<vmem>> -> memref<128xi32, #tpu.memory_space<vmem>>
        %dma_wait3A_175 = arith.constant 0 : i32
        %dma_wait3A_176 = arith.constant 0 : i32
        %dma_wait3A_177 = tpu.memref_slice %arg2[%dma_wait3A_175, %dma_wait3A_176] : memref<10112x128xf32, #tpu.memory_space<hbm>> -> memref<10112x128xf32, #tpu.memory_space<hbm>>
        %dma_wait3A_178 = tpu.memref_slice %arg10[%rem3A_167] : memref<2x!tpu.dma_semaphore, #tpu.memory_space<semaphore_mem>> -> memref<1x!tpu.dma_semaphore, #tpu.memory_space<semaphore_mem>>
        %dma_wait3A_179 = tpu.memref_squeeze %dma_wait3A_178 : memref<1x!tpu.dma_semaphore, #tpu.memory_space<semaphore_mem>> -> memref<!tpu.dma_semaphore, #tpu.memory_space<semaphore_mem>>
        tpu.wait_indirect_dma semaphore(%dma_wait3A_179 : memref<!tpu.dma_semaphore, #tpu.memory_space<semaphore_mem>>) src(%dma_wait3A_177 : memref<10112x128xf32, #tpu.memory_space<hbm>>) dst(%dma_wait3A_171 : memref<128x128xf32, #tpu.memory_space<vmem>>)
        %dma_start3A_180 = arith.constant 0 : i32
        %dma_start3A_181 = arith.constant 0 : i32
        %dma_start3A_182 = tpu.memref_slice %arg8[%rem3A_167, %dma_start3A_180, %dma_start3A_181] : memref<2x128x128xf32, #tpu.memory_space<vmem>> -> memref<1x128x128xf32, #tpu.memory_space<vmem>>
        %dma_start3A_183 = tpu.memref_squeeze %dma_start3A_182 : memref<1x128x128xf32, #tpu.memory_space<vmem>> -> memref<128x128xf32, #tpu.memory_space<vmem>>
        %dma_start3A_184 = arith.constant 0 : i32
        %dma_start3A_185 = tpu.memref_slice %arg7[%add3A_166, %dma_start3A_184] : memref<64x128xi32, #tpu.memory_space<vmem>> -> memref<1x128xi32, #tpu.memory_space<vmem>>
        %dma_start3A_186 = tpu.memref_squeeze %dma_start3A_185 : memref<1x128xi32, #tpu.memory_space<vmem>> -> memref<128xi32, #tpu.memory_space<vmem>>
        %dma_start3A_187 = arith.constant 0 : i32
        %dma_start3A_188 = arith.constant 0 : i32
        %dma_start3A_189 = tpu.memref_slice %arg9[%dma_start3A_187, %dma_start3A_188] : memref<10112x128xf32, #tpu.memory_space<vmem_shared>> -> memref<10112x128xf32, #tpu.memory_space<vmem_shared>>
        %dma_start3A_190 = tpu.memref_slice %arg11[%rem3A_167] : memref<2x!tpu.dma_semaphore, #tpu.memory_space<semaphore_mem>> -> memref<1x!tpu.dma_semaphore, #tpu.memory_space<semaphore_mem>>
        %dma_start3A_191 = tpu.memref_squeeze %dma_start3A_190 : memref<1x!tpu.dma_semaphore, #tpu.memory_space<semaphore_mem>> -> memref<!tpu.dma_semaphore, #tpu.memory_space<semaphore_mem>>
        tpu.enqueue_indirect_dma source(%dma_start3A_183 : memref<128x128xf32, #tpu.memory_space<vmem>>) target(%dma_start3A_189 : memref<10112x128xf32, #tpu.memory_space<vmem_shared>>) offsets(%dma_start3A_186 : memref<128xi32, #tpu.memory_space<vmem>>) semaphore(%dma_start3A_191 : memref<!tpu.dma_semaphore, #tpu.memory_space<semaphore_mem>>) {add = true}
        %sub3A = arith.constant 1 : i32
        %sub3A_192 = arith.subi %add3A_166, %sub3A : i32
        %ge3A = arith.constant 0 : i32
        %ge3A_193 = arith.cmpi sge, %sub3A_192, %ge3A : i32
        %add3A_194 = arith.constant 2 : i32
        %add3A_195 = arith.addi %sub3A_192, %add3A_194 : i32
        %lt3A = arith.constant 64 : i32
        %lt3A_196 = arith.cmpi slt, %add3A_195, %lt3A : i32
        %and3A = arith.andi %ge3A_193, %lt3A_196 : i1
        %convert_element_type3A_197 = arith.extui %and3A : i1 to i32
        %cond3A_198 = arith.constant 0 : i32
        %cond3A_199 = arith.cmpi ne, %convert_element_type3A_197, %cond3A_198 : i32
        scf.if %cond3A_199 {
          %rem3A_200 = arith.constant 2 : i32
          %rem3A_201 = arith.remsi %sub3A_192, %rem3A_200 : i32
          %dma_wait3A_202 = arith.constant 0 : i32
          %dma_wait3A_203 = arith.constant 0 : i32
          %dma_wait3A_204 = tpu.memref_slice %arg8[%rem3A_201, %dma_wait3A_202, %dma_wait3A_203] : memref<2x128x128xf32, #tpu.memory_space<vmem>> -> memref<1x128x128xf32, #tpu.memory_space<vmem>>
          %dma_wait3A_205 = tpu.memref_squeeze %dma_wait3A_204 : memref<1x128x128xf32, #tpu.memory_space<vmem>> -> memref<128x128xf32, #tpu.memory_space<vmem>>
          %dma_wait3A_206 = arith.constant 0 : i32
          %dma_wait3A_207 = tpu.memref_slice %arg7[%sub3A_192, %dma_wait3A_206] : memref<64x128xi32, #tpu.memory_space<vmem>> -> memref<1x128xi32, #tpu.memory_space<vmem>>
          %dma_wait3A_208 = tpu.memref_squeeze %dma_wait3A_207 : memref<1x128xi32, #tpu.memory_space<vmem>> -> memref<128xi32, #tpu.memory_space<vmem>>
          %dma_wait3A_209 = arith.constant 0 : i32
          %dma_wait3A_210 = arith.constant 0 : i32
          %dma_wait3A_211 = tpu.memref_slice %arg9[%dma_wait3A_209, %dma_wait3A_210] : memref<10112x128xf32, #tpu.memory_space<vmem_shared>> -> memref<10112x128xf32, #tpu.memory_space<vmem_shared>>
          %dma_wait3A_212 = tpu.memref_slice %arg11[%rem3A_201] : memref<2x!tpu.dma_semaphore, #tpu.memory_space<semaphore_mem>> -> memref<1x!tpu.dma_semaphore, #tpu.memory_space<semaphore_mem>>
          %dma_wait3A_213 = tpu.memref_squeeze %dma_wait3A_212 : memref<1x!tpu.dma_semaphore, #tpu.memory_space<semaphore_mem>> -> memref<!tpu.dma_semaphore, #tpu.memory_space<semaphore_mem>>
          tpu.wait_indirect_dma semaphore(%dma_wait3A_213 : memref<!tpu.dma_semaphore, #tpu.memory_space<semaphore_mem>>) src(%dma_wait3A_205 : memref<128x128xf32, #tpu.memory_space<vmem>>) dst(%dma_wait3A_211 : memref<10112x128xf32, #tpu.memory_space<vmem_shared>>)
          %add3A_214 = arith.constant 2 : i32
          %add3A_215 = arith.addi %sub3A_192, %add3A_214 : i32
          %dma_start3A_216 = arith.constant 0 : i32
          %dma_start3A_217 = arith.constant 0 : i32
          %dma_start3A_218 = tpu.memref_slice %arg8[%rem3A_201, %dma_start3A_216, %dma_start3A_217] : memref<2x128x128xf32, #tpu.memory_space<vmem>> -> memref<1x128x128xf32, #tpu.memory_space<vmem>>
          %dma_start3A_219 = tpu.memref_squeeze %dma_start3A_218 : memref<1x128x128xf32, #tpu.memory_space<vmem>> -> memref<128x128xf32, #tpu.memory_space<vmem>>
          %dma_start3A_220 = arith.constant 0 : i32
          %dma_start3A_221 = tpu.memref_slice %arg6[%add3A_215, %dma_start3A_220] : memref<64x128xi32, #tpu.memory_space<vmem>> -> memref<1x128xi32, #tpu.memory_space<vmem>>
          %dma_start3A_222 = tpu.memref_squeeze %dma_start3A_221 : memref<1x128xi32, #tpu.memory_space<vmem>> -> memref<128xi32, #tpu.memory_space<vmem>>
          %dma_start3A_223 = arith.constant 0 : i32
          %dma_start3A_224 = arith.constant 0 : i32
          %dma_start3A_225 = tpu.memref_slice %arg2[%dma_start3A_223, %dma_start3A_224] : memref<10112x128xf32, #tpu.memory_space<hbm>> -> memref<10112x128xf32, #tpu.memory_space<hbm>>
          %dma_start3A_226 = tpu.memref_slice %arg10[%rem3A_201] : memref<2x!tpu.dma_semaphore, #tpu.memory_space<semaphore_mem>> -> memref<1x!tpu.dma_semaphore, #tpu.memory_space<semaphore_mem>>
          %dma_start3A_227 = tpu.memref_squeeze %dma_start3A_226 : memref<1x!tpu.dma_semaphore, #tpu.memory_space<semaphore_mem>> -> memref<!tpu.dma_semaphore, #tpu.memory_space<semaphore_mem>>
          tpu.enqueue_indirect_dma source(%dma_start3A_225 : memref<10112x128xf32, #tpu.memory_space<hbm>>) target(%dma_start3A_219 : memref<128x128xf32, #tpu.memory_space<vmem>>) offsets(%dma_start3A_222 : memref<128xi32, #tpu.memory_space<vmem>>) semaphore(%dma_start3A_227 : memref<!tpu.dma_semaphore, #tpu.memory_space<semaphore_mem>>)
        } else {
        }
      }
      %scan3A_131 = arith.constant 64 : i32
      %dma_wait3A_132 = arith.constant 0 : i32
      %dma_wait3A_133 = arith.constant 62 : i32
      %dma_wait3A_134 = arith.constant 0 : i32
      %dma_wait3A_135 = arith.constant 0 : i32
      %dma_wait3A_136 = arith.constant 0 : i32
      %dma_wait3A_137 = tpu.memref_slice %arg8[%dma_wait3A_132, %dma_wait3A_135, %dma_wait3A_136] : memref<2x128x128xf32, #tpu.memory_space<vmem>> -> memref<1x128x128xf32, #tpu.memory_space<vmem>>
      %dma_wait3A_138 = tpu.memref_squeeze %dma_wait3A_137 : memref<1x128x128xf32, #tpu.memory_space<vmem>> -> memref<128x128xf32, #tpu.memory_space<vmem>>
      %dma_wait3A_139 = arith.constant 0 : i32
      %dma_wait3A_140 = tpu.memref_slice %arg7[%dma_wait3A_133, %dma_wait3A_139] : memref<64x128xi32, #tpu.memory_space<vmem>> -> memref<1x128xi32, #tpu.memory_space<vmem>>
      %dma_wait3A_141 = tpu.memref_squeeze %dma_wait3A_140 : memref<1x128xi32, #tpu.memory_space<vmem>> -> memref<128xi32, #tpu.memory_space<vmem>>
      %dma_wait3A_142 = arith.constant 0 : i32
      %dma_wait3A_143 = arith.constant 0 : i32
      %dma_wait3A_144 = tpu.memref_slice %arg9[%dma_wait3A_142, %dma_wait3A_143] : memref<10112x128xf32, #tpu.memory_space<vmem_shared>> -> memref<10112x128xf32, #tpu.memory_space<vmem_shared>>
      %dma_wait3A_145 = tpu.memref_slice %arg11[%dma_wait3A_134] : memref<2x!tpu.dma_semaphore, #tpu.memory_space<semaphore_mem>> -> memref<1x!tpu.dma_semaphore, #tpu.memory_space<semaphore_mem>>
      %dma_wait3A_146 = tpu.memref_squeeze %dma_wait3A_145 : memref<1x!tpu.dma_semaphore, #tpu.memory_space<semaphore_mem>> -> memref<!tpu.dma_semaphore, #tpu.memory_space<semaphore_mem>>
      tpu.wait_indirect_dma semaphore(%dma_wait3A_146 : memref<!tpu.dma_semaphore, #tpu.memory_space<semaphore_mem>>) src(%dma_wait3A_138 : memref<128x128xf32, #tpu.memory_space<vmem>>) dst(%dma_wait3A_144 : memref<10112x128xf32, #tpu.memory_space<vmem_shared>>)
      %dma_wait3A_147 = arith.constant 1 : i32
      %dma_wait3A_148 = arith.constant 63 : i32
      %dma_wait3A_149 = arith.constant 1 : i32
      %dma_wait3A_150 = arith.constant 0 : i32
      %dma_wait3A_151 = arith.constant 0 : i32
      %dma_wait3A_152 = tpu.memref_slice %arg8[%dma_wait3A_147, %dma_wait3A_150, %dma_wait3A_151] : memref<2x128x128xf32, #tpu.memory_space<vmem>> -> memref<1x128x128xf32, #tpu.memory_space<vmem>>
      %dma_wait3A_153 = tpu.memref_squeeze %dma_wait3A_152 : memref<1x128x128xf32, #tpu.memory_space<vmem>> -> memref<128x128xf32, #tpu.memory_space<vmem>>
      %dma_wait3A_154 = arith.constant 0 : i32
      %dma_wait3A_155 = tpu.memref_slice %arg7[%dma_wait3A_148, %dma_wait3A_154] : memref<64x128xi32, #tpu.memory_space<vmem>> -> memref<1x128xi32, #tpu.memory_space<vmem>>
      %dma_wait3A_156 = tpu.memref_squeeze %dma_wait3A_155 : memref<1x128xi32, #tpu.memory_space<vmem>> -> memref<128xi32, #tpu.memory_space<vmem>>
      %dma_wait3A_157 = arith.constant 0 : i32
      %dma_wait3A_158 = arith.constant 0 : i32
      %dma_wait3A_159 = tpu.memref_slice %arg9[%dma_wait3A_157, %dma_wait3A_158] : memref<10112x128xf32, #tpu.memory_space<vmem_shared>> -> memref<10112x128xf32, #tpu.memory_space<vmem_shared>>
      %dma_wait3A_160 = tpu.memref_slice %arg11[%dma_wait3A_149] : memref<2x!tpu.dma_semaphore, #tpu.memory_space<semaphore_mem>> -> memref<1x!tpu.dma_semaphore, #tpu.memory_space<semaphore_mem>>
      %dma_wait3A_161 = tpu.memref_squeeze %dma_wait3A_160 : memref<1x!tpu.dma_semaphore, #tpu.memory_space<semaphore_mem>> -> memref<!tpu.dma_semaphore, #tpu.memory_space<semaphore_mem>>
      tpu.wait_indirect_dma semaphore(%dma_wait3A_161 : memref<!tpu.dma_semaphore, #tpu.memory_space<semaphore_mem>>) src(%dma_wait3A_153 : memref<128x128xf32, #tpu.memory_space<vmem>>) dst(%dma_wait3A_159 : memref<10112x128xf32, #tpu.memory_space<vmem_shared>>)
    } else {
    }
    %ne3A = arith.constant 1 : i32
    %ne3A_20 = arith.cmpi ne, %arg0, %ne3A : i32
    %convert_element_type3A_21 = arith.extui %ne3A_20 : i1 to i32
    %cond3A_22 = arith.constant 0 : i32
    %cond3A_23 = arith.cmpi ne, %convert_element_type3A_21, %cond3A_22 : i32
    scf.if %cond3A_23 {
      %mul3A_25 = arith.constant 32 : i32
      %mul3A_26 = arith.muli %arg1, %mul3A_25 : i32
      %add3A_27 = arith.constant 2048 : i32
      %add3A_28 = arith.addi %add3A_27, %mul3A_26 : i32
      %multiple_of3A = tpu.assume_multiple %add3A_28, 8 : i32
      "tpu.region"() ({
        %run_scoped3A_92 = tpu.sem_alloc : memref<!tpu.dma_semaphore, #tpu.memory_space<semaphore_mem>>
        %dma_start3A_93 = arith.constant 0 : i32
        %dma_start3A_94 = arith.constant 0 : i32
        %dma_start3A_95 = tpu.memref_slice %arg6[%dma_start3A_93, %dma_start3A_94] : memref<64x128xi32, #tpu.memory_space<vmem>> -> memref<32x128xi32, #tpu.memory_space<vmem>>
        %dma_start3A_96 = arith.constant 0 : i32
        %dma_start3A_97 = tpu.memref_slice %arg3[%multiple_of3A, %dma_start3A_96] : memref<2560x128xi32, #tpu.memory_space<hbm>> -> memref<32x128xi32, #tpu.memory_space<hbm>>
        %dma_start3A_98 = arith.constant 0 : i32
        %dma_start3A_99 = arith.constant 0 : i32
        %dma_start3A_100 = tpu.memref_slice %arg6[%dma_start3A_98, %dma_start3A_99] : memref<64x128xi32, #tpu.memory_space<vmem>> -> memref<32x128xi32, #tpu.memory_space<vmem>>
        %dma_start3A_101 = arith.constant 0 : i32
        %dma_start3A_102 = tpu.memref_slice %arg3[%multiple_of3A, %dma_start3A_101] : memref<2560x128xi32, #tpu.memory_space<hbm>> -> memref<32x128xi32, #tpu.memory_space<hbm>>
        tpu.enqueue_dma source(%dma_start3A_102 : memref<32x128xi32, #tpu.memory_space<hbm>>) target(%dma_start3A_100 : memref<32x128xi32, #tpu.memory_space<vmem>>) target_semaphore(%run_scoped3A_92 : memref<!tpu.dma_semaphore, #tpu.memory_space<semaphore_mem>>)
        %dma_wait3A_103 = arith.constant 0 : i32
        %dma_wait3A_104 = arith.constant 0 : i32
        %dma_wait3A_105 = tpu.memref_slice %arg6[%dma_wait3A_103, %dma_wait3A_104] : memref<64x128xi32, #tpu.memory_space<vmem>> -> memref<32x128xi32, #tpu.memory_space<vmem>>
        %dma_wait3A_106 = arith.constant 0 : i32
        %dma_wait3A_107 = tpu.memref_slice %arg3[%multiple_of3A, %dma_wait3A_106] : memref<2560x128xi32, #tpu.memory_space<hbm>> -> memref<32x128xi32, #tpu.memory_space<hbm>>
        %dma_wait3A_108 = arith.constant 0 : i32
        %dma_wait3A_109 = arith.constant 0 : i32
        %dma_wait3A_110 = tpu.memref_slice %arg6[%dma_wait3A_108, %dma_wait3A_109] : memref<64x128xi32, #tpu.memory_space<vmem>> -> memref<32x128xi32, #tpu.memory_space<vmem>>
        %dma_wait3A_111 = arith.constant 0 : i32
        %dma_wait3A_112 = tpu.memref_slice %arg3[%multiple_of3A, %dma_wait3A_111] : memref<2560x128xi32, #tpu.memory_space<hbm>> -> memref<32x128xi32, #tpu.memory_space<hbm>>
        tpu.wait_dma2 semaphore(%run_scoped3A_92 : memref<!tpu.dma_semaphore, #tpu.memory_space<semaphore_mem>>) src(%dma_wait3A_112 : memref<32x128xi32, #tpu.memory_space<hbm>>) dst(%dma_wait3A_110 : memref<32x128xi32, #tpu.memory_space<vmem>>)
        tpu.yield
      }) : () -> ()
      "tpu.region"() ({
        %run_scoped3A_92 = tpu.sem_alloc : memref<!tpu.dma_semaphore, #tpu.memory_space<semaphore_mem>>
        %dma_start3A_93 = arith.constant 0 : i32
        %dma_start3A_94 = arith.constant 0 : i32
        %dma_start3A_95 = tpu.memref_slice %arg7[%dma_start3A_93, %dma_start3A_94] : memref<64x128xi32, #tpu.memory_space<vmem>> -> memref<32x128xi32, #tpu.memory_space<vmem>>
        %dma_start3A_96 = arith.constant 0 : i32
        %dma_start3A_97 = tpu.memref_slice %arg4[%multiple_of3A, %dma_start3A_96] : memref<2560x128xi32, #tpu.memory_space<hbm>> -> memref<32x128xi32, #tpu.memory_space<hbm>>
        %dma_start3A_98 = arith.constant 0 : i32
        %dma_start3A_99 = arith.constant 0 : i32
        %dma_start3A_100 = tpu.memref_slice %arg7[%dma_start3A_98, %dma_start3A_99] : memref<64x128xi32, #tpu.memory_space<vmem>> -> memref<32x128xi32, #tpu.memory_space<vmem>>
        %dma_start3A_101 = arith.constant 0 : i32
        %dma_start3A_102 = tpu.memref_slice %arg4[%multiple_of3A, %dma_start3A_101] : memref<2560x128xi32, #tpu.memory_space<hbm>> -> memref<32x128xi32, #tpu.memory_space<hbm>>
        tpu.enqueue_dma source(%dma_start3A_102 : memref<32x128xi32, #tpu.memory_space<hbm>>) target(%dma_start3A_100 : memref<32x128xi32, #tpu.memory_space<vmem>>) target_semaphore(%run_scoped3A_92 : memref<!tpu.dma_semaphore, #tpu.memory_space<semaphore_mem>>)
        %dma_wait3A_103 = arith.constant 0 : i32
        %dma_wait3A_104 = arith.constant 0 : i32
        %dma_wait3A_105 = tpu.memref_slice %arg7[%dma_wait3A_103, %dma_wait3A_104] : memref<64x128xi32, #tpu.memory_space<vmem>> -> memref<32x128xi32, #tpu.memory_space<vmem>>
        %dma_wait3A_106 = arith.constant 0 : i32
        %dma_wait3A_107 = tpu.memref_slice %arg4[%multiple_of3A, %dma_wait3A_106] : memref<2560x128xi32, #tpu.memory_space<hbm>> -> memref<32x128xi32, #tpu.memory_space<hbm>>
        %dma_wait3A_108 = arith.constant 0 : i32
        %dma_wait3A_109 = arith.constant 0 : i32
        %dma_wait3A_110 = tpu.memref_slice %arg7[%dma_wait3A_108, %dma_wait3A_109] : memref<64x128xi32, #tpu.memory_space<vmem>> -> memref<32x128xi32, #tpu.memory_space<vmem>>
        %dma_wait3A_111 = arith.constant 0 : i32
        %dma_wait3A_112 = tpu.memref_slice %arg4[%multiple_of3A, %dma_wait3A_111] : memref<2560x128xi32, #tpu.memory_space<hbm>> -> memref<32x128xi32, #tpu.memory_space<hbm>>
        tpu.wait_dma2 semaphore(%run_scoped3A_92 : memref<!tpu.dma_semaphore, #tpu.memory_space<semaphore_mem>>) src(%dma_wait3A_112 : memref<32x128xi32, #tpu.memory_space<hbm>>) dst(%dma_wait3A_110 : memref<32x128xi32, #tpu.memory_space<vmem>>)
        tpu.yield
      }) : () -> ()
      %dma_start3A = arith.constant 0 : i32
      %dma_start3A_29 = arith.constant 0 : i32
      %dma_start3A_30 = arith.constant 0 : i32
      %dma_start3A_31 = arith.constant 0 : i32
      %dma_start3A_32 = arith.constant 0 : i32
      %dma_start3A_33 = tpu.memref_slice %arg8[%dma_start3A_29, %dma_start3A_31, %dma_start3A_32] : memref<2x128x128xf32, #tpu.memory_space<vmem>> -> memref<1x128x128xf32, #tpu.memory_space<vmem>>
      %dma_start3A_34 = tpu.memref_squeeze %dma_start3A_33 : memref<1x128x128xf32, #tpu.memory_space<vmem>> -> memref<128x128xf32, #tpu.memory_space<vmem>>
      %dma_start3A_35 = arith.constant 0 : i32
      %dma_start3A_36 = tpu.memref_slice %arg6[%dma_start3A, %dma_start3A_35] : memref<64x128xi32, #tpu.memory_space<vmem>> -> memref<1x128xi32, #tpu.memory_space<vmem>>
      %dma_start3A_37 = tpu.memref_squeeze %dma_start3A_36 : memref<1x128xi32, #tpu.memory_space<vmem>> -> memref<128xi32, #tpu.memory_space<vmem>>
      %dma_start3A_38 = arith.constant 0 : i32
      %dma_start3A_39 = arith.constant 0 : i32
      %dma_start3A_40 = tpu.memref_slice %arg2[%dma_start3A_38, %dma_start3A_39] : memref<10112x128xf32, #tpu.memory_space<hbm>> -> memref<10112x128xf32, #tpu.memory_space<hbm>>
      %dma_start3A_41 = tpu.memref_slice %arg10[%dma_start3A_30] : memref<2x!tpu.dma_semaphore, #tpu.memory_space<semaphore_mem>> -> memref<1x!tpu.dma_semaphore, #tpu.memory_space<semaphore_mem>>
      %dma_start3A_42 = tpu.memref_squeeze %dma_start3A_41 : memref<1x!tpu.dma_semaphore, #tpu.memory_space<semaphore_mem>> -> memref<!tpu.dma_semaphore, #tpu.memory_space<semaphore_mem>>
      tpu.enqueue_indirect_dma source(%dma_start3A_40 : memref<10112x128xf32, #tpu.memory_space<hbm>>) target(%dma_start3A_34 : memref<128x128xf32, #tpu.memory_space<vmem>>) offsets(%dma_start3A_37 : memref<128xi32, #tpu.memory_space<vmem>>) semaphore(%dma_start3A_42 : memref<!tpu.dma_semaphore, #tpu.memory_space<semaphore_mem>>)
      %dma_start3A_43 = arith.constant 1 : i32
      %dma_start3A_44 = arith.constant 1 : i32
      %dma_start3A_45 = arith.constant 1 : i32
      %dma_start3A_46 = arith.constant 0 : i32
      %dma_start3A_47 = arith.constant 0 : i32
      %dma_start3A_48 = tpu.memref_slice %arg8[%dma_start3A_44, %dma_start3A_46, %dma_start3A_47] : memref<2x128x128xf32, #tpu.memory_space<vmem>> -> memref<1x128x128xf32, #tpu.memory_space<vmem>>
      %dma_start3A_49 = tpu.memref_squeeze %dma_start3A_48 : memref<1x128x128xf32, #tpu.memory_space<vmem>> -> memref<128x128xf32, #tpu.memory_space<vmem>>
      %dma_start3A_50 = arith.constant 0 : i32
      %dma_start3A_51 = tpu.memref_slice %arg6[%dma_start3A_43, %dma_start3A_50] : memref<64x128xi32, #tpu.memory_space<vmem>> -> memref<1x128xi32, #tpu.memory_space<vmem>>
      %dma_start3A_52 = tpu.memref_squeeze %dma_start3A_51 : memref<1x128xi32, #tpu.memory_space<vmem>> -> memref<128xi32, #tpu.memory_space<vmem>>
      %dma_start3A_53 = arith.constant 0 : i32
      %dma_start3A_54 = arith.constant 0 : i32
      %dma_start3A_55 = tpu.memref_slice %arg2[%dma_start3A_53, %dma_start3A_54] : memref<10112x128xf32, #tpu.memory_space<hbm>> -> memref<10112x128xf32, #tpu.memory_space<hbm>>
      %dma_start3A_56 = tpu.memref_slice %arg10[%dma_start3A_45] : memref<2x!tpu.dma_semaphore, #tpu.memory_space<semaphore_mem>> -> memref<1x!tpu.dma_semaphore, #tpu.memory_space<semaphore_mem>>
      %dma_start3A_57 = tpu.memref_squeeze %dma_start3A_56 : memref<1x!tpu.dma_semaphore, #tpu.memory_space<semaphore_mem>> -> memref<!tpu.dma_semaphore, #tpu.memory_space<semaphore_mem>>
      tpu.enqueue_indirect_dma source(%dma_start3A_55 : memref<10112x128xf32, #tpu.memory_space<hbm>>) target(%dma_start3A_49 : memref<128x128xf32, #tpu.memory_space<vmem>>) offsets(%dma_start3A_52 : memref<128xi32, #tpu.memory_space<vmem>>) semaphore(%dma_start3A_57 : memref<!tpu.dma_semaphore, #tpu.memory_space<semaphore_mem>>)
      %scan3A_58 = arith.constant 0 : i32
      %scan3A_59 = arith.constant 32 : i32
      %scan3A_60 = arith.addi %scan3A_58, %scan3A_59 : i32
      %scan3A_61 = arith.constant 1 : i32
      scf.for %scan3A_92 = %scan3A_58 to %scan3A_60 step %scan3A_61  : i32 {
        %mul3A_93 = arith.constant 1 : i32
        %mul3A_94 = arith.muli %scan3A_92, %mul3A_93 : i32
        %add3A_95 = arith.constant 0 : i32
        %add3A_96 = arith.addi %add3A_95, %mul3A_94 : i32
        %rem3A = arith.constant 2 : i32
        %rem3A_97 = arith.remsi %add3A_96, %rem3A : i32
        %dma_wait3A_98 = arith.constant 0 : i32
        %dma_wait3A_99 = arith.constant 0 : i32
        %dma_wait3A_100 = tpu.memref_slice %arg8[%rem3A_97, %dma_wait3A_98, %dma_wait3A_99] : memref<2x128x128xf32, #tpu.memory_space<vmem>> -> memref<1x128x128xf32, #tpu.memory_space<vmem>>
        %dma_wait3A_101 = tpu.memref_squeeze %dma_wait3A_100 : memref<1x128x128xf32, #tpu.memory_space<vmem>> -> memref<128x128xf32, #tpu.memory_space<vmem>>
        %dma_wait3A_102 = arith.constant 0 : i32
        %dma_wait3A_103 = tpu.memref_slice %arg6[%add3A_96, %dma_wait3A_102] : memref<64x128xi32, #tpu.memory_space<vmem>> -> memref<1x128xi32, #tpu.memory_space<vmem>>
        %dma_wait3A_104 = tpu.memref_squeeze %dma_wait3A_103 : memref<1x128xi32, #tpu.memory_space<vmem>> -> memref<128xi32, #tpu.memory_space<vmem>>
        %dma_wait3A_105 = arith.constant 0 : i32
        %dma_wait3A_106 = arith.constant 0 : i32
        %dma_wait3A_107 = tpu.memref_slice %arg2[%dma_wait3A_105, %dma_wait3A_106] : memref<10112x128xf32, #tpu.memory_space<hbm>> -> memref<10112x128xf32, #tpu.memory_space<hbm>>
        %dma_wait3A_108 = tpu.memref_slice %arg10[%rem3A_97] : memref<2x!tpu.dma_semaphore, #tpu.memory_space<semaphore_mem>> -> memref<1x!tpu.dma_semaphore, #tpu.memory_space<semaphore_mem>>
        %dma_wait3A_109 = tpu.memref_squeeze %dma_wait3A_108 : memref<1x!tpu.dma_semaphore, #tpu.memory_space<semaphore_mem>> -> memref<!tpu.dma_semaphore, #tpu.memory_space<semaphore_mem>>
        tpu.wait_indirect_dma semaphore(%dma_wait3A_109 : memref<!tpu.dma_semaphore, #tpu.memory_space<semaphore_mem>>) src(%dma_wait3A_107 : memref<10112x128xf32, #tpu.memory_space<hbm>>) dst(%dma_wait3A_101 : memref<128x128xf32, #tpu.memory_space<vmem>>)
        %dma_start3A_110 = arith.constant 0 : i32
        %dma_start3A_111 = arith.constant 0 : i32
        %dma_start3A_112 = tpu.memref_slice %arg8[%rem3A_97, %dma_start3A_110, %dma_start3A_111] : memref<2x128x128xf32, #tpu.memory_space<vmem>> -> memref<1x128x128xf32, #tpu.memory_space<vmem>>
        %dma_start3A_113 = tpu.memref_squeeze %dma_start3A_112 : memref<1x128x128xf32, #tpu.memory_space<vmem>> -> memref<128x128xf32, #tpu.memory_space<vmem>>
        %dma_start3A_114 = arith.constant 0 : i32
        %dma_start3A_115 = tpu.memref_slice %arg7[%add3A_96, %dma_start3A_114] : memref<64x128xi32, #tpu.memory_space<vmem>> -> memref<1x128xi32, #tpu.memory_space<vmem>>
        %dma_start3A_116 = tpu.memref_squeeze %dma_start3A_115 : memref<1x128xi32, #tpu.memory_space<vmem>> -> memref<128xi32, #tpu.memory_space<vmem>>
        %dma_start3A_117 = arith.constant 0 : i32
        %dma_start3A_118 = arith.constant 0 : i32
        %dma_start3A_119 = tpu.memref_slice %arg9[%dma_start3A_117, %dma_start3A_118] : memref<10112x128xf32, #tpu.memory_space<vmem_shared>> -> memref<10112x128xf32, #tpu.memory_space<vmem_shared>>
        %dma_start3A_120 = tpu.memref_slice %arg11[%rem3A_97] : memref<2x!tpu.dma_semaphore, #tpu.memory_space<semaphore_mem>> -> memref<1x!tpu.dma_semaphore, #tpu.memory_space<semaphore_mem>>
        %dma_start3A_121 = tpu.memref_squeeze %dma_start3A_120 : memref<1x!tpu.dma_semaphore, #tpu.memory_space<semaphore_mem>> -> memref<!tpu.dma_semaphore, #tpu.memory_space<semaphore_mem>>
        tpu.enqueue_indirect_dma source(%dma_start3A_113 : memref<128x128xf32, #tpu.memory_space<vmem>>) target(%dma_start3A_119 : memref<10112x128xf32, #tpu.memory_space<vmem_shared>>) offsets(%dma_start3A_116 : memref<128xi32, #tpu.memory_space<vmem>>) semaphore(%dma_start3A_121 : memref<!tpu.dma_semaphore, #tpu.memory_space<semaphore_mem>>) {add = true}
        %sub3A = arith.constant 1 : i32
        %sub3A_122 = arith.subi %add3A_96, %sub3A : i32
        %ge3A = arith.constant 0 : i32
        %ge3A_123 = arith.cmpi sge, %sub3A_122, %ge3A : i32
        %add3A_124 = arith.constant 2 : i32
        %add3A_125 = arith.addi %sub3A_122, %add3A_124 : i32
        %lt3A = arith.constant 32 : i32
        %lt3A_126 = arith.cmpi slt, %add3A_125, %lt3A : i32
        %and3A = arith.andi %ge3A_123, %lt3A_126 : i1
        %convert_element_type3A_127 = arith.extui %and3A : i1 to i32
        %cond3A_128 = arith.constant 0 : i32
        %cond3A_129 = arith.cmpi ne, %convert_element_type3A_127, %cond3A_128 : i32
        scf.if %cond3A_129 {
          %rem3A_130 = arith.constant 2 : i32
          %rem3A_131 = arith.remsi %sub3A_122, %rem3A_130 : i32
          %dma_wait3A_132 = arith.constant 0 : i32
          %dma_wait3A_133 = arith.constant 0 : i32
          %dma_wait3A_134 = tpu.memref_slice %arg8[%rem3A_131, %dma_wait3A_132, %dma_wait3A_133] : memref<2x128x128xf32, #tpu.memory_space<vmem>> -> memref<1x128x128xf32, #tpu.memory_space<vmem>>
          %dma_wait3A_135 = tpu.memref_squeeze %dma_wait3A_134 : memref<1x128x128xf32, #tpu.memory_space<vmem>> -> memref<128x128xf32, #tpu.memory_space<vmem>>
          %dma_wait3A_136 = arith.constant 0 : i32
          %dma_wait3A_137 = tpu.memref_slice %arg7[%sub3A_122, %dma_wait3A_136] : memref<64x128xi32, #tpu.memory_space<vmem>> -> memref<1x128xi32, #tpu.memory_space<vmem>>
          %dma_wait3A_138 = tpu.memref_squeeze %dma_wait3A_137 : memref<1x128xi32, #tpu.memory_space<vmem>> -> memref<128xi32, #tpu.memory_space<vmem>>
          %dma_wait3A_139 = arith.constant 0 : i32
          %dma_wait3A_140 = arith.constant 0 : i32
          %dma_wait3A_141 = tpu.memref_slice %arg9[%dma_wait3A_139, %dma_wait3A_140] : memref<10112x128xf32, #tpu.memory_space<vmem_shared>> -> memref<10112x128xf32, #tpu.memory_space<vmem_shared>>
          %dma_wait3A_142 = tpu.memref_slice %arg11[%rem3A_131] : memref<2x!tpu.dma_semaphore, #tpu.memory_space<semaphore_mem>> -> memref<1x!tpu.dma_semaphore, #tpu.memory_space<semaphore_mem>>
          %dma_wait3A_143 = tpu.memref_squeeze %dma_wait3A_142 : memref<1x!tpu.dma_semaphore, #tpu.memory_space<semaphore_mem>> -> memref<!tpu.dma_semaphore, #tpu.memory_space<semaphore_mem>>
          tpu.wait_indirect_dma semaphore(%dma_wait3A_143 : memref<!tpu.dma_semaphore, #tpu.memory_space<semaphore_mem>>) src(%dma_wait3A_135 : memref<128x128xf32, #tpu.memory_space<vmem>>) dst(%dma_wait3A_141 : memref<10112x128xf32, #tpu.memory_space<vmem_shared>>)
          %add3A_144 = arith.constant 2 : i32
          %add3A_145 = arith.addi %sub3A_122, %add3A_144 : i32
          %dma_start3A_146 = arith.constant 0 : i32
          %dma_start3A_147 = arith.constant 0 : i32
          %dma_start3A_148 = tpu.memref_slice %arg8[%rem3A_131, %dma_start3A_146, %dma_start3A_147] : memref<2x128x128xf32, #tpu.memory_space<vmem>> -> memref<1x128x128xf32, #tpu.memory_space<vmem>>
          %dma_start3A_149 = tpu.memref_squeeze %dma_start3A_148 : memref<1x128x128xf32, #tpu.memory_space<vmem>> -> memref<128x128xf32, #tpu.memory_space<vmem>>
          %dma_start3A_150 = arith.constant 0 : i32
          %dma_start3A_151 = tpu.memref_slice %arg6[%add3A_145, %dma_start3A_150] : memref<64x128xi32, #tpu.memory_space<vmem>> -> memref<1x128xi32, #tpu.memory_space<vmem>>
          %dma_start3A_152 = tpu.memref_squeeze %dma_start3A_151 : memref<1x128xi32, #tpu.memory_space<vmem>> -> memref<128xi32, #tpu.memory_space<vmem>>
          %dma_start3A_153 = arith.constant 0 : i32
          %dma_start3A_154 = arith.constant 0 : i32
          %dma_start3A_155 = tpu.memref_slice %arg2[%dma_start3A_153, %dma_start3A_154] : memref<10112x128xf32, #tpu.memory_space<hbm>> -> memref<10112x128xf32, #tpu.memory_space<hbm>>
          %dma_start3A_156 = tpu.memref_slice %arg10[%rem3A_131] : memref<2x!tpu.dma_semaphore, #tpu.memory_space<semaphore_mem>> -> memref<1x!tpu.dma_semaphore, #tpu.memory_space<semaphore_mem>>
          %dma_start3A_157 = tpu.memref_squeeze %dma_start3A_156 : memref<1x!tpu.dma_semaphore, #tpu.memory_space<semaphore_mem>> -> memref<!tpu.dma_semaphore, #tpu.memory_space<semaphore_mem>>
          tpu.enqueue_indirect_dma source(%dma_start3A_155 : memref<10112x128xf32, #tpu.memory_space<hbm>>) target(%dma_start3A_149 : memref<128x128xf32, #tpu.memory_space<vmem>>) offsets(%dma_start3A_152 : memref<128xi32, #tpu.memory_space<vmem>>) semaphore(%dma_start3A_157 : memref<!tpu.dma_semaphore, #tpu.memory_space<semaphore_mem>>)
        } else {
        }
      }
      %scan3A_62 = arith.constant 32 : i32
      %dma_wait3A = arith.constant 0 : i32
      %dma_wait3A_63 = arith.constant 30 : i32
      %dma_wait3A_64 = arith.constant 0 : i32
      %dma_wait3A_65 = arith.constant 0 : i32
      %dma_wait3A_66 = arith.constant 0 : i32
      %dma_wait3A_67 = tpu.memref_slice %arg8[%dma_wait3A, %dma_wait3A_65, %dma_wait3A_66] : memref<2x128x128xf32, #tpu.memory_space<vmem>> -> memref<1x128x128xf32, #tpu.memory_space<vmem>>
      %dma_wait3A_68 = tpu.memref_squeeze %dma_wait3A_67 : memref<1x128x128xf32, #tpu.memory_space<vmem>> -> memref<128x128xf32, #tpu.memory_space<vmem>>
      %dma_wait3A_69 = arith.constant 0 : i32
      %dma_wait3A_70 = tpu.memref_slice %arg7[%dma_wait3A_63, %dma_wait3A_69] : memref<64x128xi32, #tpu.memory_space<vmem>> -> memref<1x128xi32, #tpu.memory_space<vmem>>
      %dma_wait3A_71 = tpu.memref_squeeze %dma_wait3A_70 : memref<1x128xi32, #tpu.memory_space<vmem>> -> memref<128xi32, #tpu.memory_space<vmem>>
      %dma_wait3A_72 = arith.constant 0 : i32
      %dma_wait3A_73 = arith.constant 0 : i32
      %dma_wait3A_74 = tpu.memref_slice %arg9[%dma_wait3A_72, %dma_wait3A_73] : memref<10112x128xf32, #tpu.memory_space<vmem_shared>> -> memref<10112x128xf32, #tpu.memory_space<vmem_shared>>
      %dma_wait3A_75 = tpu.memref_slice %arg11[%dma_wait3A_64] : memref<2x!tpu.dma_semaphore, #tpu.memory_space<semaphore_mem>> -> memref<1x!tpu.dma_semaphore, #tpu.memory_space<semaphore_mem>>
      %dma_wait3A_76 = tpu.memref_squeeze %dma_wait3A_75 : memref<1x!tpu.dma_semaphore, #tpu.memory_space<semaphore_mem>> -> memref<!tpu.dma_semaphore, #tpu.memory_space<semaphore_mem>>
      tpu.wait_indirect_dma semaphore(%dma_wait3A_76 : memref<!tpu.dma_semaphore, #tpu.memory_space<semaphore_mem>>) src(%dma_wait3A_68 : memref<128x128xf32, #tpu.memory_space<vmem>>) dst(%dma_wait3A_74 : memref<10112x128xf32, #tpu.memory_space<vmem_shared>>)
      %dma_wait3A_77 = arith.constant 1 : i32
      %dma_wait3A_78 = arith.constant 31 : i32
      %dma_wait3A_79 = arith.constant 1 : i32
      %dma_wait3A_80 = arith.constant 0 : i32
      %dma_wait3A_81 = arith.constant 0 : i32
      %dma_wait3A_82 = tpu.memref_slice %arg8[%dma_wait3A_77, %dma_wait3A_80, %dma_wait3A_81] : memref<2x128x128xf32, #tpu.memory_space<vmem>> -> memref<1x128x128xf32, #tpu.memory_space<vmem>>
      %dma_wait3A_83 = tpu.memref_squeeze %dma_wait3A_82 : memref<1x128x128xf32, #tpu.memory_space<vmem>> -> memref<128x128xf32, #tpu.memory_space<vmem>>
      %dma_wait3A_84 = arith.constant 0 : i32
      %dma_wait3A_85 = tpu.memref_slice %arg7[%dma_wait3A_78, %dma_wait3A_84] : memref<64x128xi32, #tpu.memory_space<vmem>> -> memref<1x128xi32, #tpu.memory_space<vmem>>
      %dma_wait3A_86 = tpu.memref_squeeze %dma_wait3A_85 : memref<1x128xi32, #tpu.memory_space<vmem>> -> memref<128xi32, #tpu.memory_space<vmem>>
      %dma_wait3A_87 = arith.constant 0 : i32
      %dma_wait3A_88 = arith.constant 0 : i32
      %dma_wait3A_89 = tpu.memref_slice %arg9[%dma_wait3A_87, %dma_wait3A_88] : memref<10112x128xf32, #tpu.memory_space<vmem_shared>> -> memref<10112x128xf32, #tpu.memory_space<vmem_shared>>
      %dma_wait3A_90 = tpu.memref_slice %arg11[%dma_wait3A_79] : memref<2x!tpu.dma_semaphore, #tpu.memory_space<semaphore_mem>> -> memref<1x!tpu.dma_semaphore, #tpu.memory_space<semaphore_mem>>
      %dma_wait3A_91 = tpu.memref_squeeze %dma_wait3A_90 : memref<1x!tpu.dma_semaphore, #tpu.memory_space<semaphore_mem>> -> memref<!tpu.dma_semaphore, #tpu.memory_space<semaphore_mem>>
      tpu.wait_indirect_dma semaphore(%dma_wait3A_91 : memref<!tpu.dma_semaphore, #tpu.memory_space<semaphore_mem>>) src(%dma_wait3A_83 : memref<128x128xf32, #tpu.memory_space<vmem>>) dst(%dma_wait3A_89 : memref<10112x128xf32, #tpu.memory_space<vmem_shared>>)
    } else {
    }
    %barrier3A_24 = arith.constant 0 : index
    tpu.barrier barrier_id(%barrier3A_24)
    "tpu.region"() ({
      %run_scoped3A_25 = tpu.sem_alloc : memref<!tpu.dma_semaphore, #tpu.memory_space<semaphore_mem>>
      %dma_start3A = arith.constant 0 : i32
      %dma_start3A_26 = arith.constant 0 : i32
      %dma_start3A_27 = tpu.memref_slice %arg5[%arg0, %dma_start3A, %dma_start3A_26] : memref<2x10112x128xf32, #tpu.memory_space<hbm>> -> memref<1x10112x128xf32, #tpu.memory_space<hbm>>
      %dma_start3A_28 = tpu.memref_squeeze %dma_start3A_27 : memref<1x10112x128xf32, #tpu.memory_space<hbm>> -> memref<10112x128xf32, #tpu.memory_space<hbm>>
      %dma_start3A_29 = arith.constant 0 : i32
      %dma_start3A_30 = tpu.memref_slice %dma_start3A_28[%mul3A_0, %dma_start3A_29] : memref<10112x128xf32, #tpu.memory_space<hbm>> -> memref<632x128xf32, #tpu.memory_space<hbm>>
      %dma_start3A_31 = arith.constant 0 : i32
      %dma_start3A_32 = tpu.memref_slice %arg9[%mul3A_0, %dma_start3A_31] : memref<10112x128xf32, #tpu.memory_space<vmem_shared>> -> memref<632x128xf32, #tpu.memory_space<vmem_shared>>
      tpu.enqueue_dma source(%dma_start3A_32 : memref<632x128xf32, #tpu.memory_space<vmem_shared>>) target(%dma_start3A_30 : memref<632x128xf32, #tpu.memory_space<hbm>>) target_semaphore(%run_scoped3A_25 : memref<!tpu.dma_semaphore, #tpu.memory_space<semaphore_mem>>)
      %dma_wait3A = arith.constant 0 : i32
      %dma_wait3A_33 = arith.constant 0 : i32
      %dma_wait3A_34 = tpu.memref_slice %arg5[%arg0, %dma_wait3A, %dma_wait3A_33] : memref<2x10112x128xf32, #tpu.memory_space<hbm>> -> memref<1x10112x128xf32, #tpu.memory_space<hbm>>
      %dma_wait3A_35 = tpu.memref_squeeze %dma_wait3A_34 : memref<1x10112x128xf32, #tpu.memory_space<hbm>> -> memref<10112x128xf32, #tpu.memory_space<hbm>>
      %dma_wait3A_36 = arith.constant 0 : i32
      %dma_wait3A_37 = tpu.memref_slice %dma_wait3A_35[%mul3A_0, %dma_wait3A_36] : memref<10112x128xf32, #tpu.memory_space<hbm>> -> memref<632x128xf32, #tpu.memory_space<hbm>>
      %dma_wait3A_38 = arith.constant 0 : i32
      %dma_wait3A_39 = tpu.memref_slice %arg9[%mul3A_0, %dma_wait3A_38] : memref<10112x128xf32, #tpu.memory_space<vmem_shared>> -> memref<632x128xf32, #tpu.memory_space<vmem_shared>>
      tpu.wait_dma2 semaphore(%run_scoped3A_25 : memref<!tpu.dma_semaphore, #tpu.memory_space<semaphore_mem>>) src(%dma_wait3A_39 : memref<632x128xf32, #tpu.memory_space<vmem_shared>>) dst(%dma_wait3A_37 : memref<632x128xf32, #tpu.memory_space<hbm>>)
      tpu.yield
    }) : () -> ()
    return
  }
}

#map = affine_map<(d0, d1) -> (0, 0)>
#map1 = affine_map<(d0, d1) -> (0, 0, 0)>
module attributes {stable_mosaic.version = 14 : i64} {
  func.func @_deg_kernel(%arg0: i32, %arg1: i32, %arg2: memref<2560x128xi32, #tpu.memory_space<hbm>>, %arg3: memref<2x10112x128xf32, #tpu.memory_space<hbm>>, %arg4: memref<80x128xi32, #tpu.memory_space<vmem>>, %arg5: memref<128x128xf32, #tpu.memory_space<vmem>>, %arg6: memref<10112x128xf32, #tpu.memory_space<vmem_shared>>) attributes {dimension_semantics = [#tpu.dimension_semantics<core_parallel>, #tpu.dimension_semantics<subcore_parallel>], iteration_bounds = array<i64: 2, 16>, scalar_prefetch = 0 : i64, scratch_operands = 3 : i64, tpu.core_type = #tpu.core_type<sc_vector_subcore>, window_params = [{transform_indices = #map}, {transform_indices = #map1}]} {
    %mul3A = arith.constant 16 : i32
    %mul3A_0 = arith.muli %arg0, %mul3A : i32
    %add3A = arith.addi %mul3A_0, %arg1 : i32
    %mul3A_1 = arith.constant 632 : i32
    %mul3A_2 = arith.muli %arg1, %mul3A_1 : i32
    %scan3A = arith.constant 0 : i32
    %scan3A_3 = arith.constant 128 : i32
    %scan3A_4 = arith.addi %scan3A, %scan3A_3 : i32
    %scan3A_5 = arith.constant 1 : i32
    scf.for %scan3A_30 = %scan3A to %scan3A_4 step %scan3A_5  : i32 {
      %mul3A_31 = arith.constant 1 : i32
      %mul3A_32 = arith.muli %scan3A_30, %mul3A_31 : i32
      %add3A_33 = arith.constant 0 : i32
      %add3A_34 = arith.addi %add3A_33, %mul3A_32 : i32
      %broadcast_in_dim3A = arith.constant 0.000000e+00 : f32
      %broadcast_in_dim3A_35 = vector.broadcast %broadcast_in_dim3A : f32 to vector<128xf32>
      %swap3A = arith.index_cast %add3A_34 : i32 to index
      %swap3A_36 = arith.constant 0 : index
      %swap3A_37 = tpu.vector_load %arg5[%swap3A, %swap3A_36] {strides = array<i32>} : memref<128x128xf32, #tpu.memory_space<vmem>>, vector<1x128xf32>,
      %swap3A_38 = vector.shape_cast %swap3A_37 : vector<1x128xf32> to vector<128xf32>
      %swap3A_39 = vector.shape_cast %broadcast_in_dim3A_35 : vector<128xf32> to vector<1x128xf32>
      tpu.vector_store %arg5[%swap3A, %swap3A_36], %swap3A_39 {strides = array<i32>} : memref<128x128xf32, #tpu.memory_space<vmem>>, vector<1x128xf32>,
    }
    %scan3A_6 = arith.constant 128 : i32
    %add3A_7 = arith.constant 0 : i32
    %add3A_8 = arith.addi %mul3A_2, %add3A_7 : i32
    "tpu.region"() ({
      %run_scoped3A = tpu.sem_alloc : memref<!tpu.dma_semaphore, #tpu.memory_space<semaphore_mem>>
      %dma_start3A = arith.constant 0 : i32
      %dma_start3A_30 = tpu.memref_slice %arg6[%add3A_8, %dma_start3A] : memref<10112x128xf32, #tpu.memory_space<vmem_shared>> -> memref<128x128xf32, #tpu.memory_space<vmem_shared>>
      %dma_start3A_31 = arith.constant 0 : i32
      %dma_start3A_32 = tpu.memref_slice %arg6[%add3A_8, %dma_start3A_31] : memref<10112x128xf32, #tpu.memory_space<vmem_shared>> -> memref<128x128xf32, #tpu.memory_space<vmem_shared>>
      tpu.enqueue_dma source(%arg5 : memref<128x128xf32, #tpu.memory_space<vmem>>) target(%dma_start3A_32 : memref<128x128xf32, #tpu.memory_space<vmem_shared>>) target_semaphore(%run_scoped3A : memref<!tpu.dma_semaphore, #tpu.memory_space<semaphore_mem>>)
      %dma_wait3A = arith.constant 0 : i32
      %dma_wait3A_33 = tpu.memref_slice %arg6[%add3A_8, %dma_wait3A] : memref<10112x128xf32, #tpu.memory_space<vmem_shared>> -> memref<128x128xf32, #tpu.memory_space<vmem_shared>>
      %dma_wait3A_34 = arith.constant 0 : i32
      %dma_wait3A_35 = tpu.memref_slice %arg6[%add3A_8, %dma_wait3A_34] : memref<10112x128xf32, #tpu.memory_space<vmem_shared>> -> memref<128x128xf32, #tpu.memory_space<vmem_shared>>
      tpu.wait_dma2 semaphore(%run_scoped3A : memref<!tpu.dma_semaphore, #tpu.memory_space<semaphore_mem>>) src(%arg5 : memref<128x128xf32, #tpu.memory_space<vmem>>) dst(%dma_wait3A_35 : memref<128x128xf32, #tpu.memory_space<vmem_shared>>)
      tpu.yield
    }) : () -> ()
    %add3A_9 = arith.constant 128 : i32
    %add3A_10 = arith.addi %mul3A_2, %add3A_9 : i32
    "tpu.region"() ({
      %run_scoped3A = tpu.sem_alloc : memref<!tpu.dma_semaphore, #tpu.memory_space<semaphore_mem>>
      %dma_start3A = arith.constant 0 : i32
      %dma_start3A_30 = tpu.memref_slice %arg6[%add3A_10, %dma_start3A] : memref<10112x128xf32, #tpu.memory_space<vmem_shared>> -> memref<128x128xf32, #tpu.memory_space<vmem_shared>>
      %dma_start3A_31 = arith.constant 0 : i32
      %dma_start3A_32 = tpu.memref_slice %arg6[%add3A_10, %dma_start3A_31] : memref<10112x128xf32, #tpu.memory_space<vmem_shared>> -> memref<128x128xf32, #tpu.memory_space<vmem_shared>>
      tpu.enqueue_dma source(%arg5 : memref<128x128xf32, #tpu.memory_space<vmem>>) target(%dma_start3A_32 : memref<128x128xf32, #tpu.memory_space<vmem_shared>>) target_semaphore(%run_scoped3A : memref<!tpu.dma_semaphore, #tpu.memory_space<semaphore_mem>>)
      %dma_wait3A = arith.constant 0 : i32
      %dma_wait3A_33 = tpu.memref_slice %arg6[%add3A_10, %dma_wait3A] : memref<10112x128xf32, #tpu.memory_space<vmem_shared>> -> memref<128x128xf32, #tpu.memory_space<vmem_shared>>
      %dma_wait3A_34 = arith.constant 0 : i32
      %dma_wait3A_35 = tpu.memref_slice %arg6[%add3A_10, %dma_wait3A_34] : memref<10112x128xf32, #tpu.memory_space<vmem_shared>> -> memref<128x128xf32, #tpu.memory_space<vmem_shared>>
      tpu.wait_dma2 semaphore(%run_scoped3A : memref<!tpu.dma_semaphore, #tpu.memory_space<semaphore_mem>>) src(%arg5 : memref<128x128xf32, #tpu.memory_space<vmem>>) dst(%dma_wait3A_35 : memref<128x128xf32, #tpu.memory_space<vmem_shared>>)
      tpu.yield
    }) : () -> ()
    %add3A_11 = arith.constant 256 : i32
    %add3A_12 = arith.addi %mul3A_2, %add3A_11 : i32
    "tpu.region"() ({
      %run_scoped3A = tpu.sem_alloc : memref<!tpu.dma_semaphore, #tpu.memory_space<semaphore_mem>>
      %dma_start3A = arith.constant 0 : i32
      %dma_start3A_30 = tpu.memref_slice %arg6[%add3A_12, %dma_start3A] : memref<10112x128xf32, #tpu.memory_space<vmem_shared>> -> memref<128x128xf32, #tpu.memory_space<vmem_shared>>
      %dma_start3A_31 = arith.constant 0 : i32
      %dma_start3A_32 = tpu.memref_slice %arg6[%add3A_12, %dma_start3A_31] : memref<10112x128xf32, #tpu.memory_space<vmem_shared>> -> memref<128x128xf32, #tpu.memory_space<vmem_shared>>
      tpu.enqueue_dma source(%arg5 : memref<128x128xf32, #tpu.memory_space<vmem>>) target(%dma_start3A_32 : memref<128x128xf32, #tpu.memory_space<vmem_shared>>) target_semaphore(%run_scoped3A : memref<!tpu.dma_semaphore, #tpu.memory_space<semaphore_mem>>)
      %dma_wait3A = arith.constant 0 : i32
      %dma_wait3A_33 = tpu.memref_slice %arg6[%add3A_12, %dma_wait3A] : memref<10112x128xf32, #tpu.memory_space<vmem_shared>> -> memref<128x128xf32, #tpu.memory_space<vmem_shared>>
      %dma_wait3A_34 = arith.constant 0 : i32
      %dma_wait3A_35 = tpu.memref_slice %arg6[%add3A_12, %dma_wait3A_34] : memref<10112x128xf32, #tpu.memory_space<vmem_shared>> -> memref<128x128xf32, #tpu.memory_space<vmem_shared>>
      tpu.wait_dma2 semaphore(%run_scoped3A : memref<!tpu.dma_semaphore, #tpu.memory_space<semaphore_mem>>) src(%arg5 : memref<128x128xf32, #tpu.memory_space<vmem>>) dst(%dma_wait3A_35 : memref<128x128xf32, #tpu.memory_space<vmem_shared>>)
      tpu.yield
    }) : () -> ()
    %add3A_13 = arith.constant 384 : i32
    %add3A_14 = arith.addi %mul3A_2, %add3A_13 : i32
    "tpu.region"() ({
      %run_scoped3A = tpu.sem_alloc : memref<!tpu.dma_semaphore, #tpu.memory_space<semaphore_mem>>
      %dma_start3A = arith.constant 0 : i32
      %dma_start3A_30 = tpu.memref_slice %arg6[%add3A_14, %dma_start3A] : memref<10112x128xf32, #tpu.memory_space<vmem_shared>> -> memref<128x128xf32, #tpu.memory_space<vmem_shared>>
      %dma_start3A_31 = arith.constant 0 : i32
      %dma_start3A_32 = tpu.memref_slice %arg6[%add3A_14, %dma_start3A_31] : memref<10112x128xf32, #tpu.memory_space<vmem_shared>> -> memref<128x128xf32, #tpu.memory_space<vmem_shared>>
      tpu.enqueue_dma source(%arg5 : memref<128x128xf32, #tpu.memory_space<vmem>>) target(%dma_start3A_32 : memref<128x128xf32, #tpu.memory_space<vmem_shared>>) target_semaphore(%run_scoped3A : memref<!tpu.dma_semaphore, #tpu.memory_space<semaphore_mem>>)
      %dma_wait3A = arith.constant 0 : i32
      %dma_wait3A_33 = tpu.memref_slice %arg6[%add3A_14, %dma_wait3A] : memref<10112x128xf32, #tpu.memory_space<vmem_shared>> -> memref<128x128xf32, #tpu.memory_space<vmem_shared>>
      %dma_wait3A_34 = arith.constant 0 : i32
      %dma_wait3A_35 = tpu.memref_slice %arg6[%add3A_14, %dma_wait3A_34] : memref<10112x128xf32, #tpu.memory_space<vmem_shared>> -> memref<128x128xf32, #tpu.memory_space<vmem_shared>>
      tpu.wait_dma2 semaphore(%run_scoped3A : memref<!tpu.dma_semaphore, #tpu.memory_space<semaphore_mem>>) src(%arg5 : memref<128x128xf32, #tpu.memory_space<vmem>>) dst(%dma_wait3A_35 : memref<128x128xf32, #tpu.memory_space<vmem_shared>>)
      tpu.yield
    }) : () -> ()
    %add3A_15 = arith.constant 512 : i32
    %add3A_16 = arith.addi %mul3A_2, %add3A_15 : i32
    "tpu.region"() ({
      %run_scoped3A = tpu.sem_alloc : memref<!tpu.dma_semaphore, #tpu.memory_space<semaphore_mem>>
      %dma_start3A = arith.constant 0 : i32
      %dma_start3A_30 = arith.constant 0 : i32
      %dma_start3A_31 = tpu.memref_slice %arg5[%dma_start3A, %dma_start3A_30] : memref<128x128xf32, #tpu.memory_space<vmem>> -> memref<120x128xf32, #tpu.memory_space<vmem>>
      %dma_start3A_32 = arith.constant 0 : i32
      %dma_start3A_33 = tpu.memref_slice %arg6[%add3A_16, %dma_start3A_32] : memref<10112x128xf32, #tpu.memory_space<vmem_shared>> -> memref<120x128xf32, #tpu.memory_space<vmem_shared>>
      %dma_start3A_34 = arith.constant 0 : i32
      %dma_start3A_35 = tpu.memref_slice %arg6[%add3A_16, %dma_start3A_34] : memref<10112x128xf32, #tpu.memory_space<vmem_shared>> -> memref<120x128xf32, #tpu.memory_space<vmem_shared>>
      %dma_start3A_36 = arith.constant 0 : i32
      %dma_start3A_37 = arith.constant 0 : i32
      %dma_start3A_38 = tpu.memref_slice %arg5[%dma_start3A_36, %dma_start3A_37] : memref<128x128xf32, #tpu.memory_space<vmem>> -> memref<120x128xf32, #tpu.memory_space<vmem>>
      tpu.enqueue_dma source(%dma_start3A_38 : memref<120x128xf32, #tpu.memory_space<vmem>>) target(%dma_start3A_35 : memref<120x128xf32, #tpu.memory_space<vmem_shared>>) target_semaphore(%run_scoped3A : memref<!tpu.dma_semaphore, #tpu.memory_space<semaphore_mem>>)
      %dma_wait3A = arith.constant 0 : i32
      %dma_wait3A_39 = arith.constant 0 : i32
      %dma_wait3A_40 = tpu.memref_slice %arg5[%dma_wait3A, %dma_wait3A_39] : memref<128x128xf32, #tpu.memory_space<vmem>> -> memref<120x128xf32, #tpu.memory_space<vmem>>
      %dma_wait3A_41 = arith.constant 0 : i32
      %dma_wait3A_42 = tpu.memref_slice %arg6[%add3A_16, %dma_wait3A_41] : memref<10112x128xf32, #tpu.memory_space<vmem_shared>> -> memref<120x128xf32, #tpu.memory_space<vmem_shared>>
      %dma_wait3A_43 = arith.constant 0 : i32
      %dma_wait3A_44 = tpu.memref_slice %arg6[%add3A_16, %dma_wait3A_43] : memref<10112x128xf32, #tpu.memory_space<vmem_shared>> -> memref<120x128xf32, #tpu.memory_space<vmem_shared>>
      %dma_wait3A_45 = arith.constant 0 : i32
      %dma_wait3A_46 = arith.constant 0 : i32
      %dma_wait3A_47 = tpu.memref_slice %arg5[%dma_wait3A_45, %dma_wait3A_46] : memref<128x128xf32, #tpu.memory_space<vmem>> -> memref<120x128xf32, #tpu.memory_space<vmem>>
      tpu.wait_dma2 semaphore(%run_scoped3A : memref<!tpu.dma_semaphore, #tpu.memory_space<semaphore_mem>>) src(%dma_wait3A_47 : memref<120x128xf32, #tpu.memory_space<vmem>>) dst(%dma_wait3A_44 : memref<120x128xf32, #tpu.memory_space<vmem_shared>>)
      tpu.yield
    }) : () -> ()
    %scan3A_17 = arith.constant 0 : i32
    %scan3A_18 = arith.constant 128 : i32
    %scan3A_19 = arith.addi %scan3A_17, %scan3A_18 : i32
    %scan3A_20 = arith.constant 1 : i32
    scf.for %scan3A_30 = %scan3A_17 to %scan3A_19 step %scan3A_20  : i32 {
      %mul3A_31 = arith.constant 1 : i32
      %mul3A_32 = arith.muli %scan3A_30, %mul3A_31 : i32
      %add3A_33 = arith.constant 0 : i32
      %add3A_34 = arith.addi %add3A_33, %mul3A_32 : i32
      %broadcast_in_dim3A = arith.constant 1.000000e+00 : f32
      %broadcast_in_dim3A_35 = vector.broadcast %broadcast_in_dim3A : f32 to vector<128xf32>
      %swap3A = arith.index_cast %add3A_34 : i32 to index
      %swap3A_36 = arith.constant 0 : index
      %swap3A_37 = tpu.vector_load %arg5[%swap3A, %swap3A_36] {strides = array<i32>} : memref<128x128xf32, #tpu.memory_space<vmem>>, vector<1x128xf32>,
      %swap3A_38 = vector.shape_cast %swap3A_37 : vector<1x128xf32> to vector<128xf32>
      %swap3A_39 = vector.shape_cast %broadcast_in_dim3A_35 : vector<128xf32> to vector<1x128xf32>
      tpu.vector_store %arg5[%swap3A, %swap3A_36], %swap3A_39 {strides = array<i32>} : memref<128x128xf32, #tpu.memory_space<vmem>>, vector<1x128xf32>,
    }
    %scan3A_21 = arith.constant 128 : i32
    %mul3A_22 = arith.constant 80 : i32
    %mul3A_23 = arith.muli %add3A, %mul3A_22 : i32
    %multiple_of3A = tpu.assume_multiple %mul3A_23, 8 : i32
    "tpu.region"() ({
      %run_scoped3A = tpu.sem_alloc : memref<!tpu.dma_semaphore, #tpu.memory_space<semaphore_mem>>
      %dma_start3A = arith.constant 0 : i32
      %dma_start3A_30 = tpu.memref_slice %arg2[%multiple_of3A, %dma_start3A] : memref<2560x128xi32, #tpu.memory_space<hbm>> -> memref<80x128xi32, #tpu.memory_space<hbm>>
      %dma_start3A_31 = arith.constant 0 : i32
      %dma_start3A_32 = tpu.memref_slice %arg2[%multiple_of3A, %dma_start3A_31] : memref<2560x128xi32, #tpu.memory_space<hbm>> -> memref<80x128xi32, #tpu.memory_space<hbm>>
      tpu.enqueue_dma source(%dma_start3A_32 : memref<80x128xi32, #tpu.memory_space<hbm>>) target(%arg4 : memref<80x128xi32, #tpu.memory_space<vmem>>) target_semaphore(%run_scoped3A : memref<!tpu.dma_semaphore, #tpu.memory_space<semaphore_mem>>)
      %dma_wait3A = arith.constant 0 : i32
      %dma_wait3A_33 = tpu.memref_slice %arg2[%multiple_of3A, %dma_wait3A] : memref<2560x128xi32, #tpu.memory_space<hbm>> -> memref<80x128xi32, #tpu.memory_space<hbm>>
      %dma_wait3A_34 = arith.constant 0 : i32
      %dma_wait3A_35 = tpu.memref_slice %arg2[%multiple_of3A, %dma_wait3A_34] : memref<2560x128xi32, #tpu.memory_space<hbm>> -> memref<80x128xi32, #tpu.memory_space<hbm>>
      tpu.wait_dma2 semaphore(%run_scoped3A : memref<!tpu.dma_semaphore, #tpu.memory_space<semaphore_mem>>) src(%dma_wait3A_35 : memref<80x128xi32, #tpu.memory_space<hbm>>) dst(%arg4 : memref<80x128xi32, #tpu.memory_space<vmem>>)
      tpu.yield
    }) : () -> ()
    %barrier3A = arith.constant 0 : index
    tpu.barrier barrier_id(%barrier3A)
    %scan3A_24 = arith.constant 0 : i32
    %scan3A_25 = arith.constant 80 : i32
    %scan3A_26 = arith.addi %scan3A_24, %scan3A_25 : i32
    %scan3A_27 = arith.constant 1 : i32
    scf.for %scan3A_30 = %scan3A_24 to %scan3A_26 step %scan3A_27  : i32 {
      %mul3A_31 = arith.constant 1 : i32
      %mul3A_32 = arith.muli %scan3A_30, %mul3A_31 : i32
      %add3A_33 = arith.constant 0 : i32
      %add3A_34 = arith.addi %add3A_33, %mul3A_32 : i32
      "tpu.region"() ({
        %run_scoped3A = tpu.sem_alloc : memref<!tpu.dma_semaphore, #tpu.memory_space<semaphore_mem>>
        %dma_start3A = arith.constant 0 : i32
        %dma_start3A_35 = tpu.memref_slice %arg4[%add3A_34, %dma_start3A] : memref<80x128xi32, #tpu.memory_space<vmem>> -> memref<1x128xi32, #tpu.memory_space<vmem>>
        %dma_start3A_36 = tpu.memref_squeeze %dma_start3A_35 : memref<1x128xi32, #tpu.memory_space<vmem>> -> memref<128xi32, #tpu.memory_space<vmem>>
        %dma_start3A_37 = arith.constant 0 : i32
        %dma_start3A_38 = arith.constant 0 : i32
        %dma_start3A_39 = tpu.memref_slice %arg6[%dma_start3A_37, %dma_start3A_38] : memref<10112x128xf32, #tpu.memory_space<vmem_shared>> -> memref<10112x128xf32, #tpu.memory_space<vmem_shared>>
        tpu.enqueue_indirect_dma source(%arg5 : memref<128x128xf32, #tpu.memory_space<vmem>>) target(%dma_start3A_39 : memref<10112x128xf32, #tpu.memory_space<vmem_shared>>) offsets(%dma_start3A_36 : memref<128xi32, #tpu.memory_space<vmem>>) semaphore(%run_scoped3A : memref<!tpu.dma_semaphore, #tpu.memory_space<semaphore_mem>>) {add = true}
        %dma_wait3A = arith.constant 0 : i32
        %dma_wait3A_40 = tpu.memref_slice %arg4[%add3A_34, %dma_wait3A] : memref<80x128xi32, #tpu.memory_space<vmem>> -> memref<1x128xi32, #tpu.memory_space<vmem>>
        %dma_wait3A_41 = tpu.memref_squeeze %dma_wait3A_40 : memref<1x128xi32, #tpu.memory_space<vmem>> -> memref<128xi32, #tpu.memory_space<vmem>>
        %dma_wait3A_42 = arith.constant 0 : i32
        %dma_wait3A_43 = arith.constant 0 : i32
        %dma_wait3A_44 = tpu.memref_slice %arg6[%dma_wait3A_42, %dma_wait3A_43] : memref<10112x128xf32, #tpu.memory_space<vmem_shared>> -> memref<10112x128xf32, #tpu.memory_space<vmem_shared>>
        tpu.wait_indirect_dma semaphore(%run_scoped3A : memref<!tpu.dma_semaphore, #tpu.memory_space<semaphore_mem>>) src(%arg5 : memref<128x128xf32, #tpu.memory_space<vmem>>) dst(%dma_wait3A_44 : memref<10112x128xf32, #tpu.memory_space<vmem_shared>>)
        tpu.yield
      }) : () -> ()
    }
    %scan3A_28 = arith.constant 80 : i32
    %barrier3A_29 = arith.constant 0 : index
    tpu.barrier barrier_id(%barrier3A_29)
    "tpu.region"() ({
      %run_scoped3A = tpu.sem_alloc : memref<!tpu.dma_semaphore, #tpu.memory_space<semaphore_mem>>
      %dma_start3A = arith.constant 0 : i32
      %dma_start3A_30 = arith.constant 0 : i32
      %dma_start3A_31 = tpu.memref_slice %arg3[%arg0, %dma_start3A, %dma_start3A_30] : memref<2x10112x128xf32, #tpu.memory_space<hbm>> -> memref<1x10112x128xf32, #tpu.memory_space<hbm>>
      %dma_start3A_32 = tpu.memref_squeeze %dma_start3A_31 : memref<1x10112x128xf32, #tpu.memory_space<hbm>> -> memref<10112x128xf32, #tpu.memory_space<hbm>>
      %dma_start3A_33 = arith.constant 0 : i32
      %dma_start3A_34 = tpu.memref_slice %dma_start3A_32[%mul3A_2, %dma_start3A_33] : memref<10112x128xf32, #tpu.memory_space<hbm>> -> memref<632x128xf32, #tpu.memory_space<hbm>>
      %dma_start3A_35 = arith.constant 0 : i32
      %dma_start3A_36 = tpu.memref_slice %arg6[%mul3A_2, %dma_start3A_35] : memref<10112x128xf32, #tpu.memory_space<vmem_shared>> -> memref<632x128xf32, #tpu.memory_space<vmem_shared>>
      tpu.enqueue_dma source(%dma_start3A_36 : memref<632x128xf32, #tpu.memory_space<vmem_shared>>) target(%dma_start3A_34 : memref<632x128xf32, #tpu.memory_space<hbm>>) target_semaphore(%run_scoped3A : memref<!tpu.dma_semaphore, #tpu.memory_space<semaphore_mem>>)
      %dma_wait3A = arith.constant 0 : i32
      %dma_wait3A_37 = arith.constant 0 : i32
      %dma_wait3A_38 = tpu.memref_slice %arg3[%arg0, %dma_wait3A, %dma_wait3A_37] : memref<2x10112x128xf32, #tpu.memory_space<hbm>> -> memref<1x10112x128xf32, #tpu.memory_space<hbm>>
      %dma_wait3A_39 = tpu.memref_squeeze %dma_wait3A_38 : memref<1x10112x128xf32, #tpu.memory_space<hbm>> -> memref<10112x128xf32, #tpu.memory_space<hbm>>
      %dma_wait3A_40 = arith.constant 0 : i32
      %dma_wait3A_41 = tpu.memref_slice %dma_wait3A_39[%mul3A_2, %dma_wait3A_40] : memref<10112x128xf32, #tpu.memory_space<hbm>> -> memref<632x128xf32, #tpu.memory_space<hbm>>
      %dma_wait3A_42 = arith.constant 0 : i32
      %dma_wait3A_43 = tpu.memref_slice %arg6[%mul3A_2, %dma_wait3A_42] : memref<10112x128xf32, #tpu.memory_space<vmem_shared>> -> memref<632x128xf32, #tpu.memory_space<vmem_shared>>
      tpu.wait_dma2 semaphore(%run_scoped3A : memref<!tpu.dma_semaphore, #tpu.memory_space<semaphore_mem>>) src(%dma_wait3A_43 : memref<632x128xf32, #tpu.memory_space<vmem_shared>>) dst(%dma_wait3A_41 : memref<632x128xf32, #tpu.memory_space<hbm>>)
      tpu.yield
    }) : () -> ()
    return
  }
}

#map = affine_map<(d0, d1) -> (0, 0)>
#map1 = affine_map<(d0, d1) -> (0, 0, 0)>
module attributes {stable_mosaic.version = 14 : i64} {
  func.func @_msg_kernel(%arg0: i32, %arg1: i32, %arg2: memref<10112x128xf32, #tpu.memory_space<hbm>>, %arg3: memref<2560x128xi32, #tpu.memory_space<hbm>>, %arg4: memref<2560x128xi32, #tpu.memory_space<hbm>>, %arg5: memref<2x10112x128xf32, #tpu.memory_space<hbm>>, %arg6: memref<64x128xi32, #tpu.memory_space<vmem>>, %arg7: memref<64x128xi32, #tpu.memory_space<vmem>>, %arg8: memref<2x128x128xf32, #tpu.memory_space<vmem>>, %arg9: memref<10112x128xf32, #tpu.memory_space<vmem_shared>>, %arg10: memref<2x!tpu.dma_semaphore, #tpu.memory_space<semaphore_mem>>, %arg11: memref<2x!tpu.dma_semaphore, #tpu.memory_space<semaphore_mem>>) attributes {dimension_semantics = [#tpu.dimension_semantics<core_parallel>, #tpu.dimension_semantics<subcore_parallel>], iteration_bounds = array<i64: 2, 16>, scalar_prefetch = 0 : i64, scratch_operands = 6 : i64, tpu.core_type = #tpu.core_type<sc_vector_subcore>, window_params = [{transform_indices = #map}, {transform_indices = #map}, {transform_indices = #map}, {transform_indices = #map1}]} {
    %mul3A = arith.constant 632 : i32
    %mul3A_0 = arith.muli %arg1, %mul3A : i32
    %scan3A = arith.constant 0 : i32
    %scan3A_1 = arith.constant 128 : i32
    %scan3A_2 = arith.addi %scan3A, %scan3A_1 : i32
    %scan3A_3 = arith.constant 1 : i32
    scf.for %scan3A_25 = %scan3A to %scan3A_2 step %scan3A_3  : i32 {
      %mul3A_26 = arith.constant 1 : i32
      %mul3A_27 = arith.muli %scan3A_25, %mul3A_26 : i32
      %add3A_28 = arith.constant 0 : i32
      %add3A_29 = arith.addi %add3A_28, %mul3A_27 : i32
      %scan3A_30 = arith.constant 0 : i32
      %scan3A_31 = arith.constant 8 : i32
      %scan3A_32 = arith.addi %scan3A_30, %scan3A_31 : i32
      %scan3A_33 = arith.constant 1 : i32
      scf.for %scan3A_35 = %scan3A_30 to %scan3A_32 step %scan3A_33  : i32 {
        %mul3A_36 = arith.constant 16 : i32
        %mul3A_37 = arith.muli %scan3A_35, %mul3A_36 : i32
        %add3A_38 = arith.constant 0 : i32
        %add3A_39 = arith.addi %add3A_38, %mul3A_37 : i32
        %broadcast_in_dim3A = arith.constant 0.000000e+00 : f32
        %broadcast_in_dim3A_40 = vector.broadcast %broadcast_in_dim3A : f32 to vector<16xf32>
        %swap3A = arith.constant 0 : i32
        %swap3A_41 = arith.index_cast %swap3A : i32 to index
        %swap3A_42 = arith.index_cast %add3A_29 : i32 to index
        %swap3A_43 = arith.index_cast %add3A_39 : i32 to index
        %swap3A_44 = tpu.vector_load %arg8[%swap3A_41, %swap3A_42, %swap3A_43] {strides = array<i32>} : memref<2x128x128xf32, #tpu.memory_space<vmem>>, vector<1x1x16xf32>,
        %swap3A_45 = vector.shape_cast %swap3A_44 : vector<1x1x16xf32> to vector<16xf32>
        %swap3A_46 = vector.shape_cast %broadcast_in_dim3A_40 : vector<16xf32> to vector<1x1x16xf32>
        tpu.vector_store %arg8[%swap3A_41, %swap3A_42, %swap3A_43], %swap3A_46 {strides = array<i32>} : memref<2x128x128xf32, #tpu.memory_space<vmem>>, vector<1x1x16xf32>,
      }
      %scan3A_34 = arith.constant 8 : i32
    }
    %scan3A_4 = arith.constant 128 : i32
    %add3A = arith.constant 0 : i32
    %add3A_5 = arith.addi %mul3A_0, %add3A : i32
    %run_scoped3A = arith.constant 0 : i32
    "tpu.region"() ({
      %run_scoped3A_25 = tpu.sem_alloc : memref<!tpu.dma_semaphore, #tpu.memory_space<semaphore_mem>>
      %dma_start3A = arith.constant 0 : i32
      %dma_start3A_26 = arith.constant 0 : i32
      %dma_start3A_27 = tpu.memref_slice %arg8[%run_scoped3A, %dma_start3A, %dma_start3A_26] : memref<2x128x128xf32, #tpu.memory_space<vmem>> -> memref<1x128x128xf32, #tpu.memory_space<vmem>>
      %dma_start3A_28 = tpu.memref_squeeze %dma_start3A_27 : memref<1x128x128xf32, #tpu.memory_space<vmem>> -> memref<128x128xf32, #tpu.memory_space<vmem>>
      %dma_start3A_29 = arith.constant 0 : i32
      %dma_start3A_30 = tpu.memref_slice %arg9[%add3A_5, %dma_start3A_29] : memref<10112x128xf32, #tpu.memory_space<vmem_shared>> -> memref<128x128xf32, #tpu.memory_space<vmem_shared>>
      %dma_start3A_31 = arith.constant 0 : i32
      %dma_start3A_32 = tpu.memref_slice %arg9[%add3A_5, %dma_start3A_31] : memref<10112x128xf32, #tpu.memory_space<vmem_shared>> -> memref<128x128xf32, #tpu.memory_space<vmem_shared>>
      %dma_start3A_33 = arith.constant 0 : i32
      %dma_start3A_34 = arith.constant 0 : i32
      %dma_start3A_35 = tpu.memref_slice %arg8[%run_scoped3A, %dma_start3A_33, %dma_start3A_34] : memref<2x128x128xf32, #tpu.memory_space<vmem>> -> memref<1x128x128xf32, #tpu.memory_space<vmem>>
      %dma_start3A_36 = tpu.memref_squeeze %dma_start3A_35 : memref<1x128x128xf32, #tpu.memory_space<vmem>> -> memref<128x128xf32, #tpu.memory_space<vmem>>
      tpu.enqueue_dma source(%dma_start3A_36 : memref<128x128xf32, #tpu.memory_space<vmem>>) target(%dma_start3A_32 : memref<128x128xf32, #tpu.memory_space<vmem_shared>>) target_semaphore(%run_scoped3A_25 : memref<!tpu.dma_semaphore, #tpu.memory_space<semaphore_mem>>)
      %dma_wait3A = arith.constant 0 : i32
      %dma_wait3A_37 = arith.constant 0 : i32
      %dma_wait3A_38 = tpu.memref_slice %arg8[%run_scoped3A, %dma_wait3A, %dma_wait3A_37] : memref<2x128x128xf32, #tpu.memory_space<vmem>> -> memref<1x128x128xf32, #tpu.memory_space<vmem>>
      %dma_wait3A_39 = tpu.memref_squeeze %dma_wait3A_38 : memref<1x128x128xf32, #tpu.memory_space<vmem>> -> memref<128x128xf32, #tpu.memory_space<vmem>>
      %dma_wait3A_40 = arith.constant 0 : i32
      %dma_wait3A_41 = tpu.memref_slice %arg9[%add3A_5, %dma_wait3A_40] : memref<10112x128xf32, #tpu.memory_space<vmem_shared>> -> memref<128x128xf32, #tpu.memory_space<vmem_shared>>
      %dma_wait3A_42 = arith.constant 0 : i32
      %dma_wait3A_43 = tpu.memref_slice %arg9[%add3A_5, %dma_wait3A_42] : memref<10112x128xf32, #tpu.memory_space<vmem_shared>> -> memref<128x128xf32, #tpu.memory_space<vmem_shared>>
      %dma_wait3A_44 = arith.constant 0 : i32
      %dma_wait3A_45 = arith.constant 0 : i32
      %dma_wait3A_46 = tpu.memref_slice %arg8[%run_scoped3A, %dma_wait3A_44, %dma_wait3A_45] : memref<2x128x128xf32, #tpu.memory_space<vmem>> -> memref<1x128x128xf32, #tpu.memory_space<vmem>>
      %dma_wait3A_47 = tpu.memref_squeeze %dma_wait3A_46 : memref<1x128x128xf32, #tpu.memory_space<vmem>> -> memref<128x128xf32, #tpu.memory_space<vmem>>
      tpu.wait_dma2 semaphore(%run_scoped3A_25 : memref<!tpu.dma_semaphore, #tpu.memory_space<semaphore_mem>>) src(%dma_wait3A_47 : memref<128x128xf32, #tpu.memory_space<vmem>>) dst(%dma_wait3A_43 : memref<128x128xf32, #tpu.memory_space<vmem_shared>>)
      tpu.yield
    }) : () -> ()
    %add3A_6 = arith.constant 128 : i32
    %add3A_7 = arith.addi %mul3A_0, %add3A_6 : i32
    %run_scoped3A_8 = arith.constant 0 : i32
    "tpu.region"() ({
      %run_scoped3A_25 = tpu.sem_alloc : memref<!tpu.dma_semaphore, #tpu.memory_space<semaphore_mem>>
      %dma_start3A = arith.constant 0 : i32
      %dma_start3A_26 = arith.constant 0 : i32
      %dma_start3A_27 = tpu.memref_slice %arg8[%run_scoped3A_8, %dma_start3A, %dma_start3A_26] : memref<2x128x128xf32, #tpu.memory_space<vmem>> -> memref<1x128x128xf32, #tpu.memory_space<vmem>>
      %dma_start3A_28 = tpu.memref_squeeze %dma_start3A_27 : memref<1x128x128xf32, #tpu.memory_space<vmem>> -> memref<128x128xf32, #tpu.memory_space<vmem>>
      %dma_start3A_29 = arith.constant 0 : i32
      %dma_start3A_30 = tpu.memref_slice %arg9[%add3A_7, %dma_start3A_29] : memref<10112x128xf32, #tpu.memory_space<vmem_shared>> -> memref<128x128xf32, #tpu.memory_space<vmem_shared>>
      %dma_start3A_31 = arith.constant 0 : i32
      %dma_start3A_32 = tpu.memref_slice %arg9[%add3A_7, %dma_start3A_31] : memref<10112x128xf32, #tpu.memory_space<vmem_shared>> -> memref<128x128xf32, #tpu.memory_space<vmem_shared>>
      %dma_start3A_33 = arith.constant 0 : i32
      %dma_start3A_34 = arith.constant 0 : i32
      %dma_start3A_35 = tpu.memref_slice %arg8[%run_scoped3A_8, %dma_start3A_33, %dma_start3A_34] : memref<2x128x128xf32, #tpu.memory_space<vmem>> -> memref<1x128x128xf32, #tpu.memory_space<vmem>>
      %dma_start3A_36 = tpu.memref_squeeze %dma_start3A_35 : memref<1x128x128xf32, #tpu.memory_space<vmem>> -> memref<128x128xf32, #tpu.memory_space<vmem>>
      tpu.enqueue_dma source(%dma_start3A_36 : memref<128x128xf32, #tpu.memory_space<vmem>>) target(%dma_start3A_32 : memref<128x128xf32, #tpu.memory_space<vmem_shared>>) target_semaphore(%run_scoped3A_25 : memref<!tpu.dma_semaphore, #tpu.memory_space<semaphore_mem>>)
      %dma_wait3A = arith.constant 0 : i32
      %dma_wait3A_37 = arith.constant 0 : i32
      %dma_wait3A_38 = tpu.memref_slice %arg8[%run_scoped3A_8, %dma_wait3A, %dma_wait3A_37] : memref<2x128x128xf32, #tpu.memory_space<vmem>> -> memref<1x128x128xf32, #tpu.memory_space<vmem>>
      %dma_wait3A_39 = tpu.memref_squeeze %dma_wait3A_38 : memref<1x128x128xf32, #tpu.memory_space<vmem>> -> memref<128x128xf32, #tpu.memory_space<vmem>>
      %dma_wait3A_40 = arith.constant 0 : i32
      %dma_wait3A_41 = tpu.memref_slice %arg9[%add3A_7, %dma_wait3A_40] : memref<10112x128xf32, #tpu.memory_space<vmem_shared>> -> memref<128x128xf32, #tpu.memory_space<vmem_shared>>
      %dma_wait3A_42 = arith.constant 0 : i32
      %dma_wait3A_43 = tpu.memref_slice %arg9[%add3A_7, %dma_wait3A_42] : memref<10112x128xf32, #tpu.memory_space<vmem_shared>> -> memref<128x128xf32, #tpu.memory_space<vmem_shared>>
      %dma_wait3A_44 = arith.constant 0 : i32
      %dma_wait3A_45 = arith.constant 0 : i32
      %dma_wait3A_46 = tpu.memref_slice %arg8[%run_scoped3A_8, %dma_wait3A_44, %dma_wait3A_45] : memref<2x128x128xf32, #tpu.memory_space<vmem>> -> memref<1x128x128xf32, #tpu.memory_space<vmem>>
      %dma_wait3A_47 = tpu.memref_squeeze %dma_wait3A_46 : memref<1x128x128xf32, #tpu.memory_space<vmem>> -> memref<128x128xf32, #tpu.memory_space<vmem>>
      tpu.wait_dma2 semaphore(%run_scoped3A_25 : memref<!tpu.dma_semaphore, #tpu.memory_space<semaphore_mem>>) src(%dma_wait3A_47 : memref<128x128xf32, #tpu.memory_space<vmem>>) dst(%dma_wait3A_43 : memref<128x128xf32, #tpu.memory_space<vmem_shared>>)
      tpu.yield
    }) : () -> ()
    %add3A_9 = arith.constant 256 : i32
    %add3A_10 = arith.addi %mul3A_0, %add3A_9 : i32
    %run_scoped3A_11 = arith.constant 0 : i32
    "tpu.region"() ({
      %run_scoped3A_25 = tpu.sem_alloc : memref<!tpu.dma_semaphore, #tpu.memory_space<semaphore_mem>>
      %dma_start3A = arith.constant 0 : i32
      %dma_start3A_26 = arith.constant 0 : i32
      %dma_start3A_27 = tpu.memref_slice %arg8[%run_scoped3A_11, %dma_start3A, %dma_start3A_26] : memref<2x128x128xf32, #tpu.memory_space<vmem>> -> memref<1x128x128xf32, #tpu.memory_space<vmem>>
      %dma_start3A_28 = tpu.memref_squeeze %dma_start3A_27 : memref<1x128x128xf32, #tpu.memory_space<vmem>> -> memref<128x128xf32, #tpu.memory_space<vmem>>
      %dma_start3A_29 = arith.constant 0 : i32
      %dma_start3A_30 = tpu.memref_slice %arg9[%add3A_10, %dma_start3A_29] : memref<10112x128xf32, #tpu.memory_space<vmem_shared>> -> memref<128x128xf32, #tpu.memory_space<vmem_shared>>
      %dma_start3A_31 = arith.constant 0 : i32
      %dma_start3A_32 = tpu.memref_slice %arg9[%add3A_10, %dma_start3A_31] : memref<10112x128xf32, #tpu.memory_space<vmem_shared>> -> memref<128x128xf32, #tpu.memory_space<vmem_shared>>
      %dma_start3A_33 = arith.constant 0 : i32
      %dma_start3A_34 = arith.constant 0 : i32
      %dma_start3A_35 = tpu.memref_slice %arg8[%run_scoped3A_11, %dma_start3A_33, %dma_start3A_34] : memref<2x128x128xf32, #tpu.memory_space<vmem>> -> memref<1x128x128xf32, #tpu.memory_space<vmem>>
      %dma_start3A_36 = tpu.memref_squeeze %dma_start3A_35 : memref<1x128x128xf32, #tpu.memory_space<vmem>> -> memref<128x128xf32, #tpu.memory_space<vmem>>
      tpu.enqueue_dma source(%dma_start3A_36 : memref<128x128xf32, #tpu.memory_space<vmem>>) target(%dma_start3A_32 : memref<128x128xf32, #tpu.memory_space<vmem_shared>>) target_semaphore(%run_scoped3A_25 : memref<!tpu.dma_semaphore, #tpu.memory_space<semaphore_mem>>)
      %dma_wait3A = arith.constant 0 : i32
      %dma_wait3A_37 = arith.constant 0 : i32
      %dma_wait3A_38 = tpu.memref_slice %arg8[%run_scoped3A_11, %dma_wait3A, %dma_wait3A_37] : memref<2x128x128xf32, #tpu.memory_space<vmem>> -> memref<1x128x128xf32, #tpu.memory_space<vmem>>
      %dma_wait3A_39 = tpu.memref_squeeze %dma_wait3A_38 : memref<1x128x128xf32, #tpu.memory_space<vmem>> -> memref<128x128xf32, #tpu.memory_space<vmem>>
      %dma_wait3A_40 = arith.constant 0 : i32
      %dma_wait3A_41 = tpu.memref_slice %arg9[%add3A_10, %dma_wait3A_40] : memref<10112x128xf32, #tpu.memory_space<vmem_shared>> -> memref<128x128xf32, #tpu.memory_space<vmem_shared>>
      %dma_wait3A_42 = arith.constant 0 : i32
      %dma_wait3A_43 = tpu.memref_slice %arg9[%add3A_10, %dma_wait3A_42] : memref<10112x128xf32, #tpu.memory_space<vmem_shared>> -> memref<128x128xf32, #tpu.memory_space<vmem_shared>>
      %dma_wait3A_44 = arith.constant 0 : i32
      %dma_wait3A_45 = arith.constant 0 : i32
      %dma_wait3A_46 = tpu.memref_slice %arg8[%run_scoped3A_11, %dma_wait3A_44, %dma_wait3A_45] : memref<2x128x128xf32, #tpu.memory_space<vmem>> -> memref<1x128x128xf32, #tpu.memory_space<vmem>>
      %dma_wait3A_47 = tpu.memref_squeeze %dma_wait3A_46 : memref<1x128x128xf32, #tpu.memory_space<vmem>> -> memref<128x128xf32, #tpu.memory_space<vmem>>
      tpu.wait_dma2 semaphore(%run_scoped3A_25 : memref<!tpu.dma_semaphore, #tpu.memory_space<semaphore_mem>>) src(%dma_wait3A_47 : memref<128x128xf32, #tpu.memory_space<vmem>>) dst(%dma_wait3A_43 : memref<128x128xf32, #tpu.memory_space<vmem_shared>>)
      tpu.yield
    }) : () -> ()
    %add3A_12 = arith.constant 384 : i32
    %add3A_13 = arith.addi %mul3A_0, %add3A_12 : i32
    %run_scoped3A_14 = arith.constant 0 : i32
    "tpu.region"() ({
      %run_scoped3A_25 = tpu.sem_alloc : memref<!tpu.dma_semaphore, #tpu.memory_space<semaphore_mem>>
      %dma_start3A = arith.constant 0 : i32
      %dma_start3A_26 = arith.constant 0 : i32
      %dma_start3A_27 = tpu.memref_slice %arg8[%run_scoped3A_14, %dma_start3A, %dma_start3A_26] : memref<2x128x128xf32, #tpu.memory_space<vmem>> -> memref<1x128x128xf32, #tpu.memory_space<vmem>>
      %dma_start3A_28 = tpu.memref_squeeze %dma_start3A_27 : memref<1x128x128xf32, #tpu.memory_space<vmem>> -> memref<128x128xf32, #tpu.memory_space<vmem>>
      %dma_start3A_29 = arith.constant 0 : i32
      %dma_start3A_30 = tpu.memref_slice %arg9[%add3A_13, %dma_start3A_29] : memref<10112x128xf32, #tpu.memory_space<vmem_shared>> -> memref<128x128xf32, #tpu.memory_space<vmem_shared>>
      %dma_start3A_31 = arith.constant 0 : i32
      %dma_start3A_32 = tpu.memref_slice %arg9[%add3A_13, %dma_start3A_31] : memref<10112x128xf32, #tpu.memory_space<vmem_shared>> -> memref<128x128xf32, #tpu.memory_space<vmem_shared>>
      %dma_start3A_33 = arith.constant 0 : i32
      %dma_start3A_34 = arith.constant 0 : i32
      %dma_start3A_35 = tpu.memref_slice %arg8[%run_scoped3A_14, %dma_start3A_33, %dma_start3A_34] : memref<2x128x128xf32, #tpu.memory_space<vmem>> -> memref<1x128x128xf32, #tpu.memory_space<vmem>>
      %dma_start3A_36 = tpu.memref_squeeze %dma_start3A_35 : memref<1x128x128xf32, #tpu.memory_space<vmem>> -> memref<128x128xf32, #tpu.memory_space<vmem>>
      tpu.enqueue_dma source(%dma_start3A_36 : memref<128x128xf32, #tpu.memory_space<vmem>>) target(%dma_start3A_32 : memref<128x128xf32, #tpu.memory_space<vmem_shared>>) target_semaphore(%run_scoped3A_25 : memref<!tpu.dma_semaphore, #tpu.memory_space<semaphore_mem>>)
      %dma_wait3A = arith.constant 0 : i32
      %dma_wait3A_37 = arith.constant 0 : i32
      %dma_wait3A_38 = tpu.memref_slice %arg8[%run_scoped3A_14, %dma_wait3A, %dma_wait3A_37] : memref<2x128x128xf32, #tpu.memory_space<vmem>> -> memref<1x128x128xf32, #tpu.memory_space<vmem>>
      %dma_wait3A_39 = tpu.memref_squeeze %dma_wait3A_38 : memref<1x128x128xf32, #tpu.memory_space<vmem>> -> memref<128x128xf32, #tpu.memory_space<vmem>>
      %dma_wait3A_40 = arith.constant 0 : i32
      %dma_wait3A_41 = tpu.memref_slice %arg9[%add3A_13, %dma_wait3A_40] : memref<10112x128xf32, #tpu.memory_space<vmem_shared>> -> memref<128x128xf32, #tpu.memory_space<vmem_shared>>
      %dma_wait3A_42 = arith.constant 0 : i32
      %dma_wait3A_43 = tpu.memref_slice %arg9[%add3A_13, %dma_wait3A_42] : memref<10112x128xf32, #tpu.memory_space<vmem_shared>> -> memref<128x128xf32, #tpu.memory_space<vmem_shared>>
      %dma_wait3A_44 = arith.constant 0 : i32
      %dma_wait3A_45 = arith.constant 0 : i32
      %dma_wait3A_46 = tpu.memref_slice %arg8[%run_scoped3A_14, %dma_wait3A_44, %dma_wait3A_45] : memref<2x128x128xf32, #tpu.memory_space<vmem>> -> memref<1x128x128xf32, #tpu.memory_space<vmem>>
      %dma_wait3A_47 = tpu.memref_squeeze %dma_wait3A_46 : memref<1x128x128xf32, #tpu.memory_space<vmem>> -> memref<128x128xf32, #tpu.memory_space<vmem>>
      tpu.wait_dma2 semaphore(%run_scoped3A_25 : memref<!tpu.dma_semaphore, #tpu.memory_space<semaphore_mem>>) src(%dma_wait3A_47 : memref<128x128xf32, #tpu.memory_space<vmem>>) dst(%dma_wait3A_43 : memref<128x128xf32, #tpu.memory_space<vmem_shared>>)
      tpu.yield
    }) : () -> ()
    %add3A_15 = arith.constant 512 : i32
    %add3A_16 = arith.addi %mul3A_0, %add3A_15 : i32
    %run_scoped3A_17 = arith.constant 0 : i32
    "tpu.region"() ({
      %run_scoped3A_25 = tpu.sem_alloc : memref<!tpu.dma_semaphore, #tpu.memory_space<semaphore_mem>>
      %dma_start3A = arith.constant 0 : i32
      %dma_start3A_26 = arith.constant 0 : i32
      %dma_start3A_27 = tpu.memref_slice %arg8[%run_scoped3A_17, %dma_start3A, %dma_start3A_26] : memref<2x128x128xf32, #tpu.memory_space<vmem>> -> memref<1x128x128xf32, #tpu.memory_space<vmem>>
      %dma_start3A_28 = tpu.memref_squeeze %dma_start3A_27 : memref<1x128x128xf32, #tpu.memory_space<vmem>> -> memref<128x128xf32, #tpu.memory_space<vmem>>
      %dma_start3A_29 = arith.constant 0 : i32
      %dma_start3A_30 = arith.constant 0 : i32
      %dma_start3A_31 = tpu.memref_slice %dma_start3A_28[%dma_start3A_29, %dma_start3A_30] : memref<128x128xf32, #tpu.memory_space<vmem>> -> memref<120x128xf32, #tpu.memory_space<vmem>>
      %dma_start3A_32 = arith.constant 0 : i32
      %dma_start3A_33 = tpu.memref_slice %arg9[%add3A_16, %dma_start3A_32] : memref<10112x128xf32, #tpu.memory_space<vmem_shared>> -> memref<120x128xf32, #tpu.memory_space<vmem_shared>>
      %dma_start3A_34 = arith.constant 0 : i32
      %dma_start3A_35 = tpu.memref_slice %arg9[%add3A_16, %dma_start3A_34] : memref<10112x128xf32, #tpu.memory_space<vmem_shared>> -> memref<120x128xf32, #tpu.memory_space<vmem_shared>>
      %dma_start3A_36 = arith.constant 0 : i32
      %dma_start3A_37 = arith.constant 0 : i32
      %dma_start3A_38 = tpu.memref_slice %arg8[%run_scoped3A_17, %dma_start3A_36, %dma_start3A_37] : memref<2x128x128xf32, #tpu.memory_space<vmem>> -> memref<1x128x128xf32, #tpu.memory_space<vmem>>
      %dma_start3A_39 = tpu.memref_squeeze %dma_start3A_38 : memref<1x128x128xf32, #tpu.memory_space<vmem>> -> memref<128x128xf32, #tpu.memory_space<vmem>>
      %dma_start3A_40 = arith.constant 0 : i32
      %dma_start3A_41 = arith.constant 0 : i32
      %dma_start3A_42 = tpu.memref_slice %dma_start3A_39[%dma_start3A_40, %dma_start3A_41] : memref<128x128xf32, #tpu.memory_space<vmem>> -> memref<120x128xf32, #tpu.memory_space<vmem>>
      tpu.enqueue_dma source(%dma_start3A_42 : memref<120x128xf32, #tpu.memory_space<vmem>>) target(%dma_start3A_35 : memref<120x128xf32, #tpu.memory_space<vmem_shared>>) target_semaphore(%run_scoped3A_25 : memref<!tpu.dma_semaphore, #tpu.memory_space<semaphore_mem>>)
      %dma_wait3A = arith.constant 0 : i32
      %dma_wait3A_43 = arith.constant 0 : i32
      %dma_wait3A_44 = tpu.memref_slice %arg8[%run_scoped3A_17, %dma_wait3A, %dma_wait3A_43] : memref<2x128x128xf32, #tpu.memory_space<vmem>> -> memref<1x128x128xf32, #tpu.memory_space<vmem>>
      %dma_wait3A_45 = tpu.memref_squeeze %dma_wait3A_44 : memref<1x128x128xf32, #tpu.memory_space<vmem>> -> memref<128x128xf32, #tpu.memory_space<vmem>>
      %dma_wait3A_46 = arith.constant 0 : i32
      %dma_wait3A_47 = arith.constant 0 : i32
      %dma_wait3A_48 = tpu.memref_slice %dma_wait3A_45[%dma_wait3A_46, %dma_wait3A_47] : memref<128x128xf32, #tpu.memory_space<vmem>> -> memref<120x128xf32, #tpu.memory_space<vmem>>
      %dma_wait3A_49 = arith.constant 0 : i32
      %dma_wait3A_50 = tpu.memref_slice %arg9[%add3A_16, %dma_wait3A_49] : memref<10112x128xf32, #tpu.memory_space<vmem_shared>> -> memref<120x128xf32, #tpu.memory_space<vmem_shared>>
      %dma_wait3A_51 = arith.constant 0 : i32
      %dma_wait3A_52 = tpu.memref_slice %arg9[%add3A_16, %dma_wait3A_51] : memref<10112x128xf32, #tpu.memory_space<vmem_shared>> -> memref<120x128xf32, #tpu.memory_space<vmem_shared>>
      %dma_wait3A_53 = arith.constant 0 : i32
      %dma_wait3A_54 = arith.constant 0 : i32
      %dma_wait3A_55 = tpu.memref_slice %arg8[%run_scoped3A_17, %dma_wait3A_53, %dma_wait3A_54] : memref<2x128x128xf32, #tpu.memory_space<vmem>> -> memref<1x128x128xf32, #tpu.memory_space<vmem>>
      %dma_wait3A_56 = tpu.memref_squeeze %dma_wait3A_55 : memref<1x128x128xf32, #tpu.memory_space<vmem>> -> memref<128x128xf32, #tpu.memory_space<vmem>>
      %dma_wait3A_57 = arith.constant 0 : i32
      %dma_wait3A_58 = arith.constant 0 : i32
      %dma_wait3A_59 = tpu.memref_slice %dma_wait3A_56[%dma_wait3A_57, %dma_wait3A_58] : memref<128x128xf32, #tpu.memory_space<vmem>> -> memref<120x128xf32, #tpu.memory_space<vmem>>
      tpu.wait_dma2 semaphore(%run_scoped3A_25 : memref<!tpu.dma_semaphore, #tpu.memory_space<semaphore_mem>>) src(%dma_wait3A_59 : memref<120x128xf32, #tpu.memory_space<vmem>>) dst(%dma_wait3A_52 : memref<120x128xf32, #tpu.memory_space<vmem_shared>>)
      tpu.yield
    }) : () -> ()
    %barrier3A = arith.constant 0 : index
    tpu.barrier barrier_id(%barrier3A)
    %eq3A = arith.constant 1 : i32
    %eq3A_18 = arith.cmpi eq, %arg0, %eq3A : i32
    %convert_element_type3A = arith.extui %eq3A_18 : i1 to i32
    %cond3A = arith.constant 0 : i32
    %cond3A_19 = arith.cmpi ne, %convert_element_type3A, %cond3A : i32
    scf.if %cond3A_19 {
      %mul3A_25 = arith.constant 128 : i32
      %mul3A_26 = arith.muli %arg1, %mul3A_25 : i32
      %add3A_27 = arith.constant 0 : i32
      %add3A_28 = arith.addi %mul3A_26, %add3A_27 : i32
      %multiple_of3A = tpu.assume_multiple %add3A_28, 8 : i32
      "tpu.region"() ({
        %run_scoped3A_162 = tpu.sem_alloc : memref<!tpu.dma_semaphore, #tpu.memory_space<semaphore_mem>>
        %dma_start3A_163 = arith.constant 0 : i32
        %dma_start3A_164 = arith.constant 0 : i32
        %dma_start3A_165 = tpu.memref_slice %arg6[%dma_start3A_163, %dma_start3A_164] : memref<64x128xi32, #tpu.memory_space<vmem>> -> memref<64x128xi32, #tpu.memory_space<vmem>>
        %dma_start3A_166 = arith.constant 0 : i32
        %dma_start3A_167 = tpu.memref_slice %arg3[%multiple_of3A, %dma_start3A_166] : memref<2560x128xi32, #tpu.memory_space<hbm>> -> memref<64x128xi32, #tpu.memory_space<hbm>>
        %dma_start3A_168 = arith.constant 0 : i32
        %dma_start3A_169 = arith.constant 0 : i32
        %dma_start3A_170 = tpu.memref_slice %arg6[%dma_start3A_168, %dma_start3A_169] : memref<64x128xi32, #tpu.memory_space<vmem>> -> memref<64x128xi32, #tpu.memory_space<vmem>>
        %dma_start3A_171 = arith.constant 0 : i32
        %dma_start3A_172 = tpu.memref_slice %arg3[%multiple_of3A, %dma_start3A_171] : memref<2560x128xi32, #tpu.memory_space<hbm>> -> memref<64x128xi32, #tpu.memory_space<hbm>>
        tpu.enqueue_dma source(%dma_start3A_172 : memref<64x128xi32, #tpu.memory_space<hbm>>) target(%dma_start3A_170 : memref<64x128xi32, #tpu.memory_space<vmem>>) target_semaphore(%run_scoped3A_162 : memref<!tpu.dma_semaphore, #tpu.memory_space<semaphore_mem>>)
        %dma_wait3A_173 = arith.constant 0 : i32
        %dma_wait3A_174 = arith.constant 0 : i32
        %dma_wait3A_175 = tpu.memref_slice %arg6[%dma_wait3A_173, %dma_wait3A_174] : memref<64x128xi32, #tpu.memory_space<vmem>> -> memref<64x128xi32, #tpu.memory_space<vmem>>
        %dma_wait3A_176 = arith.constant 0 : i32
        %dma_wait3A_177 = tpu.memref_slice %arg3[%multiple_of3A, %dma_wait3A_176] : memref<2560x128xi32, #tpu.memory_space<hbm>> -> memref<64x128xi32, #tpu.memory_space<hbm>>
        %dma_wait3A_178 = arith.constant 0 : i32
        %dma_wait3A_179 = arith.constant 0 : i32
        %dma_wait3A_180 = tpu.memref_slice %arg6[%dma_wait3A_178, %dma_wait3A_179] : memref<64x128xi32, #tpu.memory_space<vmem>> -> memref<64x128xi32, #tpu.memory_space<vmem>>
        %dma_wait3A_181 = arith.constant 0 : i32
        %dma_wait3A_182 = tpu.memref_slice %arg3[%multiple_of3A, %dma_wait3A_181] : memref<2560x128xi32, #tpu.memory_space<hbm>> -> memref<64x128xi32, #tpu.memory_space<hbm>>
        tpu.wait_dma2 semaphore(%run_scoped3A_162 : memref<!tpu.dma_semaphore, #tpu.memory_space<semaphore_mem>>) src(%dma_wait3A_182 : memref<64x128xi32, #tpu.memory_space<hbm>>) dst(%dma_wait3A_180 : memref<64x128xi32, #tpu.memory_space<vmem>>)
        tpu.yield
      }) : () -> ()
      "tpu.region"() ({
        %run_scoped3A_162 = tpu.sem_alloc : memref<!tpu.dma_semaphore, #tpu.memory_space<semaphore_mem>>
        %dma_start3A_163 = arith.constant 0 : i32
        %dma_start3A_164 = arith.constant 0 : i32
        %dma_start3A_165 = tpu.memref_slice %arg7[%dma_start3A_163, %dma_start3A_164] : memref<64x128xi32, #tpu.memory_space<vmem>> -> memref<64x128xi32, #tpu.memory_space<vmem>>
        %dma_start3A_166 = arith.constant 0 : i32
        %dma_start3A_167 = tpu.memref_slice %arg4[%multiple_of3A, %dma_start3A_166] : memref<2560x128xi32, #tpu.memory_space<hbm>> -> memref<64x128xi32, #tpu.memory_space<hbm>>
        %dma_start3A_168 = arith.constant 0 : i32
        %dma_start3A_169 = arith.constant 0 : i32
        %dma_start3A_170 = tpu.memref_slice %arg7[%dma_start3A_168, %dma_start3A_169] : memref<64x128xi32, #tpu.memory_space<vmem>> -> memref<64x128xi32, #tpu.memory_space<vmem>>
        %dma_start3A_171 = arith.constant 0 : i32
        %dma_start3A_172 = tpu.memref_slice %arg4[%multiple_of3A, %dma_start3A_171] : memref<2560x128xi32, #tpu.memory_space<hbm>> -> memref<64x128xi32, #tpu.memory_space<hbm>>
        tpu.enqueue_dma source(%dma_start3A_172 : memref<64x128xi32, #tpu.memory_space<hbm>>) target(%dma_start3A_170 : memref<64x128xi32, #tpu.memory_space<vmem>>) target_semaphore(%run_scoped3A_162 : memref<!tpu.dma_semaphore, #tpu.memory_space<semaphore_mem>>)
        %dma_wait3A_173 = arith.constant 0 : i32
        %dma_wait3A_174 = arith.constant 0 : i32
        %dma_wait3A_175 = tpu.memref_slice %arg7[%dma_wait3A_173, %dma_wait3A_174] : memref<64x128xi32, #tpu.memory_space<vmem>> -> memref<64x128xi32, #tpu.memory_space<vmem>>
        %dma_wait3A_176 = arith.constant 0 : i32
        %dma_wait3A_177 = tpu.memref_slice %arg4[%multiple_of3A, %dma_wait3A_176] : memref<2560x128xi32, #tpu.memory_space<hbm>> -> memref<64x128xi32, #tpu.memory_space<hbm>>
        %dma_wait3A_178 = arith.constant 0 : i32
        %dma_wait3A_179 = arith.constant 0 : i32
        %dma_wait3A_180 = tpu.memref_slice %arg7[%dma_wait3A_178, %dma_wait3A_179] : memref<64x128xi32, #tpu.memory_space<vmem>> -> memref<64x128xi32, #tpu.memory_space<vmem>>
        %dma_wait3A_181 = arith.constant 0 : i32
        %dma_wait3A_182 = tpu.memref_slice %arg4[%multiple_of3A, %dma_wait3A_181] : memref<2560x128xi32, #tpu.memory_space<hbm>> -> memref<64x128xi32, #tpu.memory_space<hbm>>
        tpu.wait_dma2 semaphore(%run_scoped3A_162 : memref<!tpu.dma_semaphore, #tpu.memory_space<semaphore_mem>>) src(%dma_wait3A_182 : memref<64x128xi32, #tpu.memory_space<hbm>>) dst(%dma_wait3A_180 : memref<64x128xi32, #tpu.memory_space<vmem>>)
        tpu.yield
      }) : () -> ()
      %dma_start3A = arith.constant 0 : i32
      %dma_start3A_29 = arith.constant 0 : i32
      %dma_start3A_30 = arith.constant 0 : i32
      %dma_start3A_31 = arith.constant 0 : i32
      %dma_start3A_32 = arith.constant 0 : i32
      %dma_start3A_33 = tpu.memref_slice %arg8[%dma_start3A_29, %dma_start3A_31, %dma_start3A_32] : memref<2x128x128xf32, #tpu.memory_space<vmem>> -> memref<1x128x128xf32, #tpu.memory_space<vmem>>
      %dma_start3A_34 = tpu.memref_squeeze %dma_start3A_33 : memref<1x128x128xf32, #tpu.memory_space<vmem>> -> memref<128x128xf32, #tpu.memory_space<vmem>>
      %dma_start3A_35 = arith.constant 0 : i32
      %dma_start3A_36 = tpu.memref_slice %arg6[%dma_start3A, %dma_start3A_35] : memref<64x128xi32, #tpu.memory_space<vmem>> -> memref<1x128xi32, #tpu.memory_space<vmem>>
      %dma_start3A_37 = tpu.memref_squeeze %dma_start3A_36 : memref<1x128xi32, #tpu.memory_space<vmem>> -> memref<128xi32, #tpu.memory_space<vmem>>
      %dma_start3A_38 = arith.constant 0 : i32
      %dma_start3A_39 = arith.constant 0 : i32
      %dma_start3A_40 = tpu.memref_slice %arg2[%dma_start3A_38, %dma_start3A_39] : memref<10112x128xf32, #tpu.memory_space<hbm>> -> memref<10112x128xf32, #tpu.memory_space<hbm>>
      %dma_start3A_41 = tpu.memref_slice %arg10[%dma_start3A_30] : memref<2x!tpu.dma_semaphore, #tpu.memory_space<semaphore_mem>> -> memref<1x!tpu.dma_semaphore, #tpu.memory_space<semaphore_mem>>
      %dma_start3A_42 = tpu.memref_squeeze %dma_start3A_41 : memref<1x!tpu.dma_semaphore, #tpu.memory_space<semaphore_mem>> -> memref<!tpu.dma_semaphore, #tpu.memory_space<semaphore_mem>>
      tpu.enqueue_indirect_dma source(%dma_start3A_40 : memref<10112x128xf32, #tpu.memory_space<hbm>>) target(%dma_start3A_34 : memref<128x128xf32, #tpu.memory_space<vmem>>) offsets(%dma_start3A_37 : memref<128xi32, #tpu.memory_space<vmem>>) semaphore(%dma_start3A_42 : memref<!tpu.dma_semaphore, #tpu.memory_space<semaphore_mem>>)
      %dma_start3A_43 = arith.constant 1 : i32
      %dma_start3A_44 = arith.constant 1 : i32
      %dma_start3A_45 = arith.constant 1 : i32
      %dma_start3A_46 = arith.constant 0 : i32
      %dma_start3A_47 = arith.constant 0 : i32
      %dma_start3A_48 = tpu.memref_slice %arg8[%dma_start3A_44, %dma_start3A_46, %dma_start3A_47] : memref<2x128x128xf32, #tpu.memory_space<vmem>> -> memref<1x128x128xf32, #tpu.memory_space<vmem>>
      %dma_start3A_49 = tpu.memref_squeeze %dma_start3A_48 : memref<1x128x128xf32, #tpu.memory_space<vmem>> -> memref<128x128xf32, #tpu.memory_space<vmem>>
      %dma_start3A_50 = arith.constant 0 : i32
      %dma_start3A_51 = tpu.memref_slice %arg6[%dma_start3A_43, %dma_start3A_50] : memref<64x128xi32, #tpu.memory_space<vmem>> -> memref<1x128xi32, #tpu.memory_space<vmem>>
      %dma_start3A_52 = tpu.memref_squeeze %dma_start3A_51 : memref<1x128xi32, #tpu.memory_space<vmem>> -> memref<128xi32, #tpu.memory_space<vmem>>
      %dma_start3A_53 = arith.constant 0 : i32
      %dma_start3A_54 = arith.constant 0 : i32
      %dma_start3A_55 = tpu.memref_slice %arg2[%dma_start3A_53, %dma_start3A_54] : memref<10112x128xf32, #tpu.memory_space<hbm>> -> memref<10112x128xf32, #tpu.memory_space<hbm>>
      %dma_start3A_56 = tpu.memref_slice %arg10[%dma_start3A_45] : memref<2x!tpu.dma_semaphore, #tpu.memory_space<semaphore_mem>> -> memref<1x!tpu.dma_semaphore, #tpu.memory_space<semaphore_mem>>
      %dma_start3A_57 = tpu.memref_squeeze %dma_start3A_56 : memref<1x!tpu.dma_semaphore, #tpu.memory_space<semaphore_mem>> -> memref<!tpu.dma_semaphore, #tpu.memory_space<semaphore_mem>>
      tpu.enqueue_indirect_dma source(%dma_start3A_55 : memref<10112x128xf32, #tpu.memory_space<hbm>>) target(%dma_start3A_49 : memref<128x128xf32, #tpu.memory_space<vmem>>) offsets(%dma_start3A_52 : memref<128xi32, #tpu.memory_space<vmem>>) semaphore(%dma_start3A_57 : memref<!tpu.dma_semaphore, #tpu.memory_space<semaphore_mem>>)
      %scan3A_58 = arith.constant 0 : i32
      %scan3A_59 = arith.constant 64 : i32
      %scan3A_60 = arith.addi %scan3A_58, %scan3A_59 : i32
      %scan3A_61 = arith.constant 1 : i32
      scf.for %scan3A_162 = %scan3A_58 to %scan3A_60 step %scan3A_61  : i32 {
        %mul3A_163 = arith.constant 1 : i32
        %mul3A_164 = arith.muli %scan3A_162, %mul3A_163 : i32
        %add3A_165 = arith.constant 0 : i32
        %add3A_166 = arith.addi %add3A_165, %mul3A_164 : i32
        %rem3A = arith.constant 2 : i32
        %rem3A_167 = arith.remsi %add3A_166, %rem3A : i32
        %dma_wait3A_168 = arith.constant 0 : i32
        %dma_wait3A_169 = arith.constant 0 : i32
        %dma_wait3A_170 = tpu.memref_slice %arg8[%rem3A_167, %dma_wait3A_168, %dma_wait3A_169] : memref<2x128x128xf32, #tpu.memory_space<vmem>> -> memref<1x128x128xf32, #tpu.memory_space<vmem>>
        %dma_wait3A_171 = tpu.memref_squeeze %dma_wait3A_170 : memref<1x128x128xf32, #tpu.memory_space<vmem>> -> memref<128x128xf32, #tpu.memory_space<vmem>>
        %dma_wait3A_172 = arith.constant 0 : i32
        %dma_wait3A_173 = tpu.memref_slice %arg6[%add3A_166, %dma_wait3A_172] : memref<64x128xi32, #tpu.memory_space<vmem>> -> memref<1x128xi32, #tpu.memory_space<vmem>>
        %dma_wait3A_174 = tpu.memref_squeeze %dma_wait3A_173 : memref<1x128xi32, #tpu.memory_space<vmem>> -> memref<128xi32, #tpu.memory_space<vmem>>
        %dma_wait3A_175 = arith.constant 0 : i32
        %dma_wait3A_176 = arith.constant 0 : i32
        %dma_wait3A_177 = tpu.memref_slice %arg2[%dma_wait3A_175, %dma_wait3A_176] : memref<10112x128xf32, #tpu.memory_space<hbm>> -> memref<10112x128xf32, #tpu.memory_space<hbm>>
        %dma_wait3A_178 = tpu.memref_slice %arg10[%rem3A_167] : memref<2x!tpu.dma_semaphore, #tpu.memory_space<semaphore_mem>> -> memref<1x!tpu.dma_semaphore, #tpu.memory_space<semaphore_mem>>
        %dma_wait3A_179 = tpu.memref_squeeze %dma_wait3A_178 : memref<1x!tpu.dma_semaphore, #tpu.memory_space<semaphore_mem>> -> memref<!tpu.dma_semaphore, #tpu.memory_space<semaphore_mem>>
        tpu.wait_indirect_dma semaphore(%dma_wait3A_179 : memref<!tpu.dma_semaphore, #tpu.memory_space<semaphore_mem>>) src(%dma_wait3A_177 : memref<10112x128xf32, #tpu.memory_space<hbm>>) dst(%dma_wait3A_171 : memref<128x128xf32, #tpu.memory_space<vmem>>)
        %dma_start3A_180 = arith.constant 0 : i32
        %dma_start3A_181 = arith.constant 0 : i32
        %dma_start3A_182 = tpu.memref_slice %arg8[%rem3A_167, %dma_start3A_180, %dma_start3A_181] : memref<2x128x128xf32, #tpu.memory_space<vmem>> -> memref<1x128x128xf32, #tpu.memory_space<vmem>>
        %dma_start3A_183 = tpu.memref_squeeze %dma_start3A_182 : memref<1x128x128xf32, #tpu.memory_space<vmem>> -> memref<128x128xf32, #tpu.memory_space<vmem>>
        %dma_start3A_184 = arith.constant 0 : i32
        %dma_start3A_185 = tpu.memref_slice %arg7[%add3A_166, %dma_start3A_184] : memref<64x128xi32, #tpu.memory_space<vmem>> -> memref<1x128xi32, #tpu.memory_space<vmem>>
        %dma_start3A_186 = tpu.memref_squeeze %dma_start3A_185 : memref<1x128xi32, #tpu.memory_space<vmem>> -> memref<128xi32, #tpu.memory_space<vmem>>
        %dma_start3A_187 = arith.constant 0 : i32
        %dma_start3A_188 = arith.constant 0 : i32
        %dma_start3A_189 = tpu.memref_slice %arg9[%dma_start3A_187, %dma_start3A_188] : memref<10112x128xf32, #tpu.memory_space<vmem_shared>> -> memref<10112x128xf32, #tpu.memory_space<vmem_shared>>
        %dma_start3A_190 = tpu.memref_slice %arg11[%rem3A_167] : memref<2x!tpu.dma_semaphore, #tpu.memory_space<semaphore_mem>> -> memref<1x!tpu.dma_semaphore, #tpu.memory_space<semaphore_mem>>
        %dma_start3A_191 = tpu.memref_squeeze %dma_start3A_190 : memref<1x!tpu.dma_semaphore, #tpu.memory_space<semaphore_mem>> -> memref<!tpu.dma_semaphore, #tpu.memory_space<semaphore_mem>>
        tpu.enqueue_indirect_dma source(%dma_start3A_183 : memref<128x128xf32, #tpu.memory_space<vmem>>) target(%dma_start3A_189 : memref<10112x128xf32, #tpu.memory_space<vmem_shared>>) offsets(%dma_start3A_186 : memref<128xi32, #tpu.memory_space<vmem>>) semaphore(%dma_start3A_191 : memref<!tpu.dma_semaphore, #tpu.memory_space<semaphore_mem>>) {add = true}
        %sub3A = arith.constant 1 : i32
        %sub3A_192 = arith.subi %add3A_166, %sub3A : i32
        %ge3A = arith.constant 0 : i32
        %ge3A_193 = arith.cmpi sge, %sub3A_192, %ge3A : i32
        %add3A_194 = arith.constant 2 : i32
        %add3A_195 = arith.addi %sub3A_192, %add3A_194 : i32
        %lt3A = arith.constant 64 : i32
        %lt3A_196 = arith.cmpi slt, %add3A_195, %lt3A : i32
        %and3A = arith.andi %ge3A_193, %lt3A_196 : i1
        %convert_element_type3A_197 = arith.extui %and3A : i1 to i32
        %cond3A_198 = arith.constant 0 : i32
        %cond3A_199 = arith.cmpi ne, %convert_element_type3A_197, %cond3A_198 : i32
        scf.if %cond3A_199 {
          %rem3A_200 = arith.constant 2 : i32
          %rem3A_201 = arith.remsi %sub3A_192, %rem3A_200 : i32
          %dma_wait3A_202 = arith.constant 0 : i32
          %dma_wait3A_203 = arith.constant 0 : i32
          %dma_wait3A_204 = tpu.memref_slice %arg8[%rem3A_201, %dma_wait3A_202, %dma_wait3A_203] : memref<2x128x128xf32, #tpu.memory_space<vmem>> -> memref<1x128x128xf32, #tpu.memory_space<vmem>>
          %dma_wait3A_205 = tpu.memref_squeeze %dma_wait3A_204 : memref<1x128x128xf32, #tpu.memory_space<vmem>> -> memref<128x128xf32, #tpu.memory_space<vmem>>
          %dma_wait3A_206 = arith.constant 0 : i32
          %dma_wait3A_207 = tpu.memref_slice %arg7[%sub3A_192, %dma_wait3A_206] : memref<64x128xi32, #tpu.memory_space<vmem>> -> memref<1x128xi32, #tpu.memory_space<vmem>>
          %dma_wait3A_208 = tpu.memref_squeeze %dma_wait3A_207 : memref<1x128xi32, #tpu.memory_space<vmem>> -> memref<128xi32, #tpu.memory_space<vmem>>
          %dma_wait3A_209 = arith.constant 0 : i32
          %dma_wait3A_210 = arith.constant 0 : i32
          %dma_wait3A_211 = tpu.memref_slice %arg9[%dma_wait3A_209, %dma_wait3A_210] : memref<10112x128xf32, #tpu.memory_space<vmem_shared>> -> memref<10112x128xf32, #tpu.memory_space<vmem_shared>>
          %dma_wait3A_212 = tpu.memref_slice %arg11[%rem3A_201] : memref<2x!tpu.dma_semaphore, #tpu.memory_space<semaphore_mem>> -> memref<1x!tpu.dma_semaphore, #tpu.memory_space<semaphore_mem>>
          %dma_wait3A_213 = tpu.memref_squeeze %dma_wait3A_212 : memref<1x!tpu.dma_semaphore, #tpu.memory_space<semaphore_mem>> -> memref<!tpu.dma_semaphore, #tpu.memory_space<semaphore_mem>>
          tpu.wait_indirect_dma semaphore(%dma_wait3A_213 : memref<!tpu.dma_semaphore, #tpu.memory_space<semaphore_mem>>) src(%dma_wait3A_205 : memref<128x128xf32, #tpu.memory_space<vmem>>) dst(%dma_wait3A_211 : memref<10112x128xf32, #tpu.memory_space<vmem_shared>>)
          %add3A_214 = arith.constant 2 : i32
          %add3A_215 = arith.addi %sub3A_192, %add3A_214 : i32
          %dma_start3A_216 = arith.constant 0 : i32
          %dma_start3A_217 = arith.constant 0 : i32
          %dma_start3A_218 = tpu.memref_slice %arg8[%rem3A_201, %dma_start3A_216, %dma_start3A_217] : memref<2x128x128xf32, #tpu.memory_space<vmem>> -> memref<1x128x128xf32, #tpu.memory_space<vmem>>
          %dma_start3A_219 = tpu.memref_squeeze %dma_start3A_218 : memref<1x128x128xf32, #tpu.memory_space<vmem>> -> memref<128x128xf32, #tpu.memory_space<vmem>>
          %dma_start3A_220 = arith.constant 0 : i32
          %dma_start3A_221 = tpu.memref_slice %arg6[%add3A_215, %dma_start3A_220] : memref<64x128xi32, #tpu.memory_space<vmem>> -> memref<1x128xi32, #tpu.memory_space<vmem>>
          %dma_start3A_222 = tpu.memref_squeeze %dma_start3A_221 : memref<1x128xi32, #tpu.memory_space<vmem>> -> memref<128xi32, #tpu.memory_space<vmem>>
          %dma_start3A_223 = arith.constant 0 : i32
          %dma_start3A_224 = arith.constant 0 : i32
          %dma_start3A_225 = tpu.memref_slice %arg2[%dma_start3A_223, %dma_start3A_224] : memref<10112x128xf32, #tpu.memory_space<hbm>> -> memref<10112x128xf32, #tpu.memory_space<hbm>>
          %dma_start3A_226 = tpu.memref_slice %arg10[%rem3A_201] : memref<2x!tpu.dma_semaphore, #tpu.memory_space<semaphore_mem>> -> memref<1x!tpu.dma_semaphore, #tpu.memory_space<semaphore_mem>>
          %dma_start3A_227 = tpu.memref_squeeze %dma_start3A_226 : memref<1x!tpu.dma_semaphore, #tpu.memory_space<semaphore_mem>> -> memref<!tpu.dma_semaphore, #tpu.memory_space<semaphore_mem>>
          tpu.enqueue_indirect_dma source(%dma_start3A_225 : memref<10112x128xf32, #tpu.memory_space<hbm>>) target(%dma_start3A_219 : memref<128x128xf32, #tpu.memory_space<vmem>>) offsets(%dma_start3A_222 : memref<128xi32, #tpu.memory_space<vmem>>) semaphore(%dma_start3A_227 : memref<!tpu.dma_semaphore, #tpu.memory_space<semaphore_mem>>)
        } else {
        }
      }
      %scan3A_62 = arith.constant 64 : i32
      %dma_wait3A = arith.constant 0 : i32
      %dma_wait3A_63 = arith.constant 62 : i32
      %dma_wait3A_64 = arith.constant 0 : i32
      %dma_wait3A_65 = arith.constant 0 : i32
      %dma_wait3A_66 = arith.constant 0 : i32
      %dma_wait3A_67 = tpu.memref_slice %arg8[%dma_wait3A, %dma_wait3A_65, %dma_wait3A_66] : memref<2x128x128xf32, #tpu.memory_space<vmem>> -> memref<1x128x128xf32, #tpu.memory_space<vmem>>
      %dma_wait3A_68 = tpu.memref_squeeze %dma_wait3A_67 : memref<1x128x128xf32, #tpu.memory_space<vmem>> -> memref<128x128xf32, #tpu.memory_space<vmem>>
      %dma_wait3A_69 = arith.constant 0 : i32
      %dma_wait3A_70 = tpu.memref_slice %arg7[%dma_wait3A_63, %dma_wait3A_69] : memref<64x128xi32, #tpu.memory_space<vmem>> -> memref<1x128xi32, #tpu.memory_space<vmem>>
      %dma_wait3A_71 = tpu.memref_squeeze %dma_wait3A_70 : memref<1x128xi32, #tpu.memory_space<vmem>> -> memref<128xi32, #tpu.memory_space<vmem>>
      %dma_wait3A_72 = arith.constant 0 : i32
      %dma_wait3A_73 = arith.constant 0 : i32
      %dma_wait3A_74 = tpu.memref_slice %arg9[%dma_wait3A_72, %dma_wait3A_73] : memref<10112x128xf32, #tpu.memory_space<vmem_shared>> -> memref<10112x128xf32, #tpu.memory_space<vmem_shared>>
      %dma_wait3A_75 = tpu.memref_slice %arg11[%dma_wait3A_64] : memref<2x!tpu.dma_semaphore, #tpu.memory_space<semaphore_mem>> -> memref<1x!tpu.dma_semaphore, #tpu.memory_space<semaphore_mem>>
      %dma_wait3A_76 = tpu.memref_squeeze %dma_wait3A_75 : memref<1x!tpu.dma_semaphore, #tpu.memory_space<semaphore_mem>> -> memref<!tpu.dma_semaphore, #tpu.memory_space<semaphore_mem>>
      tpu.wait_indirect_dma semaphore(%dma_wait3A_76 : memref<!tpu.dma_semaphore, #tpu.memory_space<semaphore_mem>>) src(%dma_wait3A_68 : memref<128x128xf32, #tpu.memory_space<vmem>>) dst(%dma_wait3A_74 : memref<10112x128xf32, #tpu.memory_space<vmem_shared>>)
      %dma_wait3A_77 = arith.constant 1 : i32
      %dma_wait3A_78 = arith.constant 63 : i32
      %dma_wait3A_79 = arith.constant 1 : i32
      %dma_wait3A_80 = arith.constant 0 : i32
      %dma_wait3A_81 = arith.constant 0 : i32
      %dma_wait3A_82 = tpu.memref_slice %arg8[%dma_wait3A_77, %dma_wait3A_80, %dma_wait3A_81] : memref<2x128x128xf32, #tpu.memory_space<vmem>> -> memref<1x128x128xf32, #tpu.memory_space<vmem>>
      %dma_wait3A_83 = tpu.memref_squeeze %dma_wait3A_82 : memref<1x128x128xf32, #tpu.memory_space<vmem>> -> memref<128x128xf32, #tpu.memory_space<vmem>>
      %dma_wait3A_84 = arith.constant 0 : i32
      %dma_wait3A_85 = tpu.memref_slice %arg7[%dma_wait3A_78, %dma_wait3A_84] : memref<64x128xi32, #tpu.memory_space<vmem>> -> memref<1x128xi32, #tpu.memory_space<vmem>>
      %dma_wait3A_86 = tpu.memref_squeeze %dma_wait3A_85 : memref<1x128xi32, #tpu.memory_space<vmem>> -> memref<128xi32, #tpu.memory_space<vmem>>
      %dma_wait3A_87 = arith.constant 0 : i32
      %dma_wait3A_88 = arith.constant 0 : i32
      %dma_wait3A_89 = tpu.memref_slice %arg9[%dma_wait3A_87, %dma_wait3A_88] : memref<10112x128xf32, #tpu.memory_space<vmem_shared>> -> memref<10112x128xf32, #tpu.memory_space<vmem_shared>>
      %dma_wait3A_90 = tpu.memref_slice %arg11[%dma_wait3A_79] : memref<2x!tpu.dma_semaphore, #tpu.memory_space<semaphore_mem>> -> memref<1x!tpu.dma_semaphore, #tpu.memory_space<semaphore_mem>>
      %dma_wait3A_91 = tpu.memref_squeeze %dma_wait3A_90 : memref<1x!tpu.dma_semaphore, #tpu.memory_space<semaphore_mem>> -> memref<!tpu.dma_semaphore, #tpu.memory_space<semaphore_mem>>
      tpu.wait_indirect_dma semaphore(%dma_wait3A_91 : memref<!tpu.dma_semaphore, #tpu.memory_space<semaphore_mem>>) src(%dma_wait3A_83 : memref<128x128xf32, #tpu.memory_space<vmem>>) dst(%dma_wait3A_89 : memref<10112x128xf32, #tpu.memory_space<vmem_shared>>)
      %mul3A_92 = arith.constant 128 : i32
      %mul3A_93 = arith.muli %arg1, %mul3A_92 : i32
      %add3A_94 = arith.constant 64 : i32
      %add3A_95 = arith.addi %mul3A_93, %add3A_94 : i32
      %multiple_of3A_96 = tpu.assume_multiple %add3A_95, 8 : i32
      "tpu.region"() ({
        %run_scoped3A_162 = tpu.sem_alloc : memref<!tpu.dma_semaphore, #tpu.memory_space<semaphore_mem>>
        %dma_start3A_163 = arith.constant 0 : i32
        %dma_start3A_164 = arith.constant 0 : i32
        %dma_start3A_165 = tpu.memref_slice %arg6[%dma_start3A_163, %dma_start3A_164] : memref<64x128xi32, #tpu.memory_space<vmem>> -> memref<64x128xi32, #tpu.memory_space<vmem>>
        %dma_start3A_166 = arith.constant 0 : i32
        %dma_start3A_167 = tpu.memref_slice %arg3[%multiple_of3A_96, %dma_start3A_166] : memref<2560x128xi32, #tpu.memory_space<hbm>> -> memref<64x128xi32, #tpu.memory_space<hbm>>
        %dma_start3A_168 = arith.constant 0 : i32
        %dma_start3A_169 = arith.constant 0 : i32
        %dma_start3A_170 = tpu.memref_slice %arg6[%dma_start3A_168, %dma_start3A_169] : memref<64x128xi32, #tpu.memory_space<vmem>> -> memref<64x128xi32, #tpu.memory_space<vmem>>
        %dma_start3A_171 = arith.constant 0 : i32
        %dma_start3A_172 = tpu.memref_slice %arg3[%multiple_of3A_96, %dma_start3A_171] : memref<2560x128xi32, #tpu.memory_space<hbm>> -> memref<64x128xi32, #tpu.memory_space<hbm>>
        tpu.enqueue_dma source(%dma_start3A_172 : memref<64x128xi32, #tpu.memory_space<hbm>>) target(%dma_start3A_170 : memref<64x128xi32, #tpu.memory_space<vmem>>) target_semaphore(%run_scoped3A_162 : memref<!tpu.dma_semaphore, #tpu.memory_space<semaphore_mem>>)
        %dma_wait3A_173 = arith.constant 0 : i32
        %dma_wait3A_174 = arith.constant 0 : i32
        %dma_wait3A_175 = tpu.memref_slice %arg6[%dma_wait3A_173, %dma_wait3A_174] : memref<64x128xi32, #tpu.memory_space<vmem>> -> memref<64x128xi32, #tpu.memory_space<vmem>>
        %dma_wait3A_176 = arith.constant 0 : i32
        %dma_wait3A_177 = tpu.memref_slice %arg3[%multiple_of3A_96, %dma_wait3A_176] : memref<2560x128xi32, #tpu.memory_space<hbm>> -> memref<64x128xi32, #tpu.memory_space<hbm>>
        %dma_wait3A_178 = arith.constant 0 : i32
        %dma_wait3A_179 = arith.constant 0 : i32
        %dma_wait3A_180 = tpu.memref_slice %arg6[%dma_wait3A_178, %dma_wait3A_179] : memref<64x128xi32, #tpu.memory_space<vmem>> -> memref<64x128xi32, #tpu.memory_space<vmem>>
        %dma_wait3A_181 = arith.constant 0 : i32
        %dma_wait3A_182 = tpu.memref_slice %arg3[%multiple_of3A_96, %dma_wait3A_181] : memref<2560x128xi32, #tpu.memory_space<hbm>> -> memref<64x128xi32, #tpu.memory_space<hbm>>
        tpu.wait_dma2 semaphore(%run_scoped3A_162 : memref<!tpu.dma_semaphore, #tpu.memory_space<semaphore_mem>>) src(%dma_wait3A_182 : memref<64x128xi32, #tpu.memory_space<hbm>>) dst(%dma_wait3A_180 : memref<64x128xi32, #tpu.memory_space<vmem>>)
        tpu.yield
      }) : () -> ()
      "tpu.region"() ({
        %run_scoped3A_162 = tpu.sem_alloc : memref<!tpu.dma_semaphore, #tpu.memory_space<semaphore_mem>>
        %dma_start3A_163 = arith.constant 0 : i32
        %dma_start3A_164 = arith.constant 0 : i32
        %dma_start3A_165 = tpu.memref_slice %arg7[%dma_start3A_163, %dma_start3A_164] : memref<64x128xi32, #tpu.memory_space<vmem>> -> memref<64x128xi32, #tpu.memory_space<vmem>>
        %dma_start3A_166 = arith.constant 0 : i32
        %dma_start3A_167 = tpu.memref_slice %arg4[%multiple_of3A_96, %dma_start3A_166] : memref<2560x128xi32, #tpu.memory_space<hbm>> -> memref<64x128xi32, #tpu.memory_space<hbm>>
        %dma_start3A_168 = arith.constant 0 : i32
        %dma_start3A_169 = arith.constant 0 : i32
        %dma_start3A_170 = tpu.memref_slice %arg7[%dma_start3A_168, %dma_start3A_169] : memref<64x128xi32, #tpu.memory_space<vmem>> -> memref<64x128xi32, #tpu.memory_space<vmem>>
        %dma_start3A_171 = arith.constant 0 : i32
        %dma_start3A_172 = tpu.memref_slice %arg4[%multiple_of3A_96, %dma_start3A_171] : memref<2560x128xi32, #tpu.memory_space<hbm>> -> memref<64x128xi32, #tpu.memory_space<hbm>>
        tpu.enqueue_dma source(%dma_start3A_172 : memref<64x128xi32, #tpu.memory_space<hbm>>) target(%dma_start3A_170 : memref<64x128xi32, #tpu.memory_space<vmem>>) target_semaphore(%run_scoped3A_162 : memref<!tpu.dma_semaphore, #tpu.memory_space<semaphore_mem>>)
        %dma_wait3A_173 = arith.constant 0 : i32
        %dma_wait3A_174 = arith.constant 0 : i32
        %dma_wait3A_175 = tpu.memref_slice %arg7[%dma_wait3A_173, %dma_wait3A_174] : memref<64x128xi32, #tpu.memory_space<vmem>> -> memref<64x128xi32, #tpu.memory_space<vmem>>
        %dma_wait3A_176 = arith.constant 0 : i32
        %dma_wait3A_177 = tpu.memref_slice %arg4[%multiple_of3A_96, %dma_wait3A_176] : memref<2560x128xi32, #tpu.memory_space<hbm>> -> memref<64x128xi32, #tpu.memory_space<hbm>>
        %dma_wait3A_178 = arith.constant 0 : i32
        %dma_wait3A_179 = arith.constant 0 : i32
        %dma_wait3A_180 = tpu.memref_slice %arg7[%dma_wait3A_178, %dma_wait3A_179] : memref<64x128xi32, #tpu.memory_space<vmem>> -> memref<64x128xi32, #tpu.memory_space<vmem>>
        %dma_wait3A_181 = arith.constant 0 : i32
        %dma_wait3A_182 = tpu.memref_slice %arg4[%multiple_of3A_96, %dma_wait3A_181] : memref<2560x128xi32, #tpu.memory_space<hbm>> -> memref<64x128xi32, #tpu.memory_space<hbm>>
        tpu.wait_dma2 semaphore(%run_scoped3A_162 : memref<!tpu.dma_semaphore, #tpu.memory_space<semaphore_mem>>) src(%dma_wait3A_182 : memref<64x128xi32, #tpu.memory_space<hbm>>) dst(%dma_wait3A_180 : memref<64x128xi32, #tpu.memory_space<vmem>>)
        tpu.yield
      }) : () -> ()
      %dma_start3A_97 = arith.constant 0 : i32
      %dma_start3A_98 = arith.constant 0 : i32
      %dma_start3A_99 = arith.constant 0 : i32
      %dma_start3A_100 = arith.constant 0 : i32
      %dma_start3A_101 = arith.constant 0 : i32
      %dma_start3A_102 = tpu.memref_slice %arg8[%dma_start3A_98, %dma_start3A_100, %dma_start3A_101] : memref<2x128x128xf32, #tpu.memory_space<vmem>> -> memref<1x128x128xf32, #tpu.memory_space<vmem>>
      %dma_start3A_103 = tpu.memref_squeeze %dma_start3A_102 : memref<1x128x128xf32, #tpu.memory_space<vmem>> -> memref<128x128xf32, #tpu.memory_space<vmem>>
      %dma_start3A_104 = arith.constant 0 : i32
      %dma_start3A_105 = tpu.memref_slice %arg6[%dma_start3A_97, %dma_start3A_104] : memref<64x128xi32, #tpu.memory_space<vmem>> -> memref<1x128xi32, #tpu.memory_space<vmem>>
      %dma_start3A_106 = tpu.memref_squeeze %dma_start3A_105 : memref<1x128xi32, #tpu.memory_space<vmem>> -> memref<128xi32, #tpu.memory_space<vmem>>
      %dma_start3A_107 = arith.constant 0 : i32
      %dma_start3A_108 = arith.constant 0 : i32
      %dma_start3A_109 = tpu.memref_slice %arg2[%dma_start3A_107, %dma_start3A_108] : memref<10112x128xf32, #tpu.memory_space<hbm>> -> memref<10112x128xf32, #tpu.memory_space<hbm>>
      %dma_start3A_110 = tpu.memref_slice %arg10[%dma_start3A_99] : memref<2x!tpu.dma_semaphore, #tpu.memory_space<semaphore_mem>> -> memref<1x!tpu.dma_semaphore, #tpu.memory_space<semaphore_mem>>
      %dma_start3A_111 = tpu.memref_squeeze %dma_start3A_110 : memref<1x!tpu.dma_semaphore, #tpu.memory_space<semaphore_mem>> -> memref<!tpu.dma_semaphore, #tpu.memory_space<semaphore_mem>>
      tpu.enqueue_indirect_dma source(%dma_start3A_109 : memref<10112x128xf32, #tpu.memory_space<hbm>>) target(%dma_start3A_103 : memref<128x128xf32, #tpu.memory_space<vmem>>) offsets(%dma_start3A_106 : memref<128xi32, #tpu.memory_space<vmem>>) semaphore(%dma_start3A_111 : memref<!tpu.dma_semaphore, #tpu.memory_space<semaphore_mem>>)
      %dma_start3A_112 = arith.constant 1 : i32
      %dma_start3A_113 = arith.constant 1 : i32
      %dma_start3A_114 = arith.constant 1 : i32
      %dma_start3A_115 = arith.constant 0 : i32
      %dma_start3A_116 = arith.constant 0 : i32
      %dma_start3A_117 = tpu.memref_slice %arg8[%dma_start3A_113, %dma_start3A_115, %dma_start3A_116] : memref<2x128x128xf32, #tpu.memory_space<vmem>> -> memref<1x128x128xf32, #tpu.memory_space<vmem>>
      %dma_start3A_118 = tpu.memref_squeeze %dma_start3A_117 : memref<1x128x128xf32, #tpu.memory_space<vmem>> -> memref<128x128xf32, #tpu.memory_space<vmem>>
      %dma_start3A_119 = arith.constant 0 : i32
      %dma_start3A_120 = tpu.memref_slice %arg6[%dma_start3A_112, %dma_start3A_119] : memref<64x128xi32, #tpu.memory_space<vmem>> -> memref<1x128xi32, #tpu.memory_space<vmem>>
      %dma_start3A_121 = tpu.memref_squeeze %dma_start3A_120 : memref<1x128xi32, #tpu.memory_space<vmem>> -> memref<128xi32, #tpu.memory_space<vmem>>
      %dma_start3A_122 = arith.constant 0 : i32
      %dma_start3A_123 = arith.constant 0 : i32
      %dma_start3A_124 = tpu.memref_slice %arg2[%dma_start3A_122, %dma_start3A_123] : memref<10112x128xf32, #tpu.memory_space<hbm>> -> memref<10112x128xf32, #tpu.memory_space<hbm>>
      %dma_start3A_125 = tpu.memref_slice %arg10[%dma_start3A_114] : memref<2x!tpu.dma_semaphore, #tpu.memory_space<semaphore_mem>> -> memref<1x!tpu.dma_semaphore, #tpu.memory_space<semaphore_mem>>
      %dma_start3A_126 = tpu.memref_squeeze %dma_start3A_125 : memref<1x!tpu.dma_semaphore, #tpu.memory_space<semaphore_mem>> -> memref<!tpu.dma_semaphore, #tpu.memory_space<semaphore_mem>>
      tpu.enqueue_indirect_dma source(%dma_start3A_124 : memref<10112x128xf32, #tpu.memory_space<hbm>>) target(%dma_start3A_118 : memref<128x128xf32, #tpu.memory_space<vmem>>) offsets(%dma_start3A_121 : memref<128xi32, #tpu.memory_space<vmem>>) semaphore(%dma_start3A_126 : memref<!tpu.dma_semaphore, #tpu.memory_space<semaphore_mem>>)
      %scan3A_127 = arith.constant 0 : i32
      %scan3A_128 = arith.constant 64 : i32
      %scan3A_129 = arith.addi %scan3A_127, %scan3A_128 : i32
      %scan3A_130 = arith.constant 1 : i32
      scf.for %scan3A_162 = %scan3A_127 to %scan3A_129 step %scan3A_130  : i32 {
        %mul3A_163 = arith.constant 1 : i32
        %mul3A_164 = arith.muli %scan3A_162, %mul3A_163 : i32
        %add3A_165 = arith.constant 0 : i32
        %add3A_166 = arith.addi %add3A_165, %mul3A_164 : i32
        %rem3A = arith.constant 2 : i32
        %rem3A_167 = arith.remsi %add3A_166, %rem3A : i32
        %dma_wait3A_168 = arith.constant 0 : i32
        %dma_wait3A_169 = arith.constant 0 : i32
        %dma_wait3A_170 = tpu.memref_slice %arg8[%rem3A_167, %dma_wait3A_168, %dma_wait3A_169] : memref<2x128x128xf32, #tpu.memory_space<vmem>> -> memref<1x128x128xf32, #tpu.memory_space<vmem>>
        %dma_wait3A_171 = tpu.memref_squeeze %dma_wait3A_170 : memref<1x128x128xf32, #tpu.memory_space<vmem>> -> memref<128x128xf32, #tpu.memory_space<vmem>>
        %dma_wait3A_172 = arith.constant 0 : i32
        %dma_wait3A_173 = tpu.memref_slice %arg6[%add3A_166, %dma_wait3A_172] : memref<64x128xi32, #tpu.memory_space<vmem>> -> memref<1x128xi32, #tpu.memory_space<vmem>>
        %dma_wait3A_174 = tpu.memref_squeeze %dma_wait3A_173 : memref<1x128xi32, #tpu.memory_space<vmem>> -> memref<128xi32, #tpu.memory_space<vmem>>
        %dma_wait3A_175 = arith.constant 0 : i32
        %dma_wait3A_176 = arith.constant 0 : i32
        %dma_wait3A_177 = tpu.memref_slice %arg2[%dma_wait3A_175, %dma_wait3A_176] : memref<10112x128xf32, #tpu.memory_space<hbm>> -> memref<10112x128xf32, #tpu.memory_space<hbm>>
        %dma_wait3A_178 = tpu.memref_slice %arg10[%rem3A_167] : memref<2x!tpu.dma_semaphore, #tpu.memory_space<semaphore_mem>> -> memref<1x!tpu.dma_semaphore, #tpu.memory_space<semaphore_mem>>
        %dma_wait3A_179 = tpu.memref_squeeze %dma_wait3A_178 : memref<1x!tpu.dma_semaphore, #tpu.memory_space<semaphore_mem>> -> memref<!tpu.dma_semaphore, #tpu.memory_space<semaphore_mem>>
        tpu.wait_indirect_dma semaphore(%dma_wait3A_179 : memref<!tpu.dma_semaphore, #tpu.memory_space<semaphore_mem>>) src(%dma_wait3A_177 : memref<10112x128xf32, #tpu.memory_space<hbm>>) dst(%dma_wait3A_171 : memref<128x128xf32, #tpu.memory_space<vmem>>)
        %dma_start3A_180 = arith.constant 0 : i32
        %dma_start3A_181 = arith.constant 0 : i32
        %dma_start3A_182 = tpu.memref_slice %arg8[%rem3A_167, %dma_start3A_180, %dma_start3A_181] : memref<2x128x128xf32, #tpu.memory_space<vmem>> -> memref<1x128x128xf32, #tpu.memory_space<vmem>>
        %dma_start3A_183 = tpu.memref_squeeze %dma_start3A_182 : memref<1x128x128xf32, #tpu.memory_space<vmem>> -> memref<128x128xf32, #tpu.memory_space<vmem>>
        %dma_start3A_184 = arith.constant 0 : i32
        %dma_start3A_185 = tpu.memref_slice %arg7[%add3A_166, %dma_start3A_184] : memref<64x128xi32, #tpu.memory_space<vmem>> -> memref<1x128xi32, #tpu.memory_space<vmem>>
        %dma_start3A_186 = tpu.memref_squeeze %dma_start3A_185 : memref<1x128xi32, #tpu.memory_space<vmem>> -> memref<128xi32, #tpu.memory_space<vmem>>
        %dma_start3A_187 = arith.constant 0 : i32
        %dma_start3A_188 = arith.constant 0 : i32
        %dma_start3A_189 = tpu.memref_slice %arg9[%dma_start3A_187, %dma_start3A_188] : memref<10112x128xf32, #tpu.memory_space<vmem_shared>> -> memref<10112x128xf32, #tpu.memory_space<vmem_shared>>
        %dma_start3A_190 = tpu.memref_slice %arg11[%rem3A_167] : memref<2x!tpu.dma_semaphore, #tpu.memory_space<semaphore_mem>> -> memref<1x!tpu.dma_semaphore, #tpu.memory_space<semaphore_mem>>
        %dma_start3A_191 = tpu.memref_squeeze %dma_start3A_190 : memref<1x!tpu.dma_semaphore, #tpu.memory_space<semaphore_mem>> -> memref<!tpu.dma_semaphore, #tpu.memory_space<semaphore_mem>>
        tpu.enqueue_indirect_dma source(%dma_start3A_183 : memref<128x128xf32, #tpu.memory_space<vmem>>) target(%dma_start3A_189 : memref<10112x128xf32, #tpu.memory_space<vmem_shared>>) offsets(%dma_start3A_186 : memref<128xi32, #tpu.memory_space<vmem>>) semaphore(%dma_start3A_191 : memref<!tpu.dma_semaphore, #tpu.memory_space<semaphore_mem>>) {add = true}
        %sub3A = arith.constant 1 : i32
        %sub3A_192 = arith.subi %add3A_166, %sub3A : i32
        %ge3A = arith.constant 0 : i32
        %ge3A_193 = arith.cmpi sge, %sub3A_192, %ge3A : i32
        %add3A_194 = arith.constant 2 : i32
        %add3A_195 = arith.addi %sub3A_192, %add3A_194 : i32
        %lt3A = arith.constant 64 : i32
        %lt3A_196 = arith.cmpi slt, %add3A_195, %lt3A : i32
        %and3A = arith.andi %ge3A_193, %lt3A_196 : i1
        %convert_element_type3A_197 = arith.extui %and3A : i1 to i32
        %cond3A_198 = arith.constant 0 : i32
        %cond3A_199 = arith.cmpi ne, %convert_element_type3A_197, %cond3A_198 : i32
        scf.if %cond3A_199 {
          %rem3A_200 = arith.constant 2 : i32
          %rem3A_201 = arith.remsi %sub3A_192, %rem3A_200 : i32
          %dma_wait3A_202 = arith.constant 0 : i32
          %dma_wait3A_203 = arith.constant 0 : i32
          %dma_wait3A_204 = tpu.memref_slice %arg8[%rem3A_201, %dma_wait3A_202, %dma_wait3A_203] : memref<2x128x128xf32, #tpu.memory_space<vmem>> -> memref<1x128x128xf32, #tpu.memory_space<vmem>>
          %dma_wait3A_205 = tpu.memref_squeeze %dma_wait3A_204 : memref<1x128x128xf32, #tpu.memory_space<vmem>> -> memref<128x128xf32, #tpu.memory_space<vmem>>
          %dma_wait3A_206 = arith.constant 0 : i32
          %dma_wait3A_207 = tpu.memref_slice %arg7[%sub3A_192, %dma_wait3A_206] : memref<64x128xi32, #tpu.memory_space<vmem>> -> memref<1x128xi32, #tpu.memory_space<vmem>>
          %dma_wait3A_208 = tpu.memref_squeeze %dma_wait3A_207 : memref<1x128xi32, #tpu.memory_space<vmem>> -> memref<128xi32, #tpu.memory_space<vmem>>
          %dma_wait3A_209 = arith.constant 0 : i32
          %dma_wait3A_210 = arith.constant 0 : i32
          %dma_wait3A_211 = tpu.memref_slice %arg9[%dma_wait3A_209, %dma_wait3A_210] : memref<10112x128xf32, #tpu.memory_space<vmem_shared>> -> memref<10112x128xf32, #tpu.memory_space<vmem_shared>>
          %dma_wait3A_212 = tpu.memref_slice %arg11[%rem3A_201] : memref<2x!tpu.dma_semaphore, #tpu.memory_space<semaphore_mem>> -> memref<1x!tpu.dma_semaphore, #tpu.memory_space<semaphore_mem>>
          %dma_wait3A_213 = tpu.memref_squeeze %dma_wait3A_212 : memref<1x!tpu.dma_semaphore, #tpu.memory_space<semaphore_mem>> -> memref<!tpu.dma_semaphore, #tpu.memory_space<semaphore_mem>>
          tpu.wait_indirect_dma semaphore(%dma_wait3A_213 : memref<!tpu.dma_semaphore, #tpu.memory_space<semaphore_mem>>) src(%dma_wait3A_205 : memref<128x128xf32, #tpu.memory_space<vmem>>) dst(%dma_wait3A_211 : memref<10112x128xf32, #tpu.memory_space<vmem_shared>>)
          %add3A_214 = arith.constant 2 : i32
          %add3A_215 = arith.addi %sub3A_192, %add3A_214 : i32
          %dma_start3A_216 = arith.constant 0 : i32
          %dma_start3A_217 = arith.constant 0 : i32
          %dma_start3A_218 = tpu.memref_slice %arg8[%rem3A_201, %dma_start3A_216, %dma_start3A_217] : memref<2x128x128xf32, #tpu.memory_space<vmem>> -> memref<1x128x128xf32, #tpu.memory_space<vmem>>
          %dma_start3A_219 = tpu.memref_squeeze %dma_start3A_218 : memref<1x128x128xf32, #tpu.memory_space<vmem>> -> memref<128x128xf32, #tpu.memory_space<vmem>>
          %dma_start3A_220 = arith.constant 0 : i32
          %dma_start3A_221 = tpu.memref_slice %arg6[%add3A_215, %dma_start3A_220] : memref<64x128xi32, #tpu.memory_space<vmem>> -> memref<1x128xi32, #tpu.memory_space<vmem>>
          %dma_start3A_222 = tpu.memref_squeeze %dma_start3A_221 : memref<1x128xi32, #tpu.memory_space<vmem>> -> memref<128xi32, #tpu.memory_space<vmem>>
          %dma_start3A_223 = arith.constant 0 : i32
          %dma_start3A_224 = arith.constant 0 : i32
          %dma_start3A_225 = tpu.memref_slice %arg2[%dma_start3A_223, %dma_start3A_224] : memref<10112x128xf32, #tpu.memory_space<hbm>> -> memref<10112x128xf32, #tpu.memory_space<hbm>>
          %dma_start3A_226 = tpu.memref_slice %arg10[%rem3A_201] : memref<2x!tpu.dma_semaphore, #tpu.memory_space<semaphore_mem>> -> memref<1x!tpu.dma_semaphore, #tpu.memory_space<semaphore_mem>>
          %dma_start3A_227 = tpu.memref_squeeze %dma_start3A_226 : memref<1x!tpu.dma_semaphore, #tpu.memory_space<semaphore_mem>> -> memref<!tpu.dma_semaphore, #tpu.memory_space<semaphore_mem>>
          tpu.enqueue_indirect_dma source(%dma_start3A_225 : memref<10112x128xf32, #tpu.memory_space<hbm>>) target(%dma_start3A_219 : memref<128x128xf32, #tpu.memory_space<vmem>>) offsets(%dma_start3A_222 : memref<128xi32, #tpu.memory_space<vmem>>) semaphore(%dma_start3A_227 : memref<!tpu.dma_semaphore, #tpu.memory_space<semaphore_mem>>)
        } else {
        }
      }
      %scan3A_131 = arith.constant 64 : i32
      %dma_wait3A_132 = arith.constant 0 : i32
      %dma_wait3A_133 = arith.constant 62 : i32
      %dma_wait3A_134 = arith.constant 0 : i32
      %dma_wait3A_135 = arith.constant 0 : i32
      %dma_wait3A_136 = arith.constant 0 : i32
      %dma_wait3A_137 = tpu.memref_slice %arg8[%dma_wait3A_132, %dma_wait3A_135, %dma_wait3A_136] : memref<2x128x128xf32, #tpu.memory_space<vmem>> -> memref<1x128x128xf32, #tpu.memory_space<vmem>>
      %dma_wait3A_138 = tpu.memref_squeeze %dma_wait3A_137 : memref<1x128x128xf32, #tpu.memory_space<vmem>> -> memref<128x128xf32, #tpu.memory_space<vmem>>
      %dma_wait3A_139 = arith.constant 0 : i32
      %dma_wait3A_140 = tpu.memref_slice %arg7[%dma_wait3A_133, %dma_wait3A_139] : memref<64x128xi32, #tpu.memory_space<vmem>> -> memref<1x128xi32, #tpu.memory_space<vmem>>
      %dma_wait3A_141 = tpu.memref_squeeze %dma_wait3A_140 : memref<1x128xi32, #tpu.memory_space<vmem>> -> memref<128xi32, #tpu.memory_space<vmem>>
      %dma_wait3A_142 = arith.constant 0 : i32
      %dma_wait3A_143 = arith.constant 0 : i32
      %dma_wait3A_144 = tpu.memref_slice %arg9[%dma_wait3A_142, %dma_wait3A_143] : memref<10112x128xf32, #tpu.memory_space<vmem_shared>> -> memref<10112x128xf32, #tpu.memory_space<vmem_shared>>
      %dma_wait3A_145 = tpu.memref_slice %arg11[%dma_wait3A_134] : memref<2x!tpu.dma_semaphore, #tpu.memory_space<semaphore_mem>> -> memref<1x!tpu.dma_semaphore, #tpu.memory_space<semaphore_mem>>
      %dma_wait3A_146 = tpu.memref_squeeze %dma_wait3A_145 : memref<1x!tpu.dma_semaphore, #tpu.memory_space<semaphore_mem>> -> memref<!tpu.dma_semaphore, #tpu.memory_space<semaphore_mem>>
      tpu.wait_indirect_dma semaphore(%dma_wait3A_146 : memref<!tpu.dma_semaphore, #tpu.memory_space<semaphore_mem>>) src(%dma_wait3A_138 : memref<128x128xf32, #tpu.memory_space<vmem>>) dst(%dma_wait3A_144 : memref<10112x128xf32, #tpu.memory_space<vmem_shared>>)
      %dma_wait3A_147 = arith.constant 1 : i32
      %dma_wait3A_148 = arith.constant 63 : i32
      %dma_wait3A_149 = arith.constant 1 : i32
      %dma_wait3A_150 = arith.constant 0 : i32
      %dma_wait3A_151 = arith.constant 0 : i32
      %dma_wait3A_152 = tpu.memref_slice %arg8[%dma_wait3A_147, %dma_wait3A_150, %dma_wait3A_151] : memref<2x128x128xf32, #tpu.memory_space<vmem>> -> memref<1x128x128xf32, #tpu.memory_space<vmem>>
      %dma_wait3A_153 = tpu.memref_squeeze %dma_wait3A_152 : memref<1x128x128xf32, #tpu.memory_space<vmem>> -> memref<128x128xf32, #tpu.memory_space<vmem>>
      %dma_wait3A_154 = arith.constant 0 : i32
      %dma_wait3A_155 = tpu.memref_slice %arg7[%dma_wait3A_148, %dma_wait3A_154] : memref<64x128xi32, #tpu.memory_space<vmem>> -> memref<1x128xi32, #tpu.memory_space<vmem>>
      %dma_wait3A_156 = tpu.memref_squeeze %dma_wait3A_155 : memref<1x128xi32, #tpu.memory_space<vmem>> -> memref<128xi32, #tpu.memory_space<vmem>>
      %dma_wait3A_157 = arith.constant 0 : i32
      %dma_wait3A_158 = arith.constant 0 : i32
      %dma_wait3A_159 = tpu.memref_slice %arg9[%dma_wait3A_157, %dma_wait3A_158] : memref<10112x128xf32, #tpu.memory_space<vmem_shared>> -> memref<10112x128xf32, #tpu.memory_space<vmem_shared>>
      %dma_wait3A_160 = tpu.memref_slice %arg11[%dma_wait3A_149] : memref<2x!tpu.dma_semaphore, #tpu.memory_space<semaphore_mem>> -> memref<1x!tpu.dma_semaphore, #tpu.memory_space<semaphore_mem>>
      %dma_wait3A_161 = tpu.memref_squeeze %dma_wait3A_160 : memref<1x!tpu.dma_semaphore, #tpu.memory_space<semaphore_mem>> -> memref<!tpu.dma_semaphore, #tpu.memory_space<semaphore_mem>>
      tpu.wait_indirect_dma semaphore(%dma_wait3A_161 : memref<!tpu.dma_semaphore, #tpu.memory_space<semaphore_mem>>) src(%dma_wait3A_153 : memref<128x128xf32, #tpu.memory_space<vmem>>) dst(%dma_wait3A_159 : memref<10112x128xf32, #tpu.memory_space<vmem_shared>>)
    } else {
    }
    %ne3A = arith.constant 1 : i32
    %ne3A_20 = arith.cmpi ne, %arg0, %ne3A : i32
    %convert_element_type3A_21 = arith.extui %ne3A_20 : i1 to i32
    %cond3A_22 = arith.constant 0 : i32
    %cond3A_23 = arith.cmpi ne, %convert_element_type3A_21, %cond3A_22 : i32
    scf.if %cond3A_23 {
      %mul3A_25 = arith.constant 32 : i32
      %mul3A_26 = arith.muli %arg1, %mul3A_25 : i32
      %add3A_27 = arith.constant 2048 : i32
      %add3A_28 = arith.addi %add3A_27, %mul3A_26 : i32
      %multiple_of3A = tpu.assume_multiple %add3A_28, 8 : i32
      "tpu.region"() ({
        %run_scoped3A_92 = tpu.sem_alloc : memref<!tpu.dma_semaphore, #tpu.memory_space<semaphore_mem>>
        %dma_start3A_93 = arith.constant 0 : i32
        %dma_start3A_94 = arith.constant 0 : i32
        %dma_start3A_95 = tpu.memref_slice %arg6[%dma_start3A_93, %dma_start3A_94] : memref<64x128xi32, #tpu.memory_space<vmem>> -> memref<32x128xi32, #tpu.memory_space<vmem>>
        %dma_start3A_96 = arith.constant 0 : i32
        %dma_start3A_97 = tpu.memref_slice %arg3[%multiple_of3A, %dma_start3A_96] : memref<2560x128xi32, #tpu.memory_space<hbm>> -> memref<32x128xi32, #tpu.memory_space<hbm>>
        %dma_start3A_98 = arith.constant 0 : i32
        %dma_start3A_99 = arith.constant 0 : i32
        %dma_start3A_100 = tpu.memref_slice %arg6[%dma_start3A_98, %dma_start3A_99] : memref<64x128xi32, #tpu.memory_space<vmem>> -> memref<32x128xi32, #tpu.memory_space<vmem>>
        %dma_start3A_101 = arith.constant 0 : i32
        %dma_start3A_102 = tpu.memref_slice %arg3[%multiple_of3A, %dma_start3A_101] : memref<2560x128xi32, #tpu.memory_space<hbm>> -> memref<32x128xi32, #tpu.memory_space<hbm>>
        tpu.enqueue_dma source(%dma_start3A_102 : memref<32x128xi32, #tpu.memory_space<hbm>>) target(%dma_start3A_100 : memref<32x128xi32, #tpu.memory_space<vmem>>) target_semaphore(%run_scoped3A_92 : memref<!tpu.dma_semaphore, #tpu.memory_space<semaphore_mem>>)
        %dma_wait3A_103 = arith.constant 0 : i32
        %dma_wait3A_104 = arith.constant 0 : i32
        %dma_wait3A_105 = tpu.memref_slice %arg6[%dma_wait3A_103, %dma_wait3A_104] : memref<64x128xi32, #tpu.memory_space<vmem>> -> memref<32x128xi32, #tpu.memory_space<vmem>>
        %dma_wait3A_106 = arith.constant 0 : i32
        %dma_wait3A_107 = tpu.memref_slice %arg3[%multiple_of3A, %dma_wait3A_106] : memref<2560x128xi32, #tpu.memory_space<hbm>> -> memref<32x128xi32, #tpu.memory_space<hbm>>
        %dma_wait3A_108 = arith.constant 0 : i32
        %dma_wait3A_109 = arith.constant 0 : i32
        %dma_wait3A_110 = tpu.memref_slice %arg6[%dma_wait3A_108, %dma_wait3A_109] : memref<64x128xi32, #tpu.memory_space<vmem>> -> memref<32x128xi32, #tpu.memory_space<vmem>>
        %dma_wait3A_111 = arith.constant 0 : i32
        %dma_wait3A_112 = tpu.memref_slice %arg3[%multiple_of3A, %dma_wait3A_111] : memref<2560x128xi32, #tpu.memory_space<hbm>> -> memref<32x128xi32, #tpu.memory_space<hbm>>
        tpu.wait_dma2 semaphore(%run_scoped3A_92 : memref<!tpu.dma_semaphore, #tpu.memory_space<semaphore_mem>>) src(%dma_wait3A_112 : memref<32x128xi32, #tpu.memory_space<hbm>>) dst(%dma_wait3A_110 : memref<32x128xi32, #tpu.memory_space<vmem>>)
        tpu.yield
      }) : () -> ()
      "tpu.region"() ({
        %run_scoped3A_92 = tpu.sem_alloc : memref<!tpu.dma_semaphore, #tpu.memory_space<semaphore_mem>>
        %dma_start3A_93 = arith.constant 0 : i32
        %dma_start3A_94 = arith.constant 0 : i32
        %dma_start3A_95 = tpu.memref_slice %arg7[%dma_start3A_93, %dma_start3A_94] : memref<64x128xi32, #tpu.memory_space<vmem>> -> memref<32x128xi32, #tpu.memory_space<vmem>>
        %dma_start3A_96 = arith.constant 0 : i32
        %dma_start3A_97 = tpu.memref_slice %arg4[%multiple_of3A, %dma_start3A_96] : memref<2560x128xi32, #tpu.memory_space<hbm>> -> memref<32x128xi32, #tpu.memory_space<hbm>>
        %dma_start3A_98 = arith.constant 0 : i32
        %dma_start3A_99 = arith.constant 0 : i32
        %dma_start3A_100 = tpu.memref_slice %arg7[%dma_start3A_98, %dma_start3A_99] : memref<64x128xi32, #tpu.memory_space<vmem>> -> memref<32x128xi32, #tpu.memory_space<vmem>>
        %dma_start3A_101 = arith.constant 0 : i32
        %dma_start3A_102 = tpu.memref_slice %arg4[%multiple_of3A, %dma_start3A_101] : memref<2560x128xi32, #tpu.memory_space<hbm>> -> memref<32x128xi32, #tpu.memory_space<hbm>>
        tpu.enqueue_dma source(%dma_start3A_102 : memref<32x128xi32, #tpu.memory_space<hbm>>) target(%dma_start3A_100 : memref<32x128xi32, #tpu.memory_space<vmem>>) target_semaphore(%run_scoped3A_92 : memref<!tpu.dma_semaphore, #tpu.memory_space<semaphore_mem>>)
        %dma_wait3A_103 = arith.constant 0 : i32
        %dma_wait3A_104 = arith.constant 0 : i32
        %dma_wait3A_105 = tpu.memref_slice %arg7[%dma_wait3A_103, %dma_wait3A_104] : memref<64x128xi32, #tpu.memory_space<vmem>> -> memref<32x128xi32, #tpu.memory_space<vmem>>
        %dma_wait3A_106 = arith.constant 0 : i32
        %dma_wait3A_107 = tpu.memref_slice %arg4[%multiple_of3A, %dma_wait3A_106] : memref<2560x128xi32, #tpu.memory_space<hbm>> -> memref<32x128xi32, #tpu.memory_space<hbm>>
        %dma_wait3A_108 = arith.constant 0 : i32
        %dma_wait3A_109 = arith.constant 0 : i32
        %dma_wait3A_110 = tpu.memref_slice %arg7[%dma_wait3A_108, %dma_wait3A_109] : memref<64x128xi32, #tpu.memory_space<vmem>> -> memref<32x128xi32, #tpu.memory_space<vmem>>
        %dma_wait3A_111 = arith.constant 0 : i32
        %dma_wait3A_112 = tpu.memref_slice %arg4[%multiple_of3A, %dma_wait3A_111] : memref<2560x128xi32, #tpu.memory_space<hbm>> -> memref<32x128xi32, #tpu.memory_space<hbm>>
        tpu.wait_dma2 semaphore(%run_scoped3A_92 : memref<!tpu.dma_semaphore, #tpu.memory_space<semaphore_mem>>) src(%dma_wait3A_112 : memref<32x128xi32, #tpu.memory_space<hbm>>) dst(%dma_wait3A_110 : memref<32x128xi32, #tpu.memory_space<vmem>>)
        tpu.yield
      }) : () -> ()
      %dma_start3A = arith.constant 0 : i32
      %dma_start3A_29 = arith.constant 0 : i32
      %dma_start3A_30 = arith.constant 0 : i32
      %dma_start3A_31 = arith.constant 0 : i32
      %dma_start3A_32 = arith.constant 0 : i32
      %dma_start3A_33 = tpu.memref_slice %arg8[%dma_start3A_29, %dma_start3A_31, %dma_start3A_32] : memref<2x128x128xf32, #tpu.memory_space<vmem>> -> memref<1x128x128xf32, #tpu.memory_space<vmem>>
      %dma_start3A_34 = tpu.memref_squeeze %dma_start3A_33 : memref<1x128x128xf32, #tpu.memory_space<vmem>> -> memref<128x128xf32, #tpu.memory_space<vmem>>
      %dma_start3A_35 = arith.constant 0 : i32
      %dma_start3A_36 = tpu.memref_slice %arg6[%dma_start3A, %dma_start3A_35] : memref<64x128xi32, #tpu.memory_space<vmem>> -> memref<1x128xi32, #tpu.memory_space<vmem>>
      %dma_start3A_37 = tpu.memref_squeeze %dma_start3A_36 : memref<1x128xi32, #tpu.memory_space<vmem>> -> memref<128xi32, #tpu.memory_space<vmem>>
      %dma_start3A_38 = arith.constant 0 : i32
      %dma_start3A_39 = arith.constant 0 : i32
      %dma_start3A_40 = tpu.memref_slice %arg2[%dma_start3A_38, %dma_start3A_39] : memref<10112x128xf32, #tpu.memory_space<hbm>> -> memref<10112x128xf32, #tpu.memory_space<hbm>>
      %dma_start3A_41 = tpu.memref_slice %arg10[%dma_start3A_30] : memref<2x!tpu.dma_semaphore, #tpu.memory_space<semaphore_mem>> -> memref<1x!tpu.dma_semaphore, #tpu.memory_space<semaphore_mem>>
      %dma_start3A_42 = tpu.memref_squeeze %dma_start3A_41 : memref<1x!tpu.dma_semaphore, #tpu.memory_space<semaphore_mem>> -> memref<!tpu.dma_semaphore, #tpu.memory_space<semaphore_mem>>
      tpu.enqueue_indirect_dma source(%dma_start3A_40 : memref<10112x128xf32, #tpu.memory_space<hbm>>) target(%dma_start3A_34 : memref<128x128xf32, #tpu.memory_space<vmem>>) offsets(%dma_start3A_37 : memref<128xi32, #tpu.memory_space<vmem>>) semaphore(%dma_start3A_42 : memref<!tpu.dma_semaphore, #tpu.memory_space<semaphore_mem>>)
      %dma_start3A_43 = arith.constant 1 : i32
      %dma_start3A_44 = arith.constant 1 : i32
      %dma_start3A_45 = arith.constant 1 : i32
      %dma_start3A_46 = arith.constant 0 : i32
      %dma_start3A_47 = arith.constant 0 : i32
      %dma_start3A_48 = tpu.memref_slice %arg8[%dma_start3A_44, %dma_start3A_46, %dma_start3A_47] : memref<2x128x128xf32, #tpu.memory_space<vmem>> -> memref<1x128x128xf32, #tpu.memory_space<vmem>>
      %dma_start3A_49 = tpu.memref_squeeze %dma_start3A_48 : memref<1x128x128xf32, #tpu.memory_space<vmem>> -> memref<128x128xf32, #tpu.memory_space<vmem>>
      %dma_start3A_50 = arith.constant 0 : i32
      %dma_start3A_51 = tpu.memref_slice %arg6[%dma_start3A_43, %dma_start3A_50] : memref<64x128xi32, #tpu.memory_space<vmem>> -> memref<1x128xi32, #tpu.memory_space<vmem>>
      %dma_start3A_52 = tpu.memref_squeeze %dma_start3A_51 : memref<1x128xi32, #tpu.memory_space<vmem>> -> memref<128xi32, #tpu.memory_space<vmem>>
      %dma_start3A_53 = arith.constant 0 : i32
      %dma_start3A_54 = arith.constant 0 : i32
      %dma_start3A_55 = tpu.memref_slice %arg2[%dma_start3A_53, %dma_start3A_54] : memref<10112x128xf32, #tpu.memory_space<hbm>> -> memref<10112x128xf32, #tpu.memory_space<hbm>>
      %dma_start3A_56 = tpu.memref_slice %arg10[%dma_start3A_45] : memref<2x!tpu.dma_semaphore, #tpu.memory_space<semaphore_mem>> -> memref<1x!tpu.dma_semaphore, #tpu.memory_space<semaphore_mem>>
      %dma_start3A_57 = tpu.memref_squeeze %dma_start3A_56 : memref<1x!tpu.dma_semaphore, #tpu.memory_space<semaphore_mem>> -> memref<!tpu.dma_semaphore, #tpu.memory_space<semaphore_mem>>
      tpu.enqueue_indirect_dma source(%dma_start3A_55 : memref<10112x128xf32, #tpu.memory_space<hbm>>) target(%dma_start3A_49 : memref<128x128xf32, #tpu.memory_space<vmem>>) offsets(%dma_start3A_52 : memref<128xi32, #tpu.memory_space<vmem>>) semaphore(%dma_start3A_57 : memref<!tpu.dma_semaphore, #tpu.memory_space<semaphore_mem>>)
      %scan3A_58 = arith.constant 0 : i32
      %scan3A_59 = arith.constant 32 : i32
      %scan3A_60 = arith.addi %scan3A_58, %scan3A_59 : i32
      %scan3A_61 = arith.constant 1 : i32
      scf.for %scan3A_92 = %scan3A_58 to %scan3A_60 step %scan3A_61  : i32 {
        %mul3A_93 = arith.constant 1 : i32
        %mul3A_94 = arith.muli %scan3A_92, %mul3A_93 : i32
        %add3A_95 = arith.constant 0 : i32
        %add3A_96 = arith.addi %add3A_95, %mul3A_94 : i32
        %rem3A = arith.constant 2 : i32
        %rem3A_97 = arith.remsi %add3A_96, %rem3A : i32
        %dma_wait3A_98 = arith.constant 0 : i32
        %dma_wait3A_99 = arith.constant 0 : i32
        %dma_wait3A_100 = tpu.memref_slice %arg8[%rem3A_97, %dma_wait3A_98, %dma_wait3A_99] : memref<2x128x128xf32, #tpu.memory_space<vmem>> -> memref<1x128x128xf32, #tpu.memory_space<vmem>>
        %dma_wait3A_101 = tpu.memref_squeeze %dma_wait3A_100 : memref<1x128x128xf32, #tpu.memory_space<vmem>> -> memref<128x128xf32, #tpu.memory_space<vmem>>
        %dma_wait3A_102 = arith.constant 0 : i32
        %dma_wait3A_103 = tpu.memref_slice %arg6[%add3A_96, %dma_wait3A_102] : memref<64x128xi32, #tpu.memory_space<vmem>> -> memref<1x128xi32, #tpu.memory_space<vmem>>
        %dma_wait3A_104 = tpu.memref_squeeze %dma_wait3A_103 : memref<1x128xi32, #tpu.memory_space<vmem>> -> memref<128xi32, #tpu.memory_space<vmem>>
        %dma_wait3A_105 = arith.constant 0 : i32
        %dma_wait3A_106 = arith.constant 0 : i32
        %dma_wait3A_107 = tpu.memref_slice %arg2[%dma_wait3A_105, %dma_wait3A_106] : memref<10112x128xf32, #tpu.memory_space<hbm>> -> memref<10112x128xf32, #tpu.memory_space<hbm>>
        %dma_wait3A_108 = tpu.memref_slice %arg10[%rem3A_97] : memref<2x!tpu.dma_semaphore, #tpu.memory_space<semaphore_mem>> -> memref<1x!tpu.dma_semaphore, #tpu.memory_space<semaphore_mem>>
        %dma_wait3A_109 = tpu.memref_squeeze %dma_wait3A_108 : memref<1x!tpu.dma_semaphore, #tpu.memory_space<semaphore_mem>> -> memref<!tpu.dma_semaphore, #tpu.memory_space<semaphore_mem>>
        tpu.wait_indirect_dma semaphore(%dma_wait3A_109 : memref<!tpu.dma_semaphore, #tpu.memory_space<semaphore_mem>>) src(%dma_wait3A_107 : memref<10112x128xf32, #tpu.memory_space<hbm>>) dst(%dma_wait3A_101 : memref<128x128xf32, #tpu.memory_space<vmem>>)
        %dma_start3A_110 = arith.constant 0 : i32
        %dma_start3A_111 = arith.constant 0 : i32
        %dma_start3A_112 = tpu.memref_slice %arg8[%rem3A_97, %dma_start3A_110, %dma_start3A_111] : memref<2x128x128xf32, #tpu.memory_space<vmem>> -> memref<1x128x128xf32, #tpu.memory_space<vmem>>
        %dma_start3A_113 = tpu.memref_squeeze %dma_start3A_112 : memref<1x128x128xf32, #tpu.memory_space<vmem>> -> memref<128x128xf32, #tpu.memory_space<vmem>>
        %dma_start3A_114 = arith.constant 0 : i32
        %dma_start3A_115 = tpu.memref_slice %arg7[%add3A_96, %dma_start3A_114] : memref<64x128xi32, #tpu.memory_space<vmem>> -> memref<1x128xi32, #tpu.memory_space<vmem>>
        %dma_start3A_116 = tpu.memref_squeeze %dma_start3A_115 : memref<1x128xi32, #tpu.memory_space<vmem>> -> memref<128xi32, #tpu.memory_space<vmem>>
        %dma_start3A_117 = arith.constant 0 : i32
        %dma_start3A_118 = arith.constant 0 : i32
        %dma_start3A_119 = tpu.memref_slice %arg9[%dma_start3A_117, %dma_start3A_118] : memref<10112x128xf32, #tpu.memory_space<vmem_shared>> -> memref<10112x128xf32, #tpu.memory_space<vmem_shared>>
        %dma_start3A_120 = tpu.memref_slice %arg11[%rem3A_97] : memref<2x!tpu.dma_semaphore, #tpu.memory_space<semaphore_mem>> -> memref<1x!tpu.dma_semaphore, #tpu.memory_space<semaphore_mem>>
        %dma_start3A_121 = tpu.memref_squeeze %dma_start3A_120 : memref<1x!tpu.dma_semaphore, #tpu.memory_space<semaphore_mem>> -> memref<!tpu.dma_semaphore, #tpu.memory_space<semaphore_mem>>
        tpu.enqueue_indirect_dma source(%dma_start3A_113 : memref<128x128xf32, #tpu.memory_space<vmem>>) target(%dma_start3A_119 : memref<10112x128xf32, #tpu.memory_space<vmem_shared>>) offsets(%dma_start3A_116 : memref<128xi32, #tpu.memory_space<vmem>>) semaphore(%dma_start3A_121 : memref<!tpu.dma_semaphore, #tpu.memory_space<semaphore_mem>>) {add = true}
        %sub3A = arith.constant 1 : i32
        %sub3A_122 = arith.subi %add3A_96, %sub3A : i32
        %ge3A = arith.constant 0 : i32
        %ge3A_123 = arith.cmpi sge, %sub3A_122, %ge3A : i32
        %add3A_124 = arith.constant 2 : i32
        %add3A_125 = arith.addi %sub3A_122, %add3A_124 : i32
        %lt3A = arith.constant 32 : i32
        %lt3A_126 = arith.cmpi slt, %add3A_125, %lt3A : i32
        %and3A = arith.andi %ge3A_123, %lt3A_126 : i1
        %convert_element_type3A_127 = arith.extui %and3A : i1 to i32
        %cond3A_128 = arith.constant 0 : i32
        %cond3A_129 = arith.cmpi ne, %convert_element_type3A_127, %cond3A_128 : i32
        scf.if %cond3A_129 {
          %rem3A_130 = arith.constant 2 : i32
          %rem3A_131 = arith.remsi %sub3A_122, %rem3A_130 : i32
          %dma_wait3A_132 = arith.constant 0 : i32
          %dma_wait3A_133 = arith.constant 0 : i32
          %dma_wait3A_134 = tpu.memref_slice %arg8[%rem3A_131, %dma_wait3A_132, %dma_wait3A_133] : memref<2x128x128xf32, #tpu.memory_space<vmem>> -> memref<1x128x128xf32, #tpu.memory_space<vmem>>
          %dma_wait3A_135 = tpu.memref_squeeze %dma_wait3A_134 : memref<1x128x128xf32, #tpu.memory_space<vmem>> -> memref<128x128xf32, #tpu.memory_space<vmem>>
          %dma_wait3A_136 = arith.constant 0 : i32
          %dma_wait3A_137 = tpu.memref_slice %arg7[%sub3A_122, %dma_wait3A_136] : memref<64x128xi32, #tpu.memory_space<vmem>> -> memref<1x128xi32, #tpu.memory_space<vmem>>
          %dma_wait3A_138 = tpu.memref_squeeze %dma_wait3A_137 : memref<1x128xi32, #tpu.memory_space<vmem>> -> memref<128xi32, #tpu.memory_space<vmem>>
          %dma_wait3A_139 = arith.constant 0 : i32
          %dma_wait3A_140 = arith.constant 0 : i32
          %dma_wait3A_141 = tpu.memref_slice %arg9[%dma_wait3A_139, %dma_wait3A_140] : memref<10112x128xf32, #tpu.memory_space<vmem_shared>> -> memref<10112x128xf32, #tpu.memory_space<vmem_shared>>
          %dma_wait3A_142 = tpu.memref_slice %arg11[%rem3A_131] : memref<2x!tpu.dma_semaphore, #tpu.memory_space<semaphore_mem>> -> memref<1x!tpu.dma_semaphore, #tpu.memory_space<semaphore_mem>>
          %dma_wait3A_143 = tpu.memref_squeeze %dma_wait3A_142 : memref<1x!tpu.dma_semaphore, #tpu.memory_space<semaphore_mem>> -> memref<!tpu.dma_semaphore, #tpu.memory_space<semaphore_mem>>
          tpu.wait_indirect_dma semaphore(%dma_wait3A_143 : memref<!tpu.dma_semaphore, #tpu.memory_space<semaphore_mem>>) src(%dma_wait3A_135 : memref<128x128xf32, #tpu.memory_space<vmem>>) dst(%dma_wait3A_141 : memref<10112x128xf32, #tpu.memory_space<vmem_shared>>)
          %add3A_144 = arith.constant 2 : i32
          %add3A_145 = arith.addi %sub3A_122, %add3A_144 : i32
          %dma_start3A_146 = arith.constant 0 : i32
          %dma_start3A_147 = arith.constant 0 : i32
          %dma_start3A_148 = tpu.memref_slice %arg8[%rem3A_131, %dma_start3A_146, %dma_start3A_147] : memref<2x128x128xf32, #tpu.memory_space<vmem>> -> memref<1x128x128xf32, #tpu.memory_space<vmem>>
          %dma_start3A_149 = tpu.memref_squeeze %dma_start3A_148 : memref<1x128x128xf32, #tpu.memory_space<vmem>> -> memref<128x128xf32, #tpu.memory_space<vmem>>
          %dma_start3A_150 = arith.constant 0 : i32
          %dma_start3A_151 = tpu.memref_slice %arg6[%add3A_145, %dma_start3A_150] : memref<64x128xi32, #tpu.memory_space<vmem>> -> memref<1x128xi32, #tpu.memory_space<vmem>>
          %dma_start3A_152 = tpu.memref_squeeze %dma_start3A_151 : memref<1x128xi32, #tpu.memory_space<vmem>> -> memref<128xi32, #tpu.memory_space<vmem>>
          %dma_start3A_153 = arith.constant 0 : i32
          %dma_start3A_154 = arith.constant 0 : i32
          %dma_start3A_155 = tpu.memref_slice %arg2[%dma_start3A_153, %dma_start3A_154] : memref<10112x128xf32, #tpu.memory_space<hbm>> -> memref<10112x128xf32, #tpu.memory_space<hbm>>
          %dma_start3A_156 = tpu.memref_slice %arg10[%rem3A_131] : memref<2x!tpu.dma_semaphore, #tpu.memory_space<semaphore_mem>> -> memref<1x!tpu.dma_semaphore, #tpu.memory_space<semaphore_mem>>
          %dma_start3A_157 = tpu.memref_squeeze %dma_start3A_156 : memref<1x!tpu.dma_semaphore, #tpu.memory_space<semaphore_mem>> -> memref<!tpu.dma_semaphore, #tpu.memory_space<semaphore_mem>>
          tpu.enqueue_indirect_dma source(%dma_start3A_155 : memref<10112x128xf32, #tpu.memory_space<hbm>>) target(%dma_start3A_149 : memref<128x128xf32, #tpu.memory_space<vmem>>) offsets(%dma_start3A_152 : memref<128xi32, #tpu.memory_space<vmem>>) semaphore(%dma_start3A_157 : memref<!tpu.dma_semaphore, #tpu.memory_space<semaphore_mem>>)
        } else {
        }
      }
      %scan3A_62 = arith.constant 32 : i32
      %dma_wait3A = arith.constant 0 : i32
      %dma_wait3A_63 = arith.constant 30 : i32
      %dma_wait3A_64 = arith.constant 0 : i32
      %dma_wait3A_65 = arith.constant 0 : i32
      %dma_wait3A_66 = arith.constant 0 : i32
      %dma_wait3A_67 = tpu.memref_slice %arg8[%dma_wait3A, %dma_wait3A_65, %dma_wait3A_66] : memref<2x128x128xf32, #tpu.memory_space<vmem>> -> memref<1x128x128xf32, #tpu.memory_space<vmem>>
      %dma_wait3A_68 = tpu.memref_squeeze %dma_wait3A_67 : memref<1x128x128xf32, #tpu.memory_space<vmem>> -> memref<128x128xf32, #tpu.memory_space<vmem>>
      %dma_wait3A_69 = arith.constant 0 : i32
      %dma_wait3A_70 = tpu.memref_slice %arg7[%dma_wait3A_63, %dma_wait3A_69] : memref<64x128xi32, #tpu.memory_space<vmem>> -> memref<1x128xi32, #tpu.memory_space<vmem>>
      %dma_wait3A_71 = tpu.memref_squeeze %dma_wait3A_70 : memref<1x128xi32, #tpu.memory_space<vmem>> -> memref<128xi32, #tpu.memory_space<vmem>>
      %dma_wait3A_72 = arith.constant 0 : i32
      %dma_wait3A_73 = arith.constant 0 : i32
      %dma_wait3A_74 = tpu.memref_slice %arg9[%dma_wait3A_72, %dma_wait3A_73] : memref<10112x128xf32, #tpu.memory_space<vmem_shared>> -> memref<10112x128xf32, #tpu.memory_space<vmem_shared>>
      %dma_wait3A_75 = tpu.memref_slice %arg11[%dma_wait3A_64] : memref<2x!tpu.dma_semaphore, #tpu.memory_space<semaphore_mem>> -> memref<1x!tpu.dma_semaphore, #tpu.memory_space<semaphore_mem>>
      %dma_wait3A_76 = tpu.memref_squeeze %dma_wait3A_75 : memref<1x!tpu.dma_semaphore, #tpu.memory_space<semaphore_mem>> -> memref<!tpu.dma_semaphore, #tpu.memory_space<semaphore_mem>>
      tpu.wait_indirect_dma semaphore(%dma_wait3A_76 : memref<!tpu.dma_semaphore, #tpu.memory_space<semaphore_mem>>) src(%dma_wait3A_68 : memref<128x128xf32, #tpu.memory_space<vmem>>) dst(%dma_wait3A_74 : memref<10112x128xf32, #tpu.memory_space<vmem_shared>>)
      %dma_wait3A_77 = arith.constant 1 : i32
      %dma_wait3A_78 = arith.constant 31 : i32
      %dma_wait3A_79 = arith.constant 1 : i32
      %dma_wait3A_80 = arith.constant 0 : i32
      %dma_wait3A_81 = arith.constant 0 : i32
      %dma_wait3A_82 = tpu.memref_slice %arg8[%dma_wait3A_77, %dma_wait3A_80, %dma_wait3A_81] : memref<2x128x128xf32, #tpu.memory_space<vmem>> -> memref<1x128x128xf32, #tpu.memory_space<vmem>>
      %dma_wait3A_83 = tpu.memref_squeeze %dma_wait3A_82 : memref<1x128x128xf32, #tpu.memory_space<vmem>> -> memref<128x128xf32, #tpu.memory_space<vmem>>
      %dma_wait3A_84 = arith.constant 0 : i32
      %dma_wait3A_85 = tpu.memref_slice %arg7[%dma_wait3A_78, %dma_wait3A_84] : memref<64x128xi32, #tpu.memory_space<vmem>> -> memref<1x128xi32, #tpu.memory_space<vmem>>
      %dma_wait3A_86 = tpu.memref_squeeze %dma_wait3A_85 : memref<1x128xi32, #tpu.memory_space<vmem>> -> memref<128xi32, #tpu.memory_space<vmem>>
      %dma_wait3A_87 = arith.constant 0 : i32
      %dma_wait3A_88 = arith.constant 0 : i32
      %dma_wait3A_89 = tpu.memref_slice %arg9[%dma_wait3A_87, %dma_wait3A_88] : memref<10112x128xf32, #tpu.memory_space<vmem_shared>> -> memref<10112x128xf32, #tpu.memory_space<vmem_shared>>
      %dma_wait3A_90 = tpu.memref_slice %arg11[%dma_wait3A_79] : memref<2x!tpu.dma_semaphore, #tpu.memory_space<semaphore_mem>> -> memref<1x!tpu.dma_semaphore, #tpu.memory_space<semaphore_mem>>
      %dma_wait3A_91 = tpu.memref_squeeze %dma_wait3A_90 : memref<1x!tpu.dma_semaphore, #tpu.memory_space<semaphore_mem>> -> memref<!tpu.dma_semaphore, #tpu.memory_space<semaphore_mem>>
      tpu.wait_indirect_dma semaphore(%dma_wait3A_91 : memref<!tpu.dma_semaphore, #tpu.memory_space<semaphore_mem>>) src(%dma_wait3A_83 : memref<128x128xf32, #tpu.memory_space<vmem>>) dst(%dma_wait3A_89 : memref<10112x128xf32, #tpu.memory_space<vmem_shared>>)
    } else {
    }
    %barrier3A_24 = arith.constant 0 : index
    tpu.barrier barrier_id(%barrier3A_24)
    "tpu.region"() ({
      %run_scoped3A_25 = tpu.sem_alloc : memref<!tpu.dma_semaphore, #tpu.memory_space<semaphore_mem>>
      %dma_start3A = arith.constant 0 : i32
      %dma_start3A_26 = arith.constant 0 : i32
      %dma_start3A_27 = tpu.memref_slice %arg5[%arg0, %dma_start3A, %dma_start3A_26] : memref<2x10112x128xf32, #tpu.memory_space<hbm>> -> memref<1x10112x128xf32, #tpu.memory_space<hbm>>
      %dma_start3A_28 = tpu.memref_squeeze %dma_start3A_27 : memref<1x10112x128xf32, #tpu.memory_space<hbm>> -> memref<10112x128xf32, #tpu.memory_space<hbm>>
      %dma_start3A_29 = arith.constant 0 : i32
      %dma_start3A_30 = tpu.memref_slice %dma_start3A_28[%mul3A_0, %dma_start3A_29] : memref<10112x128xf32, #tpu.memory_space<hbm>> -> memref<632x128xf32, #tpu.memory_space<hbm>>
      %dma_start3A_31 = arith.constant 0 : i32
      %dma_start3A_32 = tpu.memref_slice %arg9[%mul3A_0, %dma_start3A_31] : memref<10112x128xf32, #tpu.memory_space<vmem_shared>> -> memref<632x128xf32, #tpu.memory_space<vmem_shared>>
      tpu.enqueue_dma source(%dma_start3A_32 : memref<632x128xf32, #tpu.memory_space<vmem_shared>>) target(%dma_start3A_30 : memref<632x128xf32, #tpu.memory_space<hbm>>) target_semaphore(%run_scoped3A_25 : memref<!tpu.dma_semaphore, #tpu.memory_space<semaphore_mem>>)
      %dma_wait3A = arith.constant 0 : i32
      %dma_wait3A_33 = arith.constant 0 : i32
      %dma_wait3A_34 = tpu.memref_slice %arg5[%arg0, %dma_wait3A, %dma_wait3A_33] : memref<2x10112x128xf32, #tpu.memory_space<hbm>> -> memref<1x10112x128xf32, #tpu.memory_space<hbm>>
      %dma_wait3A_35 = tpu.memref_squeeze %dma_wait3A_34 : memref<1x10112x128xf32, #tpu.memory_space<hbm>> -> memref<10112x128xf32, #tpu.memory_space<hbm>>
      %dma_wait3A_36 = arith.constant 0 : i32
      %dma_wait3A_37 = tpu.memref_slice %dma_wait3A_35[%mul3A_0, %dma_wait3A_36] : memref<10112x128xf32, #tpu.memory_space<hbm>> -> memref<632x128xf32, #tpu.memory_space<hbm>>
      %dma_wait3A_38 = arith.constant 0 : i32
      %dma_wait3A_39 = tpu.memref_slice %arg9[%mul3A_0, %dma_wait3A_38] : memref<10112x128xf32, #tpu.memory_space<vmem_shared>> -> memref<632x128xf32, #tpu.memory_space<vmem_shared>>
      tpu.wait_dma2 semaphore(%run_scoped3A_25 : memref<!tpu.dma_semaphore, #tpu.memory_space<semaphore_mem>>) src(%dma_wait3A_39 : memref<632x128xf32, #tpu.memory_space<vmem_shared>>) dst(%dma_wait3A_37 : memref<632x128xf32, #tpu.memory_space<hbm>>)
      tpu.yield
    }) : () -> ()
    return
  }
}

module attributes {stable_mosaic.version = 14 : i64} {
  func.func @_h1_body(%arg0: memref<10112x128xf32, #tpu.memory_space<vmem>>, %arg1: memref<128x128xf32, #tpu.memory_space<vmem>>, %arg2: memref<2x10112x128xf32, #tpu.memory_space<vmem>>, %arg3: memref<10112x128xf32, #tpu.memory_space<vmem>>, %arg4: memref<10112x8xf32, #tpu.memory_space<vmem>>) attributes {dimension_semantics = [], scalar_prefetch = 0 : i64, scratch_operands = 0 : i64, tpu.core_type = #tpu.core_type<tc>} {
    %get3A = arith.constant 0 : index
    %get3A_0 = arith.constant 0 : index
    %get3A_1 = arith.constant 0 : index
    %get3A_2 = vector.load %arg2[%get3A, %get3A_0, %get3A_1] : memref<2x10112x128xf32, #tpu.memory_space<vmem>>, vector<2x10112x128xf32>
    %slice3A = vector.extract_strided_slice %get3A_2 {offsets = [0, 0, 0], sizes = [1, 10112, 1], strides = [1, 1, 1]} : vector<2x10112x128xf32> to vector<1x10112x1xf32>
    %squeeze3A = vector.shape_cast %slice3A : vector<1x10112x1xf32> to vector<10112x1xf32>
    %slice3A_3 = vector.extract_strided_slice %get3A_2 {offsets = [1, 0, 0], sizes = [1, 10112, 1], strides = [1, 1, 1]} : vector<2x10112x128xf32> to vector<1x10112x1xf32>
    %squeeze3A_4 = vector.shape_cast %slice3A_3 : vector<1x10112x1xf32> to vector<10112x1xf32>
    %add3A = arith.addf %squeeze3A, %squeeze3A_4 : vector<10112x1xf32>
    %add3A_5 = arith.constant 1.000000e+00 : f32
    %add3A_6 = vector.broadcast %add3A_5 : f32 to vector<10112x1xf32>
    %add3A_7 = arith.addf %add3A, %add3A_6 : vector<10112x1xf32>
    %rsqrt3A = math.rsqrt %add3A_7 : vector<10112x1xf32>
    %get3A_8 = arith.constant 0 : index
    %get3A_9 = arith.constant 0 : index
    %get3A_10 = vector.load %arg0[%get3A_8, %get3A_9] : memref<10112x128xf32, #tpu.memory_space<vmem>>, vector<10112x128xf32>
    %get3A_11 = arith.constant 0 : index
    %get3A_12 = arith.constant 0 : index
    %get3A_13 = vector.load %arg1[%get3A_11, %get3A_12] : memref<128x128xf32, #tpu.memory_space<vmem>>, vector<128x128xf32>
    %dot_general3A = arith.constant dense<0.000000e+00> : vector<10112x128xf32>
    %dot_general3A_14 = tpu.matmul %get3A_10, %get3A_13, %dot_general3A {dimension_numbers = #tpu.dot_dimension_numbers<[1], [0], [0], [1], [0, 0, 1, 1], [], []>, transpose_lhs_hint = false} : vector<10112x128xf32>, vector<128x128xf32>, vector<10112x128xf32> -> vector<10112x128xf32>
    %mul3A = vector.broadcast %rsqrt3A : vector<10112x1xf32> to vector<10112x128xf32>
    %mul3A_15 = arith.mulf %dot_general3A_14, %mul3A : vector<10112x128xf32>
    %swap3A = arith.constant 0 : index
    %swap3A_16 = arith.constant 0 : index
    %swap3A_17 = vector.load %arg3[%swap3A, %swap3A_16] : memref<10112x128xf32, #tpu.memory_space<vmem>>, vector<10112x128xf32>
    tpu.vector_store %arg3[%swap3A, %swap3A_16], %mul3A_15 {strides = array<i32>} : memref<10112x128xf32, #tpu.memory_space<vmem>>, vector<10112x128xf32>,
    %broadcast_in_dim3A = vector.shape_cast %rsqrt3A : vector<10112x1xf32> to vector<10112x1xf32>
    %broadcast_in_dim3A_18 = vector.broadcast %broadcast_in_dim3A : vector<10112x1xf32> to vector<10112x8xf32>
    %swap3A_19 = arith.constant 0 : index
    %swap3A_20 = arith.constant 0 : index
    %swap3A_21 = vector.load %arg4[%swap3A_19, %swap3A_20] : memref<10112x8xf32, #tpu.memory_space<vmem>>, vector<10112x8xf32>
    tpu.vector_store %arg4[%swap3A_19, %swap3A_20], %broadcast_in_dim3A_18 {strides = array<i32>} : memref<10112x8xf32, #tpu.memory_space<vmem>>, vector<10112x8xf32>,
    return
  }
}

module attributes {stable_mosaic.version = 14 : i64} {
  func.func @_mid_body(%arg0: memref<2x10112x128xf32, #tpu.memory_space<vmem>>, %arg1: memref<10112x128xf32, #tpu.memory_space<vmem>>, %arg2: memref<10112x8xf32, #tpu.memory_space<vmem>>, %arg3: memref<1x128xf32, #tpu.memory_space<vmem>>, %arg4: memref<128x128xf32, #tpu.memory_space<vmem>>, %arg5: memref<10112x128xf32, #tpu.memory_space<vmem>>) attributes {dimension_semantics = [], scalar_prefetch = 0 : i64, scratch_operands = 0 : i64, tpu.core_type = #tpu.core_type<tc>} {
    %get3A = arith.constant 0 : index
    %get3A_0 = arith.constant 0 : index
    %get3A_1 = arith.constant 0 : index
    %get3A_2 = vector.load %arg0[%get3A, %get3A_0, %get3A_1] : memref<2x10112x128xf32, #tpu.memory_space<vmem>>, vector<2x10112x128xf32>
    %get3A_3 = arith.constant 0 : index
    %get3A_4 = arith.constant 0 : index
    %get3A_5 = vector.load %arg2[%get3A_3, %get3A_4] : memref<10112x8xf32, #tpu.memory_space<vmem>>, vector<10112x8xf32>
    %slice3A = vector.extract_strided_slice %get3A_5 {offsets = [0, 0], sizes = [10112, 1], strides = [1, 1]} : vector<10112x8xf32> to vector<10112x1xf32>
    %slice3A_6 = vector.extract_strided_slice %get3A_2 {offsets = [0, 0, 0], sizes = [1, 10112, 128], strides = [1, 1, 1]} : vector<2x10112x128xf32> to vector<1x10112x128xf32>
    %squeeze3A = vector.shape_cast %slice3A_6 : vector<1x10112x128xf32> to vector<10112x128xf32>
    %slice3A_7 = vector.extract_strided_slice %get3A_2 {offsets = [1, 0, 0], sizes = [1, 10112, 128], strides = [1, 1, 1]} : vector<2x10112x128xf32> to vector<1x10112x128xf32>
    %squeeze3A_8 = vector.shape_cast %slice3A_7 : vector<1x10112x128xf32> to vector<10112x128xf32>
    %add3A = arith.addf %squeeze3A, %squeeze3A_8 : vector<10112x128xf32>
    %get3A_9 = arith.constant 0 : index
    %get3A_10 = arith.constant 0 : index
    %get3A_11 = vector.load %arg1[%get3A_9, %get3A_10] : memref<10112x128xf32, #tpu.memory_space<vmem>>, vector<10112x128xf32>
    %add3A_12 = arith.addf %add3A, %get3A_11 : vector<10112x128xf32>
    %mul3A = vector.broadcast %slice3A : vector<10112x1xf32> to vector<10112x128xf32>
    %mul3A_13 = arith.mulf %add3A_12, %mul3A : vector<10112x128xf32>
    %get3A_14 = arith.constant 0 : index
    %get3A_15 = arith.constant 0 : index
    %get3A_16 = vector.load %arg3[%get3A_14, %get3A_15] : memref<1x128xf32, #tpu.memory_space<vmem>>, vector<1x128xf32>
    %add3A_17 = vector.broadcast %get3A_16 : vector<1x128xf32> to vector<10112x128xf32>
    %add3A_18 = arith.addf %mul3A_13, %add3A_17 : vector<10112x128xf32>
    %gt3A = arith.constant 0.000000e+00 : f32
    %gt3A_19 = vector.broadcast %gt3A : f32 to vector<10112x128xf32>
    %gt3A_20 = arith.cmpf ogt, %add3A_18, %gt3A_19 : vector<10112x128xf32>
    %exp3A = math.exp %add3A_18 : vector<10112x128xf32>
    %sub3A = arith.constant 1.000000e+00 : f32
    %sub3A_21 = vector.broadcast %sub3A : f32 to vector<10112x128xf32>
    %sub3A_22 = arith.subf %exp3A, %sub3A_21 : vector<10112x128xf32>
    %select_n3A = arith.select %gt3A_20, %add3A_18, %sub3A_22 : vector<10112x128xi1>, vector<10112x128xf32>
    %get3A_23 = arith.constant 0 : index
    %get3A_24 = arith.constant 0 : index
    %get3A_25 = vector.load %arg4[%get3A_23, %get3A_24] : memref<128x128xf32, #tpu.memory_space<vmem>>, vector<128x128xf32>
    %dot_general3A = arith.constant dense<0.000000e+00> : vector<10112x128xf32>
    %dot_general3A_26 = tpu.matmul %select_n3A, %get3A_25, %dot_general3A {dimension_numbers = #tpu.dot_dimension_numbers<[1], [0], [0], [1], [0, 0, 1, 1], [], []>, transpose_lhs_hint = false} : vector<10112x128xf32>, vector<128x128xf32>, vector<10112x128xf32> -> vector<10112x128xf32>
    %mul3A_27 = vector.broadcast %slice3A : vector<10112x1xf32> to vector<10112x128xf32>
    %mul3A_28 = arith.mulf %dot_general3A_26, %mul3A_27 : vector<10112x128xf32>
    %swap3A = arith.constant 0 : index
    %swap3A_29 = arith.constant 0 : index
    %swap3A_30 = vector.load %arg5[%swap3A, %swap3A_29] : memref<10112x128xf32, #tpu.memory_space<vmem>>, vector<10112x128xf32>
    tpu.vector_store %arg5[%swap3A, %swap3A_29], %mul3A_28 {strides = array<i32>} : memref<10112x128xf32, #tpu.memory_space<vmem>>, vector<10112x128xf32>,
    return
  }
}

module attributes {stable_mosaic.version = 14 : i64} {
  func.func @_out_body(%arg0: memref<2x10112x128xf32, #tpu.memory_space<vmem>>, %arg1: memref<10112x128xf32, #tpu.memory_space<vmem>>, %arg2: memref<10112x8xf32, #tpu.memory_space<vmem>>, %arg3: memref<1x128xf32, #tpu.memory_space<vmem>>, %arg4: memref<10112x128xf32, #tpu.memory_space<vmem>>) attributes {dimension_semantics = [], scalar_prefetch = 0 : i64, scratch_operands = 0 : i64, tpu.core_type = #tpu.core_type<tc>} {
    %get3A = arith.constant 0 : index
    %get3A_0 = arith.constant 0 : index
    %get3A_1 = arith.constant 0 : index
    %get3A_2 = vector.load %arg0[%get3A, %get3A_0, %get3A_1] : memref<2x10112x128xf32, #tpu.memory_space<vmem>>, vector<2x10112x128xf32>
    %get3A_3 = arith.constant 0 : index
    %get3A_4 = arith.constant 0 : index
    %get3A_5 = vector.load %arg2[%get3A_3, %get3A_4] : memref<10112x8xf32, #tpu.memory_space<vmem>>, vector<10112x8xf32>
    %slice3A = vector.extract_strided_slice %get3A_5 {offsets = [0, 0], sizes = [10112, 1], strides = [1, 1]} : vector<10112x8xf32> to vector<10112x1xf32>
    %slice3A_6 = vector.extract_strided_slice %get3A_2 {offsets = [0, 0, 0], sizes = [1, 10112, 128], strides = [1, 1, 1]} : vector<2x10112x128xf32> to vector<1x10112x128xf32>
    %squeeze3A = vector.shape_cast %slice3A_6 : vector<1x10112x128xf32> to vector<10112x128xf32>
    %slice3A_7 = vector.extract_strided_slice %get3A_2 {offsets = [1, 0, 0], sizes = [1, 10112, 128], strides = [1, 1, 1]} : vector<2x10112x128xf32> to vector<1x10112x128xf32>
    %squeeze3A_8 = vector.shape_cast %slice3A_7 : vector<1x10112x128xf32> to vector<10112x128xf32>
    %add3A = arith.addf %squeeze3A, %squeeze3A_8 : vector<10112x128xf32>
    %get3A_9 = arith.constant 0 : index
    %get3A_10 = arith.constant 0 : index
    %get3A_11 = vector.load %arg1[%get3A_9, %get3A_10] : memref<10112x128xf32, #tpu.memory_space<vmem>>, vector<10112x128xf32>
    %add3A_12 = arith.addf %add3A, %get3A_11 : vector<10112x128xf32>
    %mul3A = vector.broadcast %slice3A : vector<10112x1xf32> to vector<10112x128xf32>
    %mul3A_13 = arith.mulf %add3A_12, %mul3A : vector<10112x128xf32>
    %get3A_14 = arith.constant 0 : index
    %get3A_15 = arith.constant 0 : index
    %get3A_16 = vector.load %arg3[%get3A_14, %get3A_15] : memref<1x128xf32, #tpu.memory_space<vmem>>, vector<1x128xf32>
    %add3A_17 = vector.broadcast %get3A_16 : vector<1x128xf32> to vector<10112x128xf32>
    %add3A_18 = arith.addf %mul3A_13, %add3A_17 : vector<10112x128xf32>
    %gt3A = arith.constant 0.000000e+00 : f32
    %gt3A_19 = vector.broadcast %gt3A : f32 to vector<10112x128xf32>
    %gt3A_20 = arith.cmpf ogt, %add3A_18, %gt3A_19 : vector<10112x128xf32>
    %exp3A = math.exp %add3A_18 : vector<10112x128xf32>
    %sub3A = arith.constant 1.000000e+00 : f32
    %sub3A_21 = vector.broadcast %sub3A : f32 to vector<10112x128xf32>
    %sub3A_22 = arith.subf %exp3A, %sub3A_21 : vector<10112x128xf32>
    %select_n3A = arith.select %gt3A_20, %add3A_18, %sub3A_22 : vector<10112x128xi1>, vector<10112x128xf32>
    %swap3A = arith.constant 0 : index
    %swap3A_23 = arith.constant 0 : index
    %swap3A_24 = vector.load %arg4[%swap3A, %swap3A_23] : memref<10112x128xf32, #tpu.memory_space<vmem>>, vector<10112x128xf32>
    tpu.vector_store %arg4[%swap3A, %swap3A_23], %select_n3A {strides = array<i32>} : memref<10112x128xf32, #tpu.memory_space<vmem>>, vector<10112x128xf32>,
    return
  }
}

</mosaic_0001>

<sc_bundles>
// kernel: kernel.11.cloned.1.call-start
scs
__scs_entry_jumppad:
0x0: {  	(pc) =	sbr.rel $0x88, $3  }
0x1: {  	(tag) =	ssettag $0x0;
	lr =	simm.s32 $0x1  }
0x2: {  	[smem:$0x3F9B] =	sst lr;
	_ =	strace $0xD0000000  }
0x3: {  	_ = 	snop  }
0x4: {  	_ = 	snop  }
0x5: {  	_ = 	snop  }
0x6: {  	_ = 	snop  }
0x7: {  	_ = 	snop  }
__scs_overlays_trampoline_lowered:
0x8: {  	[smem:$0x3FAA] =	sst s0  }
0x9: {  	[smem:$0x3FAB] =	sst s1  }
0xa: {  	[smem:$0x3FAC] =	sst s2  }
0xb: {  	[smem:$0x3FAD] =	sst s3  }
0xc: {  	[smem:$0x3FAE] =	sst s4  }
0xd: {  	[smem:$0x3FAF] =	sst s5  }
0xe: {  	[smem:$0x3FB0] =	sst s6  }
0xf: {  	[smem:$0x3FB1] =	sst s7  }
0x10: {  	[smem:$0x3FB2] =	sst s8  }
0x11: {  	[smem:$0x3FB3] =	sst s9;
	s0 =	simm.s32 @!p0 $0x0  }
0x12: {  	s1 =	sld [smem:$0x3F99];
	s0 =	simm.s32 @p0 $0x1  }
0x13: {  	[smem:$0x3FB4] =	sst s0;
	s0 =	simm.s32 @!p1 $0x0  }
0x14: {  	s2 =	sld [smem:$0x3F98];
	s0 =	simm.s32 @p1 $0x1  }
0x15: {  	[smem:$0x3FB5] =	sst s0;
	s0 =	simm.s32 @!p2 $0x0  }
0x16: {  	s3 =	sld [smem:$0x3FDB];
	s0 =	simm.s32 @p2 $0x1  }
0x17: {  	s4 =	simm.s32 $0x1BF5;
	[smem:$0x3FB7] =	sst s0  }
0x18: {  	s0 =	sld [smem:$0x3F9A];
	_ =	swait.ge [sflag:s4], $0x0  }
0x19: {  	s7 =	sld [smem:$0x3F9B]  }
0x1a: {  	s8 =	sadd.s32 $0xFFFFE003, lr  }
0x1b: {  	s9 =	sadd.s32 $0xFFFFFEF7, lr;
	s5 =	simm.s32 $0xFFFFFFFF;
	p2 =	slt.u32 s8, $0xFFFFF086  }
0x1c: {  	p1 =	slt.u32 s9, $0xF7A;
	s5 =	simm.s32 @!p2 $0x0  }
0x1d: {  	s5 =	simm.s32 @p1 $0x1;
	p0 =	seq.s32 s7, s2  }
0x1e: {  	s7 =	smul.u32 @!p0 $0xF7A, s2;
	p2 =	seq.s32 @!p0 s5, $0x0  }
0x1f: {  	s9 =	smul.u32 $0xF7A, s1;
	s8 =	simm.s32 @!p0 $0x1BF5;
	p2 =	por !p2, p0  }
0x20: {  	[sflag:s8] =	ssyncset.s32 @!p0 $0xFFFFF086;
	s6 =	sadd.s32 @!p0 s3, s7;
	s7 =	simm.s32 @!p0 $0x108  }
0x21: {  	s3 =	sadd.s32 s3, s9;
	s6 =	sadd.s32 @!p0 $0x88, s6;
	s7 =	simm.s32 @p2 $0x1082  }
0x22: {  	[simem:s7], [sflag:s8] =	dma.local @!p0 [hbm:s6], $0xF7A  }
0x23: {  	s9 =	sor.u32 $0xD0000000, s2;
	s6 =	simm.s32 $0x108;
	_ =	swait.ge @!p0 [sflag:s8], $0x0  }
0x24: {  	s3 =	sadd.s32 $0x88, s3;
	s6 =	simm.s32 @!p1 $0x1082;
	[sflag:s4] =	ssyncset.s32 $0xFFFFF086  }
0x25: {  	[simem:s6], [sflag:s4] =	dma.local [hbm:s3], $0xF7A  }
0x26: {  	[smem:$0x3F9B] =	sst s1;
	(tag) =	ssettag s2;
	_ =	strace s9  }
0x27: {  	s1 =	sld [smem:$0x3FAB]  }
0x28: {  	s2 =	sld [smem:$0x3FAC]  }
0x29: {  	s4 =	sld [smem:$0x3FAE]  }
0x2a: {  	p0 =	seq.s32 s5, $0x0;
	s5 =	sld [smem:$0x3FAF]  }
0x2b: {  	s6 =	sld [smem:$0x3FB0]  }
0x2c: {  	s7 =	sld [smem:$0x3FB1]  }
0x2d: {  	s3 =	simm.s32 $0x108;
	s8 =	sld [smem:$0x3FB2]  }
0x2e: {  	s3 =	simm.s32 @!p0 $0x1082;
	s9 =	sld [smem:$0x3FB3]  }
0x2f: {  	lr =	sadd.s32 s0, s3;
	s0 =	sld [smem:$0x3FAA]  }
0x30: {  	s3 =	sld [smem:$0x3FAD]  }
0x31: {  	[smem:$0x3FB6] =	sst s10  }
0x32: {  	s10 =	sld [smem:$0x3FB4];
	_ =	sdelay $0x3  }
0x33: {  	p0 =	seq.s32 s10, $0x1;
	s10 =	sld [smem:$0x3FB6];
	_ =	sdelay $0x3  }
0x34: {  	[smem:$0x3FB6] =	sst s10  }
0x35: {  	s10 =	sld [smem:$0x3FB5];
	_ =	sdelay $0x3  }
0x36: {  	p1 =	seq.s32 s10, $0x1;
	s10 =	sld [smem:$0x3FB6];
	_ =	sdelay $0x3  }
0x37: {  	[smem:$0x3FB6] =	sst s10  }
0x38: {  	s10 =	sld [smem:$0x3FB7]  }
0x39: {  	_ = 	snop;
	(pc) =	sbr.ind lr, $3  }
0x3a: {  	_ = 	snop  }
0x3b: {  	_ = 	snop  }
0x3c: {  	p2 =	seq.s32 s10, $0x1;
	s10 =	sld [smem:$0x3FB6]  }
0x3d: {  	_ =	shalt  }
0x3e: {  	_ =	shalt  }
0x3f: {  	_ =	shalt  }
0x40: {  	_ =	shalt  }
0x41: {  	_ =	shalt  }
0x42: {  	_ =	shalt  }
0x43: {  	_ =	shalt  }
0x44: {  	_ =	shalt  }
0x45: {  	_ =	shalt  }
0x46: {  	_ =	shalt  }
0x47: {  	_ =	shalt  }
0x48: {  	_ =	shalt  }
0x49: {  	_ =	shalt  }
0x4a: {  	_ =	shalt  }
0x4b: {  	_ =	shalt  }
0x4c: {  	_ =	shalt  }
0x4d: {  	_ =	shalt  }
0x4e: {  	_ =	shalt  }
0x4f: {  	_ =	shalt  }
0x50: {  	_ =	shalt  }
0x51: {  	_ =	shalt  }
0x52: {  	_ =	shalt  }
0x53: {  	_ =	shalt  }
0x54: {  	_ =	shalt  }
0x55: {  	_ =	shalt  }
0x56: {  	_ =	shalt  }
0x57: {  	_ =	shalt  }
0x58: {  	_ =	shalt  }
0x59: {  	_ =	shalt  }
0x5a: {  	_ =	shalt  }
0x5b: {  	_ =	shalt  }
0x5c: {  	_ =	shalt  }
0x5d: {  	_ =	shalt  }
0x5e: {  	_ =	shalt  }
0x5f: {  	_ =	shalt  }
0x60: {  	_ =	shalt  }
0x61: {  	_ =	shalt  }
0x62: {  	_ =	shalt  }
0x63: {  	_ =	shalt  }
0x64: {  	_ =	shalt  }
0x65: {  	_ =	shalt  }
0x66: {  	_ =	shalt  }
0x67: {  	_ =	shalt  }
0x68: {  	_ =	shalt  }
0x69: {  	_ =	shalt  }
0x6a: {  	_ =	shalt  }
0x6b: {  	_ =	shalt  }
0x6c: {  	_ =	shalt  }
0x6d: {  	_ =	shalt  }
0x6e: {  	_ =	shalt  }
0x6f: {  	_ =	shalt  }
0x70: {  	_ =	shalt  }
0x71: {  	_ =	shalt  }
0x72: {  	_ =	shalt  }
0x73: {  	_ =	shalt  }
0x74: {  	_ =	shalt  }
0x75: {  	_ =	shalt  }
0x76: {  	_ =	shalt  }
0x77: {  	_ =	shalt  }
0x78: {  	_ =	shalt  }
0x79: {  	_ =	shalt  }
0x7a: {  	_ =	shalt  }
0x7b: {  	_ =	shalt  }
0x7c: {  	_ =	shalt  }
0x7d: {  	_ =	shalt  }
0x7e: {  	_ =	shalt  }
0x7f: {  	_ =	shalt  }
0x80: {  	_ =	shalt  }
0x81: {  	_ =	shalt  }
0x82: {  	_ =	shalt  }
0x83: {  	_ =	shalt  }
0x84: {  	_ =	shalt  }
0x85: {  	_ =	shalt  }
0x86: {  	_ =	shalt  }
0x87: {  	_ =	shalt  }
.Lfunc_end0:
.L_simem_size_0:
called_computation.1_lowered:
.L_overlay_start_0:
0x88: {  	s2 =	sld [smem:$0x3FD9]  }
0x89: {  	s3 =	sld [smem:$0x3FFE];
	_ =	sdelay $0x1  }
0x8a: {  	s1 =	srdreg.scid  }
0x8b: {  	s0 =	sand.u32 $0x1, s1  }
0x8c: {  	s17 =	sshll.u32 s0, $0xA;
	s2 =	sadd.s32 s3, s2  }
0x8d: {  	s2 =	sadd.s32 s2, s17  }
0x8e: {  	[smem:$0x3FC2] =	sst s2  }
0x8f: {  	_ = 	snop  }
0x90: {  	s2 =	sld [smem:$0x3FD0];
	(tm) =	ssettm $0x1  }
0x91: {  	s18 =	sld [smem:$0x3FFB];
	_ =	sdelay $0x3  }
0x92: {  	_ =	strace s18  }
0x93: {  	s3 =	sld [smem:$0x3FFC];
	_ =	sdelay $0x3  }
0x94: {  	_ =	strace s3  }
0x95: {  	s3 =	sld [smem:$0x3FFD];
	_ =	sdelay $0x3  }
0x96: {  	_ =	strace s3  }
0x97: {  	_ =	strace $0x8FFFFFFF  }
0x98: {  	s19 =	sld [smem:$0x3FDB];
	_ =	sdelay $0x1  }
0x99: {  	s4 =	simm.s32 $_scs_section_size  }
0x9a: {  	s5 =	simm.s32 $_size__tile_overlayer_lowered;
	s6 =	simm.s32 $_tile_overlayer_lowered  }
0x9b: {  	s22 =	simm.s32 $0x1BFF;
	s21 =	sshll.u32 s6, $0x1;
	s3 =	sadd.s32 s4, s19  }
0x9c: {  	s7 =	simm.s32 $0x0;
	s20 =	sshll.u32 s5, $0x1;
	s5 =	sadd.s32 s21, s3  }
0x9d: {  	[timem:s7], [sflag:s22] =	dma.local [hbm:s5], s20  }
0x9e: {  	_ =	swait.ge [sflag:s22], s20  }
0x9f: {  	s4 =	ssub.s32 $0x0, s20;
	[sflag:s22] =	ssyncset.done $0x0  }
0xa0: {  	[sflag:s22] =	ssyncadd.s32 s4;
	_ =	sdelay $0x1  }
0xa1: {  	s23 =	simm.s32 $0x1B8B  }
0xa2: {  	_ =	swait.ge [sflag:s23], $0x1  }
0xa3: {  	[sflag:s23] =	ssyncset.done $0x0  }
0xa4: {  	s25 =	simm.s32 $0x1B8E;
	s24 =	sld [smem:$0x3FFE];
	[sflag:s23] =	ssyncadd.s32 $0xFFFFFFFF  }
0xa5: {  	s26 =	simm.s32 $execute0_lowered;
	[smem:$0x3FD2] =	sst s25  }
0xa6: {  	s5 =	sshll.u32 s26, $0x1;
	_ =	strace $0x80000049;
	[dreg:$0x1] =	wrdreg $0xFFFFFFFF  }
0xa7: {  	s28 =	simm.s32 $_size_execute0_lowered;
	s3 =	sadd.s32 s3, s5;
	[dreg:$0x0] =	wrdreg $0x0  }
0xa8: {  	s5 =	sshll.u32 s28, $0x1;
	[dreg:$0x2] =	wrdreg s3  }
0xa9: {  	[dreg:$0x3] =	wrdreg s5  }
0xaa: {  	[dreg:$0x4] =	wrdreg $0xC0  }
0xab: {  	_ =	task [dreg:s7], $0x5FFFF  }
0xac: {  	[dreg:$0x1] =	wrdreg $0xFFFFFFFF  }
0xad: {  	[dreg:$0x0] =	wrdreg $0x60  }
0xae: {  	[dreg:$0x2] =	wrdreg s24  }
0xaf: {  	[dreg:$0x3] =	wrdreg s2  }
0xb0: {  	[dreg:$0x4] =	wrdreg $0xC0000  }
0xb1: {  	[dreg:$0x5] =	wrdreg $0x9  }
0xb2: {  	_ =	task.clear_ibuf [dreg:s7], $0x6FFFF;
	_ =	strace $0x90000049  }
0xb3: {  	s29 =	simm.s32 $0x9;
	_ =	strace $0x8000004B  }
0xb4: {  	_ =	swait.ge [sflag:s29], $0x1  }
0xb5: {  	[sflag:s29] =	ssyncadd.s32 $0xFFFFFFFF  }
0xb6: {  	_ =	strace $0x9000004B  }
0xb7: {  	_ =	sfence  }
0xb8: {  	s30 =	sld [smem:$0x0];
	_ =	sdelay $0x2  }
0xb9: {  	s31 =	sshll.u32 s1, $0xD;
	s1 =	sshrl.u32 s1, $0x2  }
0xba: {  	s3 =	sand.u32 $0x4000, s31;
	s1 =	sadd.s32 s1, s30  }
0xbb: {  	s0 =	sor.u32 s3, s0;
	s1 =	sshll.u32 s1, $0x11  }
0xbc: {  	s0 =	sor.u32 s1, s0  }
0xbd: {  	s0 =	sadd.s32 $0x8F2B, s0  }
0xbe: {  	[sflag:s0] =	ssyncadd.remote.s32 $0x1  }
0xbf: {  	_ =	sfence.sel $0xFFFF  }
0xc0: {  	[dreg:$0x0] =	wrdreg $0xFFFFFFFF;
	(pc) =	sbr.abs _section_cstart, $3  }
0xc1: {  	[dreg:$0x1] =	wrdreg $0xFFFFFFFF  }
0xc2: {  	_ =	task.clear_ibuf [dreg:s7], $0x2FFFF;
	_ =	strace $0x9FFFFFFF  }
0xc3: {  	(tm) =	ssettm $0x7FFFFFFF  }
tec
execute0_lowered:
.L_overlay_start_1:
0x0: {  	(tag) =	ssettag $0x1  }
0x1: {  	s0 =	rddreg [dreg:$0x0]  }
0x2: {  	s14 =	rddreg [dreg:$0x1]  }
0x3: {  	s2 =	rddreg [dreg:$0x2];
	s3 =	simm.s32 $0x0  }
0x4: {  	s1 =	stileid.u32;
	s5 =	srdreg.scid;
	s20 =	simm.s32 $0x80  }
0x5: {  	s21 =	simm.s32 $0x3;
	s22 =	simm.s32 $0x4;
	[smem:$0x7FF] =	sst s3  }
0x6: {  	s6 =	smul.u32 $0x4F000, s1;
	s4 =	sadd.s32 $0xC600, s0;
	s17 =	sand.u32 $0x1, s5  }
0x7: {  	s15 =	sadd.s32 $0x2600, s0;
	s12 =	sshll.u32 s1, $0xB;
	s23 =	smul.u32 $0x2780, s1  }
0x8: {  	s13 =	sshll.u32 s1, $0x9;
	_ =	strace $0x8000004A;
	s7 =	smul.u32 $0x27800, s17  }
0x9: {  	s8 =	ssub.s32 $0x2, s17;
	s10 =	sadd.s32 s14, s12;
	s11 =	sadd.s32 s15, s12  }
0xa: {  	s18 =	sor.u32 $0x400, s12;
	s19 =	sor.u32 $0x8000, s13;
	p0 =	seq.s32 s17, $0x0  }
0xb: {  	s17 =	simm.s32 $0x4000;
	s30 =	sshrl.u32 s6, $0x2;
	s31 =	sshrl.u32 s8, $0x1  }
0xc: {  	[dreg:$0x4] =	wrdreg s10;
	s12 =	sadd.s32 s14, s18;
	s13 =	sadd.s32 s15, s18  }
.Ltmp0:
0xd: {  	s14 =	sadd.s32 s14, s19;
	s15 =	sadd.s32 s15, s19;
	(pc) =	sbr.rel .LBB2_1-.Ltmp0, $4  }
0xe: {  	s18 =	simm.s32 $0x5;
	s19 =	simm.s32 $0x8000;
	s5 =	sadd.s32 s30, s2  }
0xf: {  	s0 =	sadd.s32 s7, s0;
	s16 =	ssub.s32 s8, s31;
	s6 =	sadd.s32 $0x4000, s5  }
0x10: {  	s7 =	sadd.s32 $0x8000, s5;
	s8 =	sadd.s32 $0xC000, s5;
	s0 =	sadd.s32 $0x33E00, s0  }
0x11: {  	v0 =	vimm.f32 $0.0e+00;
	s9 =	sadd.s32 $0x10000, s5;
	s16 =	smax.u32 s16, $0x1;
	s23 =	sadd.s32 s23, s0  }
.LBB2_8:
0x12: {  	[sflag:s30] =	ssyncadd.s32 @!p1 $0xFFFFC000  }
0x13: {  	[tilespmem:s31], [sflag:s29] =	stream.indirect.gather @!p1 [hbm4b:s4+s0], $0x80, s28, s0, $0xb8;
	[tilespmem:$0x1FC00] =	vst v63  }
.LBB2_12:
0x14: {  	_ =	swait.ge [sflag:s21], $0x4000  }
0x15: {  	[sflag:s21] =	ssyncset.done $0x0  }
0x16: {  	[sflag:s21] =	ssyncadd.s32 $0xFFFFC000  }
0x17: {  	_ =	swait.ge [sflag:s22], $0x4000  }
0x18: {  	s0 =	sshll.u32 s1, $0x6;
	s3 =	sadd.s32 $0x1, s3;
	[sflag:s22] =	ssyncset.done $0x0  }
0x19: {  	s10 =	sshrl.u32 s5, $0x3;
	p1 =	sne.s32 s3, s16;
	[sflag:s22] =	ssyncadd.s32 $0xFFFFC000  }
.Ltmp1:
0x1a: {  	s0 =	sor.u32 $0x1C05, s0;
	[bflag:$0x0] =	sbarrier.arrive $0xFFFF;
	(pc) =	sbr.rel @!p1 .LBB2_13-.Ltmp1, $4  }
0x1b: {  	[hbm:s23], [sflag:s0] =	dma.local [spmem:s10], $0x2780  }
0x1c: {  	_ =	swait.ge [sflag:s18], $0x2780  }
0x1d: {  	[sflag:s18] =	ssyncset.done $0x0  }
0x1e: {  	[sflag:s18] =	ssyncadd.s32 $0xFFFFD880  }
.LBB2_1:
0x1f: {  	s24 =	simm.s32 $0x0;
	s25 =	simm.s32 $0x200  }
.LBB2_2:
0x20: {  	p1 =	sne.s32 s25, $0xFE00;
	[tilespmem:s24+$0x4070] =	vst v0  }
0x21: {  	[tilespmem:s24+$0x4000] =	vst v0  }
0x22: {  	[tilespmem:s24+$0x4010] =	vst v0  }
.Ltmp2:
0x23: {  	[tilespmem:s24+$0x4020] =	vst v0;
	(pc) =	sbr.rel @p1 .LBB2_2-.Ltmp2, $4  }
0x24: {  	[tilespmem:s24+$0x4030] =	vst v0  }
0x25: {  	[tilespmem:s24+$0x4040] =	vst v0  }
0x26: {  	[tilespmem:s24+$0x4050] =	vst v0  }
0x27: {  	[tilespmem:s24+$0x4060] =	vst v0;
	s24 =	sshra.s32 s25, $0x2;
	s25 =	sadd.s32 $0x200, s25  }
0x28: {  	[tilespmem:s24+$0x4070] =	vst v0  }
0x29: {  	[tilespmem:s24+$0x4000] =	vst v0  }
0x2a: {  	[tilespmem:s24+$0x4010] =	vst v0  }
0x2b: {  	[tilespmem:s24+$0x4020] =	vst v0  }
0x2c: {  	[tilespmem:s24+$0x4030] =	vst v0  }
0x2d: {  	[tilespmem:s24+$0x4040] =	vst v0  }
0x2e: {  	[tilespmem:s24+$0x4050] =	vst v0  }
0x2f: {  	[tilespmem:s24+$0x4060] =	vst v0  }
0x30: {  	[spmem:s5] =	stream.linear.scatter [tilespmem:s17], [sflag:$0x5], $0x4000, $0x38;
	[tilespmem:$0x1FC00] =	vst v63  }
0x31: {  	_ =	swait.ge [sflag:s18], $0x4000  }
0x32: {  	[sflag:s18] =	ssyncset.done $0x0  }
0x33: {  	[sflag:s18] =	ssyncadd.s32 $0xFFFFC000  }
0x34: {  	[spmem:s6] =	stream.linear.scatter [tilespmem:s17], [sflag:$0x5], $0x4000, $0x38;
	[tilespmem:$0x1FC00] =	vst v63  }
0x35: {  	_ =	swait.ge [sflag:s18], $0x4000  }
0x36: {  	[sflag:s18] =	ssyncset.done $0x0  }
0x37: {  	[sflag:s18] =	ssyncadd.s32 $0xFFFFC000  }
0x38: {  	[spmem:s7] =	stream.linear.scatter [tilespmem:s17], [sflag:$0x5], $0x4000, $0x38;
	[tilespmem:$0x1FC00] =	vst v63  }
0x39: {  	_ =	swait.ge [sflag:s18], $0x4000  }
0x3a: {  	[sflag:s18] =	ssyncset.done $0x0  }
0x3b: {  	[sflag:s18] =	ssyncadd.s32 $0xFFFFC000  }
0x3c: {  	[spmem:s8] =	stream.linear.scatter [tilespmem:s17], [sflag:$0x5], $0x4000, $0x38;
	[tilespmem:$0x1FC00] =	vst v63  }
0x3d: {  	_ =	swait.ge [sflag:s18], $0x4000  }
0x3e: {  	[sflag:s18] =	ssyncset.done $0x0  }
0x3f: {  	[sflag:s18] =	ssyncadd.s32 $0xFFFFC000  }
0x40: {  	[spmem:s9] =	stream.linear.scatter [tilespmem:s17], [sflag:$0x5], $0x3C00, $0x38;
	[tilespmem:$0x1FC00] =	vst v63  }
.Ltmp3:
0x41: {  	_ =	swait.ge [sflag:s18], $0x3C00;
	(pc) =	sbr.rel @!p0 .LBB2_4-.Ltmp3, $4  }
0x42: {  	[sflag:s18] =	ssyncset.done $0x0  }
0x43: {  	[sflag:s18] =	ssyncadd.s32 $0xFFFFC400  }
0x44: {  	[bflag:$0x0] =	sbarrier.arrive $0xFFFF  }
0x45: {  	s0 =	simm.s32 $0x0  }
0x46: {  	[tilespmem:s0], [sflag:$0x5] =	stream.linear.gather [hbm4b:s14+s0], $0x1000, $0x38;
	[tilespmem:$0x1FC00] =	vst v63  }
0x47: {  	_ =	swait.ge [sflag:s18], $0x1000  }
0x48: {  	[sflag:s18] =	ssyncset.done $0x0  }
0x49: {  	s10 =	simm.s32 $0x2000;
	[sflag:s18] =	ssyncadd.s32 $0xFFFFF000  }
0x4a: {  	[tilespmem:s10], [sflag:$0x5] =	stream.linear.gather [hbm4b:s15+s0], $0x1000, $0x38;
	[tilespmem:$0x1FC00] =	vst v63  }
0x4b: {  	_ =	swait.ge [sflag:s18], $0x1000  }
0x4c: {  	[sflag:s18] =	ssyncset.done $0x0  }
0x4d: {  	s24 =	simm.s32 $0x80;
	[sflag:s18] =	ssyncadd.s32 $0xFFFFF000  }
0x4e: {  	[tilespmem:s17], [sflag:$0x1] =	stream.indirect.gather [hbm4b:s4+s24], $0x80, s0, s24, $0xb8;
	[tilespmem:$0x1FC00] =	vst v63  }
0x4f: {  	p1 =	por $0x1, $0x1;
	s0 =	sand.u32 $0x1, s0  }
0x50: {  	p2 =	por @!p1 $0x0, $0x0;
	s25 =	sadd.s32 $0x1, s0  }
0x51: {  	[tilespmem:s19], [sflag:$0x2] =	stream.indirect.gather [hbm4b:s4+s24], $0x80, s24, s24, $0xb8;
	[tilespmem:$0x1FC00] =	vst v63  }
0x52: {  	p1 =	por p2, p1;
	s26 =	sshll.u32 s0, $0xE;
	_ =	swait.ge [sflag:s25], $0x4000  }
0x53: {  	s28 =	sadd.s32 $0x3, s0;
	s0 =	sxor.u32 @!p1 $0x1, s0;
	[sflag:s25] =	ssyncset.done $0x0  }
0x54: {  	s26 =	sadd.s32 $0x4000, s26;
	s30 =	sadd.s32 @!p1 $0x3, s0;
	[sflag:s25] =	ssyncadd.s32 $0xFFFFC000  }
0x55: {  	[spmem:s2] =	stream.indirect.scatter.add.f32 [tilespmem:s26], [sflag:s28], $0x80, s10, s20, $0xb8;
	[tilespmem:$0x1FC00] =	vst v63  }
0x56: {  	s29 =	sadd.s32 @!p1 $0x1, s0;
	s25 =	simm.s32 $0x1;
	s10 =	sshll.u32 @!p1 s0, $0xE  }
0x57: {  	s0 =	simm.s32 @!p1 $0x80;
	s26 =	simm.s32 $0x2080;
	_ =	swait.ge @!p1 [sflag:s30], $0x4000  }
0x58: {  	s28 =	simm.s32 $0x80;
	s31 =	sadd.s32 @!p1 $0x4000, s10;
	[sflag:s30] =	ssyncset.done @!p1 $0x0  }
.LBB2_10:
0x59: {  	[sflag:s30] =	ssyncadd.s32 @!p1 $0xFFFFC000  }
0x5a: {  	s24 =	sadd.s32 $0x80, s24;
	s10 =	smov.u32 s25;
	s25 =	sadd.s32 $0x1, s25  }
0x5b: {  	[tilespmem:s31], [sflag:s29] =	stream.indirect.gather @!p1 [hbm4b:s4+s0], $0x80, s28, s0, $0xb8;
	[tilespmem:$0x1FC00] =	vst v63  }
0x5c: {  	s0 =	sand.u32 $0x1, s10;
	p2 =	sne.s32 s25, $0x20;
	s28 =	smov.u32 s24  }
0x5d: {  	p1 =	seq.s32 s10, $0x0;
	s29 =	sshll.u32 s0, $0xE;
	s30 =	sadd.s32 $0x1, s0  }
0x5e: {  	s31 =	sadd.s32 $0x3, s0;
	p3 =	seq.s32 @!p1 s10, $0x1F;
	_ =	swait.ge [sflag:s30], $0x4000  }
0x5f: {  	s10 =	sadd.s32 $0x4000, s29;
	p1 =	por p3, p1;
	[sflag:s30] =	ssyncset.done $0x0  }
.Ltmp4:
0x60: {  	s0 =	sxor.u32 @!p1 $0x1, s0;
	[sflag:s30] =	ssyncadd.s32 $0xFFFFC000;
	(pc) =	sbr.rel @p2 .LBB2_10-.Ltmp4, $4  }
0x61: {  	[spmem:s2] =	stream.indirect.scatter.add.f32 [tilespmem:s10], [sflag:s31], $0x80, s26, s20, $0xb8;
	[tilespmem:$0x1FC00] =	vst v63  }
0x62: {  	s29 =	sadd.s32 @!p1 $0x1, s0;
	s30 =	sadd.s32 @!p1 $0x3, s0;
	s10 =	sshll.u32 @!p1 s0, $0xE  }
0x63: {  	s31 =	sadd.s32 @!p1 $0x4000, s10;
	_ =	swait.ge @!p1 [sflag:s30], $0x4000  }
0x64: {  	s0 =	simm.s32 @!p1 $0x80;
	s26 =	sadd.s32 $0x80, s26;
	[sflag:s30] =	ssyncset.done @!p1 $0x0  }
.Ltmp5:
0x65: {  	(pc) =	sbr.rel .LBB2_12-.Ltmp5, $3  }
0x66: {  	_ =	sdelay $0x1  }
0x67: {  	[sflag:s30] =	ssyncadd.s32 @!p1 $0xFFFFC000  }
0x68: {  	[tilespmem:s31], [sflag:s29] =	stream.indirect.gather @!p1 [hbm4b:s4+s0], $0x80, s28, s0, $0xb8;
	[tilespmem:$0x1FC00] =	vst v63  }
.LBB2_4:
0x69: {  	s10 =	rddreg [dreg:$0x4]  }
0x6a: {  	[tilespmem:s0], [sflag:$0x5] =	stream.linear.gather [hbm4b:s10+s0], $0x2000, $0x38;
	[tilespmem:$0x1FC00] =	vst v63  }
0x6b: {  	_ =	swait.ge [sflag:s18], $0x2000  }
0x6c: {  	[sflag:s18] =	ssyncset.done $0x0  }
0x6d: {  	s25 =	simm.s32 $0x2000;
	[sflag:s18] =	ssyncadd.s32 $0xFFFFE000  }
0x6e: {  	[tilespmem:s25], [sflag:$0x5] =	stream.linear.gather [hbm4b:s11+s0], $0x2000, $0x38;
	[tilespmem:$0x1FC00] =	vst v63  }
0x6f: {  	_ =	swait.ge [sflag:s18], $0x2000  }
0x70: {  	[sflag:s18] =	ssyncset.done $0x0  }
0x71: {  	s24 =	simm.s32 $0x80;
	[sflag:s18] =	ssyncadd.s32 $0xFFFFE000  }
0x72: {  	[tilespmem:s17], [sflag:$0x1] =	stream.indirect.gather [hbm4b:s4+s24], $0x80, s0, s24, $0xb8;
	[tilespmem:$0x1FC00] =	vst v63  }
0x73: {  	p1 =	por $0x1, $0x1;
	s0 =	sand.u32 $0x1, s0  }
0x74: {  	p2 =	por @!p1 $0x0, $0x0;
	s26 =	sadd.s32 $0x1, s0  }
0x75: {  	[tilespmem:s19], [sflag:$0x2] =	stream.indirect.gather [hbm4b:s4+s24], $0x80, s24, s24, $0xb8;
	[tilespmem:$0x1FC00] =	vst v63  }
0x76: {  	p1 =	por p2, p1;
	s28 =	sshll.u32 s0, $0xE;
	_ =	swait.ge [sflag:s26], $0x4000  }
0x77: {  	s29 =	sadd.s32 $0x3, s0;
	s0 =	sxor.u32 @!p1 $0x1, s0;
	[sflag:s26] =	ssyncset.done $0x0  }
0x78: {  	s28 =	sadd.s32 $0x4000, s28;
	s30 =	sadd.s32 @!p1 $0x3, s0;
	[sflag:s26] =	ssyncadd.s32 $0xFFFFC000  }
0x79: {  	[spmem:s2] =	stream.indirect.scatter.add.f32 [tilespmem:s28], [sflag:s29], $0x80, s25, s20, $0xb8;
	[tilespmem:$0x1FC00] =	vst v63  }
0x7a: {  	s26 =	sshll.u32 @!p1 s0, $0xE;
	s25 =	simm.s32 $0x1;
	s29 =	sadd.s32 @!p1 $0x1, s0  }
0x7b: {  	s31 =	sadd.s32 @!p1 $0x4000, s26;
	s0 =	simm.s32 @!p1 $0x80;
	_ =	swait.ge @!p1 [sflag:s30], $0x4000  }
0x7c: {  	s26 =	simm.s32 $0x2080;
	s28 =	simm.s32 $0x80;
	[sflag:s30] =	ssyncset.done @!p1 $0x0  }
.LBB2_5:
0x7d: {  	[sflag:s30] =	ssyncadd.s32 @!p1 $0xFFFFC000  }
0x7e: {  	s24 =	sadd.s32 $0x80, s24;
	s30 =	smov.u32 s25;
	s25 =	sadd.s32 $0x1, s25  }
0x7f: {  	[tilespmem:s31], [sflag:s29] =	stream.indirect.gather @!p1 [hbm4b:s4+s0], $0x80, s28, s0, $0xb8;
	[tilespmem:$0x1FC00] =	vst v63  }
0x80: {  	s0 =	sand.u32 $0x1, s30;
	p2 =	sne.s32 s25, $0x40;
	s28 =	smov.u32 s24  }
0x81: {  	p1 =	seq.s32 s30, $0x0;
	s29 =	sshll.u32 s0, $0xE;
	s31 =	sadd.s32 $0x1, s0  }
0x82: {  	s10 =	sadd.s32 $0x3, s0;
	p3 =	seq.s32 @!p1 s30, $0x3F;
	_ =	swait.ge [sflag:s31], $0x4000  }
0x83: {  	s29 =	sadd.s32 $0x4000, s29;
	p1 =	por p3, p1;
	[sflag:s31] =	ssyncset.done $0x0  }
.Ltmp6:
0x84: {  	s0 =	sxor.u32 @!p1 $0x1, s0;
	[sflag:s31] =	ssyncadd.s32 $0xFFFFC000;
	(pc) =	sbr.rel @p2 .LBB2_5-.Ltmp6, $4  }
0x85: {  	[spmem:s2] =	stream.indirect.scatter.add.f32 [tilespmem:s29], [sflag:s10], $0x80, s26, s20, $0xb8;
	[tilespmem:$0x1FC00] =	vst v63  }
0x86: {  	s30 =	sadd.s32 @!p1 $0x3, s0;
	s10 =	sshll.u32 @!p1 s0, $0xE;
	s29 =	sadd.s32 @!p1 $0x1, s0  }
0x87: {  	s31 =	sadd.s32 @!p1 $0x4000, s10;
	_ =	swait.ge @!p1 [sflag:s30], $0x4000  }
0x88: {  	s0 =	simm.s32 @!p1 $0x80;
	s26 =	sadd.s32 $0x80, s26;
	[sflag:s30] =	ssyncset.done @!p1 $0x0  }
0x89: {  	[sflag:s30] =	ssyncadd.s32 @!p1 $0xFFFFC000  }
0x8a: {  	[tilespmem:s31], [sflag:s29] =	stream.indirect.gather @!p1 [hbm4b:s4+s0], $0x80, s28, s0, $0xb8;
	[tilespmem:$0x1FC00] =	vst v63  }
0x8b: {  	_ =	swait.ge [sflag:s21], $0x4000  }
0x8c: {  	[sflag:s21] =	ssyncset.done $0x0  }
0x8d: {  	[sflag:s21] =	ssyncadd.s32 $0xFFFFC000  }
0x8e: {  	_ =	swait.ge [sflag:s22], $0x4000  }
0x8f: {  	[sflag:s22] =	ssyncset.done $0x0  }
0x90: {  	s26 =	simm.s32 $0x0;
	[sflag:s22] =	ssyncadd.s32 $0xFFFFC000  }
0x91: {  	[tilespmem:s26], [sflag:$0x5] =	stream.linear.gather [hbm4b:s12+s26], $0x2000, $0x38;
	[tilespmem:$0x1FC00] =	vst v63  }
0x92: {  	_ =	swait.ge [sflag:s18], $0x2000  }
0x93: {  	[sflag:s18] =	ssyncset.done $0x0  }
0x94: {  	s10 =	simm.s32 $0x2000;
	[sflag:s18] =	ssyncadd.s32 $0xFFFFE000  }
0x95: {  	[tilespmem:s10], [sflag:$0x5] =	stream.linear.gather [hbm4b:s13+s26], $0x2000, $0x38;
	[tilespmem:$0x1FC00] =	vst v63  }
0x96: {  	_ =	swait.ge [sflag:s18], $0x2000  }
0x97: {  	s24 =	simm.s32 $0x80;
	[sflag:s18] =	ssyncset.done $0x0  }
0x98: {  	s0 =	sand.u32 $0x1, s26;
	p1 =	por $0x1, $0x1;
	[sflag:s18] =	ssyncadd.s32 $0xFFFFE000  }
0x99: {  	[tilespmem:s17], [sflag:$0x1] =	stream.indirect.gather [hbm4b:s4+s24], $0x80, s26, s24, $0xb8;
	[tilespmem:$0x1FC00] =	vst v63  }
0x9a: {  	s25 =	sadd.s32 $0x1, s0;
	p2 =	por @!p1 $0x0, $0x0  }
0x9b: {  	[tilespmem:s19], [sflag:$0x2] =	stream.indirect.gather [hbm4b:s4+s24], $0x80, s24, s24, $0xb8;
	[tilespmem:$0x1FC00] =	vst v63  }
0x9c: {  	s28 =	sadd.s32 $0x3, s0;
	p1 =	por p2, p1;
	_ =	swait.ge [sflag:s25], $0x4000  }
0x9d: {  	s26 =	sshll.u32 s0, $0xE;
	s0 =	sxor.u32 @!p1 $0x1, s0;
	[sflag:s25] =	ssyncset.done $0x0  }
0x9e: {  	s26 =	sadd.s32 $0x4000, s26;
	s30 =	sadd.s32 @!p1 $0x3, s0;
	[sflag:s25] =	ssyncadd.s32 $0xFFFFC000  }
0x9f: {  	[spmem:s2] =	stream.indirect.scatter.add.f32 [tilespmem:s26], [sflag:s28], $0x80, s10, s20, $0xb8;
	[tilespmem:$0x1FC00] =	vst v63  }
0xa0: {  	s29 =	sadd.s32 @!p1 $0x1, s0;
	s25 =	simm.s32 $0x1;
	s10 =	sshll.u32 @!p1 s0, $0xE  }
0xa1: {  	s0 =	simm.s32 @!p1 $0x80;
	s26 =	simm.s32 $0x2080;
	_ =	swait.ge @!p1 [sflag:s30], $0x4000  }
0xa2: {  	s28 =	simm.s32 $0x80;
	s31 =	sadd.s32 @!p1 $0x4000, s10;
	[sflag:s30] =	ssyncset.done @!p1 $0x0  }
.LBB2_7:
0xa3: {  	[sflag:s30] =	ssyncadd.s32 @!p1 $0xFFFFC000  }
0xa4: {  	s24 =	sadd.s32 $0x80, s24;
	s10 =	smov.u32 s25;
	s25 =	sadd.s32 $0x1, s25  }
0xa5: {  	[tilespmem:s31], [sflag:s29] =	stream.indirect.gather @!p1 [hbm4b:s4+s0], $0x80, s28, s0, $0xb8;
	[tilespmem:$0x1FC00] =	vst v63  }
0xa6: {  	s0 =	sand.u32 $0x1, s10;
	p2 =	seq.s32 s25, $0x40;
	s28 =	smov.u32 s24  }
0xa7: {  	p1 =	seq.s32 s10, $0x0;
	s29 =	sshll.u32 s0, $0xE;
	s30 =	sadd.s32 $0x1, s0  }
0xa8: {  	s31 =	sadd.s32 $0x3, s0;
	p3 =	seq.s32 @!p1 s10, $0x3F;
	_ =	swait.ge [sflag:s30], $0x4000  }
0xa9: {  	s10 =	sadd.s32 $0x4000, s29;
	p1 =	por p3, p1;
	[sflag:s30] =	ssyncset.done $0x0  }
.Ltmp7:
0xaa: {  	s0 =	sxor.u32 @!p1 $0x1, s0;
	[sflag:s30] =	ssyncadd.s32 $0xFFFFC000;
	(pc) =	sbr.rel @!p2 .LBB2_7-.Ltmp7, $4  }
0xab: {  	[spmem:s2] =	stream.indirect.scatter.add.f32 [tilespmem:s10], [sflag:s31], $0x80, s26, s20, $0xb8;
	[tilespmem:$0x1FC00] =	vst v63  }
0xac: {  	s29 =	sadd.s32 @!p1 $0x1, s0;
	s30 =	sadd.s32 @!p1 $0x3, s0;
	s10 =	sshll.u32 @!p1 s0, $0xE  }
0xad: {  	s31 =	sadd.s32 @!p1 $0x4000, s10;
	_ =	swait.ge @!p1 [sflag:s30], $0x4000  }
0xae: {  	s0 =	simm.s32 @!p1 $0x80;
	s26 =	sadd.s32 $0x80, s26;
	[sflag:s30] =	ssyncset.done @!p1 $0x0  }
.Ltmp8:
0xaf: {  	_ = 	snop;
	(pc) =	sbr.rel .LBB2_8-.Ltmp8, $1  }
0xb0: {  	_ =	sdelay $0x3  }
.LBB2_13:
0xb1: {  	_ =	sfence.sel $0x180000  }
0xb2: {  	[bflag:$0x0] =	sbarrier.arrive $0xFFFF  }
0xb3: {  	_ =	strace $0x9000004A  }
0xb4: {  	[bflag:$0x2] =	sbarrier.arrive $0xFFFF  }
0xb5: {  	p0 =	sne.s32 s1, $0x0;
	s0 =	rddreg [dreg:$0x3]  }
0xb6: {  	s0 =	sadd.s32 @!p0 $0x100000, s0  }
0xb7: {  	[sflag:s0] =	ssyncadd.tile.s32 @!p0 $0x1;
	_ =	shalt  }
.Lfunc_end2:
_tile_overlayer_lowered:
.L_overlay_start_2:
0xb8: {  	(tag) =	ssettag $0x2  }
0xb9: {  	s0 =	rddreg [dreg:$0x0];
	s2 =	stileid.u32  }
0xba: {  	s1 =	rddreg [dreg:$0x1];
	p0 =	sne.s32 s2, $0x0  }
0xbb: {  	s3 =	rddreg [dreg:$0x2];
	[bflag:$0x3] =	sbarrier.arrive $0xFFFF;
	s2 =	simm.s32 @!p0 $0x1C05  }
0xbc: {  	[timem:s3], [sflag:s2] =	dma.local @!p0 [hbm:s0], s1  }
0xbd: {  	s0 =	simm.s32 @!p0 $0x5  }
0xbe: {  	_ =	swait.ge @!p0 [sflag:s0], s1  }
0xbf: {  	s1 =	ssub.s32 @!p0 $0x0, s1;
	[sflag:s0] =	ssyncset.done @!p0 $0x0  }
0xc0: {  	[sflag:s0] =	ssyncadd.s32 @!p0 s1  }
0xc1: {  	[bflag:$0x3] =	sbarrier.arrive $0xFFFF  }
0xc2: {  	_ =	shalt  }

// kernel: kernel.14.cloned.1.call-start
scs
__scs_entry_jumppad:
0x0: {  	(pc) =	sbr.rel $0x88, $3  }
0x1: {  	(tag) =	ssettag $0x0;
	lr =	simm.s32 $0x1  }
0x2: {  	[smem:$0x3F9B] =	sst lr;
	_ =	strace $0xD0000000  }
0x3: {  	_ = 	snop  }
0x4: {  	_ = 	snop  }
0x5: {  	_ = 	snop  }
0x6: {  	_ = 	snop  }
0x7: {  	_ = 	snop  }
__scs_overlays_trampoline_lowered:
0x8: {  	[smem:$0x3FAA] =	sst s0  }
0x9: {  	[smem:$0x3FAB] =	sst s1  }
0xa: {  	[smem:$0x3FAC] =	sst s2  }
0xb: {  	[smem:$0x3FAD] =	sst s3  }
0xc: {  	[smem:$0x3FAE] =	sst s4  }
0xd: {  	[smem:$0x3FAF] =	sst s5  }
0xe: {  	[smem:$0x3FB0] =	sst s6  }
0xf: {  	[smem:$0x3FB1] =	sst s7  }
0x10: {  	[smem:$0x3FB2] =	sst s8  }
0x11: {  	[smem:$0x3FB3] =	sst s9;
	s0 =	simm.s32 @!p0 $0x0  }
0x12: {  	s1 =	sld [smem:$0x3F99];
	s0 =	simm.s32 @p0 $0x1  }
0x13: {  	[smem:$0x3FB4] =	sst s0;
	s0 =	simm.s32 @!p1 $0x0  }
0x14: {  	s2 =	sld [smem:$0x3F98];
	s0 =	simm.s32 @p1 $0x1  }
0x15: {  	[smem:$0x3FB5] =	sst s0;
	s0 =	simm.s32 @!p2 $0x0  }
0x16: {  	s3 =	sld [smem:$0x3FDB];
	s0 =	simm.s32 @p2 $0x1  }
0x17: {  	s4 =	simm.s32 $0x1BF5;
	[smem:$0x3FB7] =	sst s0  }
0x18: {  	s0 =	sld [smem:$0x3F9A];
	_ =	swait.ge [sflag:s4], $0x0  }
0x19: {  	s7 =	sld [smem:$0x3F9B]  }
0x1a: {  	s8 =	sadd.s32 $0xFFFFE003, lr  }
0x1b: {  	s9 =	sadd.s32 $0xFFFFFEF7, lr;
	s5 =	simm.s32 $0xFFFFFFFF;
	p2 =	slt.u32 s8, $0xFFFFF086  }
0x1c: {  	p1 =	slt.u32 s9, $0xF7A;
	s5 =	simm.s32 @!p2 $0x0  }
0x1d: {  	s5 =	simm.s32 @p1 $0x1;
	p0 =	seq.s32 s7, s2  }
0x1e: {  	s7 =	smul.u32 @!p0 $0xF7A, s2;
	p2 =	seq.s32 @!p0 s5, $0x0  }
0x1f: {  	s9 =	smul.u32 $0xF7A, s1;
	s8 =	simm.s32 @!p0 $0x1BF5;
	p2 =	por !p2, p0  }
0x20: {  	[sflag:s8] =	ssyncset.s32 @!p0 $0xFFFFF086;
	s6 =	sadd.s32 @!p0 s3, s7;
	s7 =	simm.s32 @!p0 $0x108  }
0x21: {  	s3 =	sadd.s32 s3, s9;
	s6 =	sadd.s32 @!p0 $0x88, s6;
	s7 =	simm.s32 @p2 $0x1082  }
0x22: {  	[simem:s7], [sflag:s8] =	dma.local @!p0 [hbm:s6], $0xF7A  }
0x23: {  	s9 =	sor.u32 $0xD0000000, s2;
	s6 =	simm.s32 $0x108;
	_ =	swait.ge @!p0 [sflag:s8], $0x0  }
0x24: {  	s3 =	sadd.s32 $0x88, s3;
	s6 =	simm.s32 @!p1 $0x1082;
	[sflag:s4] =	ssyncset.s32 $0xFFFFF086  }
0x25: {  	[simem:s6], [sflag:s4] =	dma.local [hbm:s3], $0xF7A  }
0x26: {  	[smem:$0x3F9B] =	sst s1;
	(tag) =	ssettag s2;
	_ =	strace s9  }
0x27: {  	s1 =	sld [smem:$0x3FAB]  }
0x28: {  	s2 =	sld [smem:$0x3FAC]  }
0x29: {  	s4 =	sld [smem:$0x3FAE]  }
0x2a: {  	p0 =	seq.s32 s5, $0x0;
	s5 =	sld [smem:$0x3FAF]  }
0x2b: {  	s6 =	sld [smem:$0x3FB0]  }
0x2c: {  	s7 =	sld [smem:$0x3FB1]  }
0x2d: {  	s3 =	simm.s32 $0x108;
	s8 =	sld [smem:$0x3FB2]  }
0x2e: {  	s3 =	simm.s32 @!p0 $0x1082;
	s9 =	sld [smem:$0x3FB3]  }
0x2f: {  	lr =	sadd.s32 s0, s3;
	s0 =	sld [smem:$0x3FAA]  }
0x30: {  	s3 =	sld [smem:$0x3FAD]  }
0x31: {  	[smem:$0x3FB6] =	sst s10  }
0x32: {  	s10 =	sld [smem:$0x3FB4];
	_ =	sdelay $0x3  }
0x33: {  	p0 =	seq.s32 s10, $0x1;
	s10 =	sld [smem:$0x3FB6];
	_ =	sdelay $0x3  }
0x34: {  	[smem:$0x3FB6] =	sst s10  }
0x35: {  	s10 =	sld [smem:$0x3FB5];
	_ =	sdelay $0x3  }
0x36: {  	p1 =	seq.s32 s10, $0x1;
	s10 =	sld [smem:$0x3FB6];
	_ =	sdelay $0x3  }
0x37: {  	[smem:$0x3FB6] =	sst s10  }
0x38: {  	s10 =	sld [smem:$0x3FB7]  }
0x39: {  	_ = 	snop;
	(pc) =	sbr.ind lr, $3  }
0x3a: {  	_ = 	snop  }
0x3b: {  	_ = 	snop  }
0x3c: {  	p2 =	seq.s32 s10, $0x1;
	s10 =	sld [smem:$0x3FB6]  }
0x3d: {  	_ =	shalt  }
0x3e: {  	_ =	shalt  }
0x3f: {  	_ =	shalt  }
0x40: {  	_ =	shalt  }
0x41: {  	_ =	shalt  }
0x42: {  	_ =	shalt  }
0x43: {  	_ =	shalt  }
0x44: {  	_ =	shalt  }
0x45: {  	_ =	shalt  }
0x46: {  	_ =	shalt  }
0x47: {  	_ =	shalt  }
0x48: {  	_ =	shalt  }
0x49: {  	_ =	shalt  }
0x4a: {  	_ =	shalt  }
0x4b: {  	_ =	shalt  }
0x4c: {  	_ =	shalt  }
0x4d: {  	_ =	shalt  }
0x4e: {  	_ =	shalt  }
0x4f: {  	_ =	shalt  }
0x50: {  	_ =	shalt  }
0x51: {  	_ =	shalt  }
0x52: {  	_ =	shalt  }
0x53: {  	_ =	shalt  }
0x54: {  	_ =	shalt  }
0x55: {  	_ =	shalt  }
0x56: {  	_ =	shalt  }
0x57: {  	_ =	shalt  }
0x58: {  	_ =	shalt  }
0x59: {  	_ =	shalt  }
0x5a: {  	_ =	shalt  }
0x5b: {  	_ =	shalt  }
0x5c: {  	_ =	shalt  }
0x5d: {  	_ =	shalt  }
0x5e: {  	_ =	shalt  }
0x5f: {  	_ =	shalt  }
0x60: {  	_ =	shalt  }
0x61: {  	_ =	shalt  }
0x62: {  	_ =	shalt  }
0x63: {  	_ =	shalt  }
0x64: {  	_ =	shalt  }
0x65: {  	_ =	shalt  }
0x66: {  	_ =	shalt  }
0x67: {  	_ =	shalt  }
0x68: {  	_ =	shalt  }
0x69: {  	_ =	shalt  }
0x6a: {  	_ =	shalt  }
0x6b: {  	_ =	shalt  }
0x6c: {  	_ =	shalt  }
0x6d: {  	_ =	shalt  }
0x6e: {  	_ =	shalt  }
0x6f: {  	_ =	shalt  }
0x70: {  	_ =	shalt  }
0x71: {  	_ =	shalt  }
0x72: {  	_ =	shalt  }
0x73: {  	_ =	shalt  }
0x74: {  	_ =	shalt  }
0x75: {  	_ =	shalt  }
0x76: {  	_ =	shalt  }
0x77: {  	_ =	shalt  }
0x78: {  	_ =	shalt  }
0x79: {  	_ =	shalt  }
0x7a: {  	_ =	shalt  }
0x7b: {  	_ =	shalt  }
0x7c: {  	_ =	shalt  }
0x7d: {  	_ =	shalt  }
0x7e: {  	_ =	shalt  }
0x7f: {  	_ =	shalt  }
0x80: {  	_ =	shalt  }
0x81: {  	_ =	shalt  }
0x82: {  	_ =	shalt  }
0x83: {  	_ =	shalt  }
0x84: {  	_ =	shalt  }
0x85: {  	_ =	shalt  }
0x86: {  	_ =	shalt  }
0x87: {  	_ =	shalt  }
.Lfunc_end0:
.L_simem_size_0:
called_computation.2_lowered:
.L_overlay_start_0:
0x88: {  	s2 =	sld [smem:$0x3FD9]  }
0x89: {  	s3 =	sld [smem:$0x3FFE];
	_ =	sdelay $0x1  }
0x8a: {  	s1 =	srdreg.scid  }
0x8b: {  	s0 =	sand.u32 $0x1, s1  }
0x8c: {  	s17 =	sshll.u32 s0, $0xA;
	s2 =	sadd.s32 s3, s2  }
0x8d: {  	s2 =	sadd.s32 s2, s17  }
0x8e: {  	[smem:$0x3FC2] =	sst s2  }
0x8f: {  	_ = 	snop  }
0x90: {  	s2 =	sld [smem:$0x3FD0];
	(tm) =	ssettm $0x1  }
0x91: {  	s18 =	sld [smem:$0x3FFB];
	_ =	sdelay $0x3  }
0x92: {  	_ =	strace s18  }
0x93: {  	s3 =	sld [smem:$0x3FFC];
	_ =	sdelay $0x3  }
0x94: {  	_ =	strace s3  }
0x95: {  	s3 =	sld [smem:$0x3FFD];
	_ =	sdelay $0x3  }
0x96: {  	_ =	strace s3  }
0x97: {  	_ =	strace $0x8FFFFFFF  }
0x98: {  	s19 =	sld [smem:$0x3FDB];
	_ =	sdelay $0x1  }
0x99: {  	s4 =	simm.s32 $_scs_section_size  }
0x9a: {  	s5 =	simm.s32 $_size__tile_overlayer_lowered;
	s6 =	simm.s32 $_tile_overlayer_lowered  }
0x9b: {  	s22 =	simm.s32 $0x1BFF;
	s21 =	sshll.u32 s6, $0x1;
	s3 =	sadd.s32 s4, s19  }
0x9c: {  	s7 =	simm.s32 $0x0;
	s20 =	sshll.u32 s5, $0x1;
	s5 =	sadd.s32 s21, s3  }
0x9d: {  	[timem:s7], [sflag:s22] =	dma.local [hbm:s5], s20  }
0x9e: {  	_ =	swait.ge [sflag:s22], s20  }
0x9f: {  	s4 =	ssub.s32 $0x0, s20;
	[sflag:s22] =	ssyncset.done $0x0  }
0xa0: {  	[sflag:s22] =	ssyncadd.s32 s4;
	_ =	sdelay $0x1  }
0xa1: {  	s23 =	simm.s32 $0x1B8B  }
0xa2: {  	_ =	swait.ge [sflag:s23], $0x1  }
0xa3: {  	[sflag:s23] =	ssyncset.done $0x0  }
0xa4: {  	s25 =	simm.s32 $0x1B8E;
	s24 =	sld [smem:$0x3FFE];
	[sflag:s23] =	ssyncadd.s32 $0xFFFFFFFF  }
0xa5: {  	s26 =	simm.s32 $execute0_lowered;
	[smem:$0x3FD2] =	sst s25  }
0xa6: {  	s5 =	sshll.u32 s26, $0x1;
	_ =	strace $0x8000004C;
	[dreg:$0x1] =	wrdreg $0xFFFFFFFF  }
0xa7: {  	s28 =	simm.s32 $_size_execute0_lowered;
	s3 =	sadd.s32 s3, s5;
	[dreg:$0x0] =	wrdreg $0x0  }
0xa8: {  	s5 =	sshll.u32 s28, $0x1;
	[dreg:$0x2] =	wrdreg s3  }
0xa9: {  	[dreg:$0x3] =	wrdreg s5  }
0xaa: {  	[dreg:$0x4] =	wrdreg $0xC0  }
0xab: {  	_ =	task [dreg:s7], $0x5FFFF  }
0xac: {  	[dreg:$0x1] =	wrdreg $0xFFFFFFFF  }
0xad: {  	[dreg:$0x0] =	wrdreg $0x60  }
0xae: {  	[dreg:$0x2] =	wrdreg s24  }
0xaf: {  	[dreg:$0x3] =	wrdreg s2  }
0xb0: {  	[dreg:$0x4] =	wrdreg $0xC0000  }
0xb1: {  	[dreg:$0x5] =	wrdreg $0x9  }
0xb2: {  	_ =	task.clear_ibuf [dreg:s7], $0x6FFFF;
	_ =	strace $0x9000004C  }
0xb3: {  	s29 =	simm.s32 $0x9;
	_ =	strace $0x8000004E  }
0xb4: {  	_ =	swait.ge [sflag:s29], $0x1  }
0xb5: {  	[sflag:s29] =	ssyncadd.s32 $0xFFFFFFFF  }
0xb6: {  	_ =	strace $0x9000004E  }
0xb7: {  	_ =	sfence  }
0xb8: {  	s30 =	sld [smem:$0x0];
	_ =	sdelay $0x2  }
0xb9: {  	s31 =	sshll.u32 s1, $0xD;
	s1 =	sshrl.u32 s1, $0x2  }
0xba: {  	s3 =	sand.u32 $0x4000, s31;
	s1 =	sadd.s32 s1, s30  }
0xbb: {  	s0 =	sor.u32 s3, s0;
	s1 =	sshll.u32 s1, $0x11  }
0xbc: {  	s0 =	sor.u32 s1, s0  }
0xbd: {  	s0 =	sadd.s32 $0x8F2B, s0  }
0xbe: {  	[sflag:s0] =	ssyncadd.remote.s32 $0x1  }
0xbf: {  	_ =	sfence.sel $0xFFFF  }
0xc0: {  	[dreg:$0x0] =	wrdreg $0xFFFFFFFF;
	(pc) =	sbr.abs _section_cstart, $3  }
0xc1: {  	[dreg:$0x1] =	wrdreg $0xFFFFFFFF  }
0xc2: {  	_ =	task.clear_ibuf [dreg:s7], $0x2FFFF;
	_ =	strace $0x9FFFFFFF  }
0xc3: {  	(tm) =	ssettm $0x7FFFFFFF  }
tec
execute0_lowered:
.L_overlay_start_1:
0x0: {  	(tag) =	ssettag $0x1  }
0x1: {  	s0 =	rddreg [dreg:$0x0]  }
0x2: {  	s14 =	rddreg [dreg:$0x1]  }
0x3: {  	s2 =	rddreg [dreg:$0x2];
	s3 =	simm.s32 $0x0  }
0x4: {  	s1 =	stileid.u32;
	s5 =	srdreg.scid;
	s20 =	simm.s32 $0x80  }
0x5: {  	s21 =	simm.s32 $0x3;
	s22 =	simm.s32 $0x4;
	[smem:$0x7FF] =	sst s3  }
0x6: {  	s6 =	smul.u32 $0x4F000, s1;
	s4 =	sadd.s32 $0xC600, s0;
	s17 =	sand.u32 $0x1, s5  }
0x7: {  	s15 =	sadd.s32 $0x2600, s0;
	s12 =	sshll.u32 s1, $0xB;
	s23 =	smul.u32 $0x2780, s1  }
0x8: {  	s13 =	sshll.u32 s1, $0x9;
	_ =	strace $0x8000004D;
	s7 =	smul.u32 $0x27800, s17  }
0x9: {  	s8 =	ssub.s32 $0x2, s17;
	s10 =	sadd.s32 s14, s12;
	s11 =	sadd.s32 s15, s12  }
0xa: {  	s18 =	sor.u32 $0x400, s12;
	s19 =	sor.u32 $0x8000, s13;
	p0 =	seq.s32 s17, $0x0  }
0xb: {  	s17 =	simm.s32 $0x4000;
	s30 =	sshrl.u32 s6, $0x2;
	s31 =	sshrl.u32 s8, $0x1  }
0xc: {  	[dreg:$0x4] =	wrdreg s10;
	s12 =	sadd.s32 s14, s18;
	s13 =	sadd.s32 s15, s18  }
.Ltmp0:
0xd: {  	s14 =	sadd.s32 s14, s19;
	s15 =	sadd.s32 s15, s19;
	(pc) =	sbr.rel .LBB2_1-.Ltmp0, $4  }
0xe: {  	s18 =	simm.s32 $0x5;
	s19 =	simm.s32 $0x8000;
	s5 =	sadd.s32 s30, s2  }
0xf: {  	s0 =	sadd.s32 s7, s0;
	s16 =	ssub.s32 s8, s31;
	s6 =	sadd.s32 $0x4000, s5  }
0x10: {  	s7 =	sadd.s32 $0x8000, s5;
	s8 =	sadd.s32 $0xC000, s5;
	s0 =	sadd.s32 $0x33E00, s0  }
0x11: {  	v0 =	vimm.f32 $0.0e+00;
	s9 =	sadd.s32 $0x10000, s5;
	s16 =	smax.u32 s16, $0x1;
	s23 =	sadd.s32 s23, s0  }
.LBB2_8:
0x12: {  	[sflag:s30] =	ssyncadd.s32 @!p1 $0xFFFFC000  }
0x13: {  	[tilespmem:s31], [sflag:s29] =	stream.indirect.gather @!p1 [hbm4b:s4+s0], $0x80, s28, s0, $0xb8;
	[tilespmem:$0x1FC00] =	vst v63  }
.LBB2_12:
0x14: {  	_ =	swait.ge [sflag:s21], $0x4000  }
0x15: {  	[sflag:s21] =	ssyncset.done $0x0  }
0x16: {  	[sflag:s21] =	ssyncadd.s32 $0xFFFFC000  }
0x17: {  	_ =	swait.ge [sflag:s22], $0x4000  }
0x18: {  	s0 =	sshll.u32 s1, $0x6;
	s3 =	sadd.s32 $0x1, s3;
	[sflag:s22] =	ssyncset.done $0x0  }
0x19: {  	s10 =	sshrl.u32 s5, $0x3;
	p1 =	sne.s32 s3, s16;
	[sflag:s22] =	ssyncadd.s32 $0xFFFFC000  }
.Ltmp1:
0x1a: {  	s0 =	sor.u32 $0x1C05, s0;
	[bflag:$0x0] =	sbarrier.arrive $0xFFFF;
	(pc) =	sbr.rel @!p1 .LBB2_13-.Ltmp1, $4  }
0x1b: {  	[hbm:s23], [sflag:s0] =	dma.local [spmem:s10], $0x2780  }
0x1c: {  	_ =	swait.ge [sflag:s18], $0x2780  }
0x1d: {  	[sflag:s18] =	ssyncset.done $0x0  }
0x1e: {  	[sflag:s18] =	ssyncadd.s32 $0xFFFFD880  }
.LBB2_1:
0x1f: {  	s24 =	simm.s32 $0x0;
	s25 =	simm.s32 $0x200  }
.LBB2_2:
0x20: {  	p1 =	sne.s32 s25, $0xFE00;
	[tilespmem:s24+$0x4070] =	vst v0  }
0x21: {  	[tilespmem:s24+$0x4000] =	vst v0  }
0x22: {  	[tilespmem:s24+$0x4010] =	vst v0  }
.Ltmp2:
0x23: {  	[tilespmem:s24+$0x4020] =	vst v0;
	(pc) =	sbr.rel @p1 .LBB2_2-.Ltmp2, $4  }
0x24: {  	[tilespmem:s24+$0x4030] =	vst v0  }
0x25: {  	[tilespmem:s24+$0x4040] =	vst v0  }
0x26: {  	[tilespmem:s24+$0x4050] =	vst v0  }
0x27: {  	[tilespmem:s24+$0x4060] =	vst v0;
	s24 =	sshra.s32 s25, $0x2;
	s25 =	sadd.s32 $0x200, s25  }
0x28: {  	[tilespmem:s24+$0x4070] =	vst v0  }
0x29: {  	[tilespmem:s24+$0x4000] =	vst v0  }
0x2a: {  	[tilespmem:s24+$0x4010] =	vst v0  }
0x2b: {  	[tilespmem:s24+$0x4020] =	vst v0  }
0x2c: {  	[tilespmem:s24+$0x4030] =	vst v0  }
0x2d: {  	[tilespmem:s24+$0x4040] =	vst v0  }
0x2e: {  	[tilespmem:s24+$0x4050] =	vst v0  }
0x2f: {  	[tilespmem:s24+$0x4060] =	vst v0  }
0x30: {  	[spmem:s5] =	stream.linear.scatter [tilespmem:s17], [sflag:$0x5], $0x4000, $0x38;
	[tilespmem:$0x1FC00] =	vst v63  }
0x31: {  	_ =	swait.ge [sflag:s18], $0x4000  }
0x32: {  	[sflag:s18] =	ssyncset.done $0x0  }
0x33: {  	[sflag:s18] =	ssyncadd.s32 $0xFFFFC000  }
0x34: {  	[spmem:s6] =	stream.linear.scatter [tilespmem:s17], [sflag:$0x5], $0x4000, $0x38;
	[tilespmem:$0x1FC00] =	vst v63  }
0x35: {  	_ =	swait.ge [sflag:s18], $0x4000  }
0x36: {  	[sflag:s18] =	ssyncset.done $0x0  }
0x37: {  	[sflag:s18] =	ssyncadd.s32 $0xFFFFC000  }
0x38: {  	[spmem:s7] =	stream.linear.scatter [tilespmem:s17], [sflag:$0x5], $0x4000, $0x38;
	[tilespmem:$0x1FC00] =	vst v63  }
0x39: {  	_ =	swait.ge [sflag:s18], $0x4000  }
0x3a: {  	[sflag:s18] =	ssyncset.done $0x0  }
0x3b: {  	[sflag:s18] =	ssyncadd.s32 $0xFFFFC000  }
0x3c: {  	[spmem:s8] =	stream.linear.scatter [tilespmem:s17], [sflag:$0x5], $0x4000, $0x38;
	[tilespmem:$0x1FC00] =	vst v63  }
0x3d: {  	_ =	swait.ge [sflag:s18], $0x4000  }
0x3e: {  	[sflag:s18] =	ssyncset.done $0x0  }
0x3f: {  	[sflag:s18] =	ssyncadd.s32 $0xFFFFC000  }
0x40: {  	[spmem:s9] =	stream.linear.scatter [tilespmem:s17], [sflag:$0x5], $0x3C00, $0x38;
	[tilespmem:$0x1FC00] =	vst v63  }
.Ltmp3:
0x41: {  	_ =	swait.ge [sflag:s18], $0x3C00;
	(pc) =	sbr.rel @!p0 .LBB2_4-.Ltmp3, $4  }
0x42: {  	[sflag:s18] =	ssyncset.done $0x0  }
0x43: {  	[sflag:s18] =	ssyncadd.s32 $0xFFFFC400  }
0x44: {  	[bflag:$0x0] =	sbarrier.arrive $0xFFFF  }
0x45: {  	s0 =	simm.s32 $0x0  }
0x46: {  	[tilespmem:s0], [sflag:$0x5] =	stream.linear.gather [hbm4b:s14+s0], $0x1000, $0x38;
	[tilespmem:$0x1FC00] =	vst v63  }
0x47: {  	_ =	swait.ge [sflag:s18], $0x1000  }
0x48: {  	[sflag:s18] =	ssyncset.done $0x0  }
0x49: {  	s10 =	simm.s32 $0x2000;
	[sflag:s18] =	ssyncadd.s32 $0xFFFFF000  }
0x4a: {  	[tilespmem:s10], [sflag:$0x5] =	stream.linear.gather [hbm4b:s15+s0], $0x1000, $0x38;
	[tilespmem:$0x1FC00] =	vst v63  }
0x4b: {  	_ =	swait.ge [sflag:s18], $0x1000  }
0x4c: {  	[sflag:s18] =	ssyncset.done $0x0  }
0x4d: {  	s24 =	simm.s32 $0x80;
	[sflag:s18] =	ssyncadd.s32 $0xFFFFF000  }
0x4e: {  	[tilespmem:s17], [sflag:$0x1] =	stream.indirect.gather [hbm4b:s4+s24], $0x80, s0, s24, $0xb8;
	[tilespmem:$0x1FC00] =	vst v63  }
0x4f: {  	p1 =	por $0x1, $0x1;
	s0 =	sand.u32 $0x1, s0  }
0x50: {  	p2 =	por @!p1 $0x0, $0x0;
	s25 =	sadd.s32 $0x1, s0  }
0x51: {  	[tilespmem:s19], [sflag:$0x2] =	stream.indirect.gather [hbm4b:s4+s24], $0x80, s24, s24, $0xb8;
	[tilespmem:$0x1FC00] =	vst v63  }
0x52: {  	p1 =	por p2, p1;
	s26 =	sshll.u32 s0, $0xE;
	_ =	swait.ge [sflag:s25], $0x4000  }
0x53: {  	s28 =	sadd.s32 $0x3, s0;
	s0 =	sxor.u32 @!p1 $0x1, s0;
	[sflag:s25] =	ssyncset.done $0x0  }
0x54: {  	s26 =	sadd.s32 $0x4000, s26;
	s30 =	sadd.s32 @!p1 $0x3, s0;
	[sflag:s25] =	ssyncadd.s32 $0xFFFFC000  }
0x55: {  	[spmem:s2] =	stream.indirect.scatter.add.f32 [tilespmem:s26], [sflag:s28], $0x80, s10, s20, $0xb8;
	[tilespmem:$0x1FC00] =	vst v63  }
0x56: {  	s29 =	sadd.s32 @!p1 $0x1, s0;
	s25 =	simm.s32 $0x1;
	s10 =	sshll.u32 @!p1 s0, $0xE  }
0x57: {  	s0 =	simm.s32 @!p1 $0x80;
	s26 =	simm.s32 $0x2080;
	_ =	swait.ge @!p1 [sflag:s30], $0x4000  }
0x58: {  	s28 =	simm.s32 $0x80;
	s31 =	sadd.s32 @!p1 $0x4000, s10;
	[sflag:s30] =	ssyncset.done @!p1 $0x0  }
.LBB2_10:
0x59: {  	[sflag:s30] =	ssyncadd.s32 @!p1 $0xFFFFC000  }
0x5a: {  	s24 =	sadd.s32 $0x80, s24;
	s10 =	smov.u32 s25;
	s25 =	sadd.s32 $0x1, s25  }
0x5b: {  	[tilespmem:s31], [sflag:s29] =	stream.indirect.gather @!p1 [hbm4b:s4+s0], $0x80, s28, s0, $0xb8;
	[tilespmem:$0x1FC00] =	vst v63  }
0x5c: {  	s0 =	sand.u32 $0x1, s10;
	p2 =	sne.s32 s25, $0x20;
	s28 =	smov.u32 s24  }
0x5d: {  	p1 =	seq.s32 s10, $0x0;
	s29 =	sshll.u32 s0, $0xE;
	s30 =	sadd.s32 $0x1, s0  }
0x5e: {  	s31 =	sadd.s32 $0x3, s0;
	p3 =	seq.s32 @!p1 s10, $0x1F;
	_ =	swait.ge [sflag:s30], $0x4000  }
0x5f: {  	s10 =	sadd.s32 $0x4000, s29;
	p1 =	por p3, p1;
	[sflag:s30] =	ssyncset.done $0x0  }
.Ltmp4:
0x60: {  	s0 =	sxor.u32 @!p1 $0x1, s0;
	[sflag:s30] =	ssyncadd.s32 $0xFFFFC000;
	(pc) =	sbr.rel @p2 .LBB2_10-.Ltmp4, $4  }
0x61: {  	[spmem:s2] =	stream.indirect.scatter.add.f32 [tilespmem:s10], [sflag:s31], $0x80, s26, s20, $0xb8;
	[tilespmem:$0x1FC00] =	vst v63  }
0x62: {  	s29 =	sadd.s32 @!p1 $0x1, s0;
	s30 =	sadd.s32 @!p1 $0x3, s0;
	s10 =	sshll.u32 @!p1 s0, $0xE  }
0x63: {  	s31 =	sadd.s32 @!p1 $0x4000, s10;
	_ =	swait.ge @!p1 [sflag:s30], $0x4000  }
0x64: {  	s0 =	simm.s32 @!p1 $0x80;
	s26 =	sadd.s32 $0x80, s26;
	[sflag:s30] =	ssyncset.done @!p1 $0x0  }
.Ltmp5:
0x65: {  	(pc) =	sbr.rel .LBB2_12-.Ltmp5, $3  }
0x66: {  	_ =	sdelay $0x1  }
0x67: {  	[sflag:s30] =	ssyncadd.s32 @!p1 $0xFFFFC000  }
0x68: {  	[tilespmem:s31], [sflag:s29] =	stream.indirect.gather @!p1 [hbm4b:s4+s0], $0x80, s28, s0, $0xb8;
	[tilespmem:$0x1FC00] =	vst v63  }
.LBB2_4:
0x69: {  	s10 =	rddreg [dreg:$0x4]  }
0x6a: {  	[tilespmem:s0], [sflag:$0x5] =	stream.linear.gather [hbm4b:s10+s0], $0x2000, $0x38;
	[tilespmem:$0x1FC00] =	vst v63  }
0x6b: {  	_ =	swait.ge [sflag:s18], $0x2000  }
0x6c: {  	[sflag:s18] =	ssyncset.done $0x0  }
0x6d: {  	s25 =	simm.s32 $0x2000;
	[sflag:s18] =	ssyncadd.s32 $0xFFFFE000  }
0x6e: {  	[tilespmem:s25], [sflag:$0x5] =	stream.linear.gather [hbm4b:s11+s0], $0x2000, $0x38;
	[tilespmem:$0x1FC00] =	vst v63  }
0x6f: {  	_ =	swait.ge [sflag:s18], $0x2000  }
0x70: {  	[sflag:s18] =	ssyncset.done $0x0  }
0x71: {  	s24 =	simm.s32 $0x80;
	[sflag:s18] =	ssyncadd.s32 $0xFFFFE000  }
0x72: {  	[tilespmem:s17], [sflag:$0x1] =	stream.indirect.gather [hbm4b:s4+s24], $0x80, s0, s24, $0xb8;
	[tilespmem:$0x1FC00] =	vst v63  }
0x73: {  	p1 =	por $0x1, $0x1;
	s0 =	sand.u32 $0x1, s0  }
0x74: {  	p2 =	por @!p1 $0x0, $0x0;
	s26 =	sadd.s32 $0x1, s0  }
0x75: {  	[tilespmem:s19], [sflag:$0x2] =	stream.indirect.gather [hbm4b:s4+s24], $0x80, s24, s24, $0xb8;
	[tilespmem:$0x1FC00] =	vst v63  }
0x76: {  	p1 =	por p2, p1;
	s28 =	sshll.u32 s0, $0xE;
	_ =	swait.ge [sflag:s26], $0x4000  }
0x77: {  	s29 =	sadd.s32 $0x3, s0;
	s0 =	sxor.u32 @!p1 $0x1, s0;
	[sflag:s26] =	ssyncset.done $0x0  }
0x78: {  	s28 =	sadd.s32 $0x4000, s28;
	s30 =	sadd.s32 @!p1 $0x3, s0;
	[sflag:s26] =	ssyncadd.s32 $0xFFFFC000  }
0x79: {  	[spmem:s2] =	stream.indirect.scatter.add.f32 [tilespmem:s28], [sflag:s29], $0x80, s25, s20, $0xb8;
	[tilespmem:$0x1FC00] =	vst v63  }
0x7a: {  	s26 =	sshll.u32 @!p1 s0, $0xE;
	s25 =	simm.s32 $0x1;
	s29 =	sadd.s32 @!p1 $0x1, s0  }
0x7b: {  	s31 =	sadd.s32 @!p1 $0x4000, s26;
	s0 =	simm.s32 @!p1 $0x80;
	_ =	swait.ge @!p1 [sflag:s30], $0x4000  }
0x7c: {  	s26 =	simm.s32 $0x2080;
	s28 =	simm.s32 $0x80;
	[sflag:s30] =	ssyncset.done @!p1 $0x0  }
.LBB2_5:
0x7d: {  	[sflag:s30] =	ssyncadd.s32 @!p1 $0xFFFFC000  }
0x7e: {  	s24 =	sadd.s32 $0x80, s24;
	s30 =	smov.u32 s25;
	s25 =	sadd.s32 $0x1, s25  }
0x7f: {  	[tilespmem:s31], [sflag:s29] =	stream.indirect.gather @!p1 [hbm4b:s4+s0], $0x80, s28, s0, $0xb8;
	[tilespmem:$0x1FC00] =	vst v63  }
0x80: {  	s0 =	sand.u32 $0x1, s30;
	p2 =	sne.s32 s25, $0x40;
	s28 =	smov.u32 s24  }
0x81: {  	p1 =	seq.s32 s30, $0x0;
	s29 =	sshll.u32 s0, $0xE;
	s31 =	sadd.s32 $0x1, s0  }
0x82: {  	s10 =	sadd.s32 $0x3, s0;
	p3 =	seq.s32 @!p1 s30, $0x3F;
	_ =	swait.ge [sflag:s31], $0x4000  }
0x83: {  	s29 =	sadd.s32 $0x4000, s29;
	p1 =	por p3, p1;
	[sflag:s31] =	ssyncset.done $0x0  }
.Ltmp6:
0x84: {  	s0 =	sxor.u32 @!p1 $0x1, s0;
	[sflag:s31] =	ssyncadd.s32 $0xFFFFC000;
	(pc) =	sbr.rel @p2 .LBB2_5-.Ltmp6, $4  }
0x85: {  	[spmem:s2] =	stream.indirect.scatter.add.f32 [tilespmem:s29], [sflag:s10], $0x80, s26, s20, $0xb8;
	[tilespmem:$0x1FC00] =	vst v63  }
0x86: {  	s30 =	sadd.s32 @!p1 $0x3, s0;
	s10 =	sshll.u32 @!p1 s0, $0xE;
	s29 =	sadd.s32 @!p1 $0x1, s0  }
0x87: {  	s31 =	sadd.s32 @!p1 $0x4000, s10;
	_ =	swait.ge @!p1 [sflag:s30], $0x4000  }
0x88: {  	s0 =	simm.s32 @!p1 $0x80;
	s26 =	sadd.s32 $0x80, s26;
	[sflag:s30] =	ssyncset.done @!p1 $0x0  }
0x89: {  	[sflag:s30] =	ssyncadd.s32 @!p1 $0xFFFFC000  }
0x8a: {  	[tilespmem:s31], [sflag:s29] =	stream.indirect.gather @!p1 [hbm4b:s4+s0], $0x80, s28, s0, $0xb8;
	[tilespmem:$0x1FC00] =	vst v63  }
0x8b: {  	_ =	swait.ge [sflag:s21], $0x4000  }
0x8c: {  	[sflag:s21] =	ssyncset.done $0x0  }
0x8d: {  	[sflag:s21] =	ssyncadd.s32 $0xFFFFC000  }
0x8e: {  	_ =	swait.ge [sflag:s22], $0x4000  }
0x8f: {  	[sflag:s22] =	ssyncset.done $0x0  }
0x90: {  	s26 =	simm.s32 $0x0;
	[sflag:s22] =	ssyncadd.s32 $0xFFFFC000  }
0x91: {  	[tilespmem:s26], [sflag:$0x5] =	stream.linear.gather [hbm4b:s12+s26], $0x2000, $0x38;
	[tilespmem:$0x1FC00] =	vst v63  }
0x92: {  	_ =	swait.ge [sflag:s18], $0x2000  }
0x93: {  	[sflag:s18] =	ssyncset.done $0x0  }
0x94: {  	s10 =	simm.s32 $0x2000;
	[sflag:s18] =	ssyncadd.s32 $0xFFFFE000  }
0x95: {  	[tilespmem:s10], [sflag:$0x5] =	stream.linear.gather [hbm4b:s13+s26], $0x2000, $0x38;
	[tilespmem:$0x1FC00] =	vst v63  }
0x96: {  	_ =	swait.ge [sflag:s18], $0x2000  }
0x97: {  	s24 =	simm.s32 $0x80;
	[sflag:s18] =	ssyncset.done $0x0  }
0x98: {  	s0 =	sand.u32 $0x1, s26;
	p1 =	por $0x1, $0x1;
	[sflag:s18] =	ssyncadd.s32 $0xFFFFE000  }
0x99: {  	[tilespmem:s17], [sflag:$0x1] =	stream.indirect.gather [hbm4b:s4+s24], $0x80, s26, s24, $0xb8;
	[tilespmem:$0x1FC00] =	vst v63  }
0x9a: {  	s25 =	sadd.s32 $0x1, s0;
	p2 =	por @!p1 $0x0, $0x0  }
0x9b: {  	[tilespmem:s19], [sflag:$0x2] =	stream.indirect.gather [hbm4b:s4+s24], $0x80, s24, s24, $0xb8;
	[tilespmem:$0x1FC00] =	vst v63  }
0x9c: {  	s28 =	sadd.s32 $0x3, s0;
	p1 =	por p2, p1;
	_ =	swait.ge [sflag:s25], $0x4000  }
0x9d: {  	s26 =	sshll.u32 s0, $0xE;
	s0 =	sxor.u32 @!p1 $0x1, s0;
	[sflag:s25] =	ssyncset.done $0x0  }
0x9e: {  	s26 =	sadd.s32 $0x4000, s26;
	s30 =	sadd.s32 @!p1 $0x3, s0;
	[sflag:s25] =	ssyncadd.s32 $0xFFFFC000  }
0x9f: {  	[spmem:s2] =	stream.indirect.scatter.add.f32 [tilespmem:s26], [sflag:s28], $0x80, s10, s20, $0xb8;
	[tilespmem:$0x1FC00] =	vst v63  }
0xa0: {  	s29 =	sadd.s32 @!p1 $0x1, s0;
	s25 =	simm.s32 $0x1;
	s10 =	sshll.u32 @!p1 s0, $0xE  }
0xa1: {  	s0 =	simm.s32 @!p1 $0x80;
	s26 =	simm.s32 $0x2080;
	_ =	swait.ge @!p1 [sflag:s30], $0x4000  }
0xa2: {  	s28 =	simm.s32 $0x80;
	s31 =	sadd.s32 @!p1 $0x4000, s10;
	[sflag:s30] =	ssyncset.done @!p1 $0x0  }
.LBB2_7:
0xa3: {  	[sflag:s30] =	ssyncadd.s32 @!p1 $0xFFFFC000  }
0xa4: {  	s24 =	sadd.s32 $0x80, s24;
	s10 =	smov.u32 s25;
	s25 =	sadd.s32 $0x1, s25  }
0xa5: {  	[tilespmem:s31], [sflag:s29] =	stream.indirect.gather @!p1 [hbm4b:s4+s0], $0x80, s28, s0, $0xb8;
	[tilespmem:$0x1FC00] =	vst v63  }
0xa6: {  	s0 =	sand.u32 $0x1, s10;
	p2 =	seq.s32 s25, $0x40;
	s28 =	smov.u32 s24  }
0xa7: {  	p1 =	seq.s32 s10, $0x0;
	s29 =	sshll.u32 s0, $0xE;
	s30 =	sadd.s32 $0x1, s0  }
0xa8: {  	s31 =	sadd.s32 $0x3, s0;
	p3 =	seq.s32 @!p1 s10, $0x3F;
	_ =	swait.ge [sflag:s30], $0x4000  }
0xa9: {  	s10 =	sadd.s32 $0x4000, s29;
	p1 =	por p3, p1;
	[sflag:s30] =	ssyncset.done $0x0  }
.Ltmp7:
0xaa: {  	s0 =	sxor.u32 @!p1 $0x1, s0;
	[sflag:s30] =	ssyncadd.s32 $0xFFFFC000;
	(pc) =	sbr.rel @!p2 .LBB2_7-.Ltmp7, $4  }
0xab: {  	[spmem:s2] =	stream.indirect.scatter.add.f32 [tilespmem:s10], [sflag:s31], $0x80, s26, s20, $0xb8;
	[tilespmem:$0x1FC00] =	vst v63  }
0xac: {  	s29 =	sadd.s32 @!p1 $0x1, s0;
	s30 =	sadd.s32 @!p1 $0x3, s0;
	s10 =	sshll.u32 @!p1 s0, $0xE  }
0xad: {  	s31 =	sadd.s32 @!p1 $0x4000, s10;
	_ =	swait.ge @!p1 [sflag:s30], $0x4000  }
0xae: {  	s0 =	simm.s32 @!p1 $0x80;
	s26 =	sadd.s32 $0x80, s26;
	[sflag:s30] =	ssyncset.done @!p1 $0x0  }
.Ltmp8:
0xaf: {  	_ = 	snop;
	(pc) =	sbr.rel .LBB2_8-.Ltmp8, $1  }
0xb0: {  	_ =	sdelay $0x3  }
.LBB2_13:
0xb1: {  	_ =	sfence.sel $0x180000  }
0xb2: {  	[bflag:$0x0] =	sbarrier.arrive $0xFFFF  }
0xb3: {  	_ =	strace $0x9000004D  }
0xb4: {  	[bflag:$0x2] =	sbarrier.arrive $0xFFFF  }
0xb5: {  	p0 =	sne.s32 s1, $0x0;
	s0 =	rddreg [dreg:$0x3]  }
0xb6: {  	s0 =	sadd.s32 @!p0 $0x100000, s0  }
0xb7: {  	[sflag:s0] =	ssyncadd.tile.s32 @!p0 $0x1;
	_ =	shalt  }
.Lfunc_end2:
_tile_overlayer_lowered:
.L_overlay_start_2:
0xb8: {  	(tag) =	ssettag $0x2  }
0xb9: {  	s0 =	rddreg [dreg:$0x0];
	s2 =	stileid.u32  }
0xba: {  	s1 =	rddreg [dreg:$0x1];
	p0 =	sne.s32 s2, $0x0  }
0xbb: {  	s3 =	rddreg [dreg:$0x2];
	[bflag:$0x3] =	sbarrier.arrive $0xFFFF;
	s2 =	simm.s32 @!p0 $0x1C05  }
0xbc: {  	[timem:s3], [sflag:s2] =	dma.local @!p0 [hbm:s0], s1  }
0xbd: {  	s0 =	simm.s32 @!p0 $0x5  }
0xbe: {  	_ =	swait.ge @!p0 [sflag:s0], s1  }
0xbf: {  	s1 =	ssub.s32 @!p0 $0x0, s1;
	[sflag:s0] =	ssyncset.done @!p0 $0x0  }
0xc0: {  	[sflag:s0] =	ssyncadd.s32 @!p0 s1  }
0xc1: {  	[bflag:$0x3] =	sbarrier.arrive $0xFFFF  }
0xc2: {  	_ =	shalt  }

// kernel: kernel.8.cloned.1.call-start
scs
__scs_entry_jumppad:
0x0: {  	(pc) =	sbr.rel $0x88, $3  }
0x1: {  	(tag) =	ssettag $0x0;
	lr =	simm.s32 $0x1  }
0x2: {  	[smem:$0x3F9B] =	sst lr;
	_ =	strace $0xD0000000  }
0x3: {  	_ = 	snop  }
0x4: {  	_ = 	snop  }
0x5: {  	_ = 	snop  }
0x6: {  	_ = 	snop  }
0x7: {  	_ = 	snop  }
__scs_overlays_trampoline_lowered:
0x8: {  	[smem:$0x3FAA] =	sst s0  }
0x9: {  	[smem:$0x3FAB] =	sst s1  }
0xa: {  	[smem:$0x3FAC] =	sst s2  }
0xb: {  	[smem:$0x3FAD] =	sst s3  }
0xc: {  	[smem:$0x3FAE] =	sst s4  }
0xd: {  	[smem:$0x3FAF] =	sst s5  }
0xe: {  	[smem:$0x3FB0] =	sst s6  }
0xf: {  	[smem:$0x3FB1] =	sst s7  }
0x10: {  	[smem:$0x3FB2] =	sst s8  }
0x11: {  	[smem:$0x3FB3] =	sst s9;
	s0 =	simm.s32 @!p0 $0x0  }
0x12: {  	s1 =	sld [smem:$0x3F99];
	s0 =	simm.s32 @p0 $0x1  }
0x13: {  	[smem:$0x3FB4] =	sst s0;
	s0 =	simm.s32 @!p1 $0x0  }
0x14: {  	s2 =	sld [smem:$0x3F98];
	s0 =	simm.s32 @p1 $0x1  }
0x15: {  	[smem:$0x3FB5] =	sst s0;
	s0 =	simm.s32 @!p2 $0x0  }
0x16: {  	s3 =	sld [smem:$0x3FDB];
	s0 =	simm.s32 @p2 $0x1  }
0x17: {  	s4 =	simm.s32 $0x1BF5;
	[smem:$0x3FB7] =	sst s0  }
0x18: {  	s0 =	sld [smem:$0x3F9A];
	_ =	swait.ge [sflag:s4], $0x0  }
0x19: {  	s7 =	sld [smem:$0x3F9B]  }
0x1a: {  	s8 =	sadd.s32 $0xFFFFE003, lr  }
0x1b: {  	s9 =	sadd.s32 $0xFFFFFEF7, lr;
	s5 =	simm.s32 $0xFFFFFFFF;
	p2 =	slt.u32 s8, $0xFFFFF086  }
0x1c: {  	p1 =	slt.u32 s9, $0xF7A;
	s5 =	simm.s32 @!p2 $0x0  }
0x1d: {  	s5 =	simm.s32 @p1 $0x1;
	p0 =	seq.s32 s7, s2  }
0x1e: {  	s7 =	smul.u32 @!p0 $0xF7A, s2;
	p2 =	seq.s32 @!p0 s5, $0x0  }
0x1f: {  	s9 =	smul.u32 $0xF7A, s1;
	s8 =	simm.s32 @!p0 $0x1BF5;
	p2 =	por !p2, p0  }
0x20: {  	[sflag:s8] =	ssyncset.s32 @!p0 $0xFFFFF086;
	s6 =	sadd.s32 @!p0 s3, s7;
	s7 =	simm.s32 @!p0 $0x108  }
0x21: {  	s3 =	sadd.s32 s3, s9;
	s6 =	sadd.s32 @!p0 $0x88, s6;
	s7 =	simm.s32 @p2 $0x1082  }
0x22: {  	[simem:s7], [sflag:s8] =	dma.local @!p0 [hbm:s6], $0xF7A  }
0x23: {  	s9 =	sor.u32 $0xD0000000, s2;
	s6 =	simm.s32 $0x108;
	_ =	swait.ge @!p0 [sflag:s8], $0x0  }
0x24: {  	s3 =	sadd.s32 $0x88, s3;
	s6 =	simm.s32 @!p1 $0x1082;
	[sflag:s4] =	ssyncset.s32 $0xFFFFF086  }
0x25: {  	[simem:s6], [sflag:s4] =	dma.local [hbm:s3], $0xF7A  }
0x26: {  	[smem:$0x3F9B] =	sst s1;
	(tag) =	ssettag s2;
	_ =	strace s9  }
0x27: {  	s1 =	sld [smem:$0x3FAB]  }
0x28: {  	s2 =	sld [smem:$0x3FAC]  }
0x29: {  	s4 =	sld [smem:$0x3FAE]  }
0x2a: {  	p0 =	seq.s32 s5, $0x0;
	s5 =	sld [smem:$0x3FAF]  }
0x2b: {  	s6 =	sld [smem:$0x3FB0]  }
0x2c: {  	s7 =	sld [smem:$0x3FB1]  }
0x2d: {  	s3 =	simm.s32 $0x108;
	s8 =	sld [smem:$0x3FB2]  }
0x2e: {  	s3 =	simm.s32 @!p0 $0x1082;
	s9 =	sld [smem:$0x3FB3]  }
0x2f: {  	lr =	sadd.s32 s0, s3;
	s0 =	sld [smem:$0x3FAA]  }
0x30: {  	s3 =	sld [smem:$0x3FAD]  }
0x31: {  	[smem:$0x3FB6] =	sst s10  }
0x32: {  	s10 =	sld [smem:$0x3FB4];
	_ =	sdelay $0x3  }
0x33: {  	p0 =	seq.s32 s10, $0x1;
	s10 =	sld [smem:$0x3FB6];
	_ =	sdelay $0x3  }
0x34: {  	[smem:$0x3FB6] =	sst s10  }
0x35: {  	s10 =	sld [smem:$0x3FB5];
	_ =	sdelay $0x3  }
0x36: {  	p1 =	seq.s32 s10, $0x1;
	s10 =	sld [smem:$0x3FB6];
	_ =	sdelay $0x3  }
0x37: {  	[smem:$0x3FB6] =	sst s10  }
0x38: {  	s10 =	sld [smem:$0x3FB7]  }
0x39: {  	_ = 	snop;
	(pc) =	sbr.ind lr, $3  }
0x3a: {  	_ = 	snop  }
0x3b: {  	_ = 	snop  }
0x3c: {  	p2 =	seq.s32 s10, $0x1;
	s10 =	sld [smem:$0x3FB6]  }
0x3d: {  	_ =	shalt  }
0x3e: {  	_ =	shalt  }
0x3f: {  	_ =	shalt  }
0x40: {  	_ =	shalt  }
0x41: {  	_ =	shalt  }
0x42: {  	_ =	shalt  }
0x43: {  	_ =	shalt  }
0x44: {  	_ =	shalt  }
0x45: {  	_ =	shalt  }
0x46: {  	_ =	shalt  }
0x47: {  	_ =	shalt  }
0x48: {  	_ =	shalt  }
0x49: {  	_ =	shalt  }
0x4a: {  	_ =	shalt  }
0x4b: {  	_ =	shalt  }
0x4c: {  	_ =	shalt  }
0x4d: {  	_ =	shalt  }
0x4e: {  	_ =	shalt  }
0x4f: {  	_ =	shalt  }
0x50: {  	_ =	shalt  }
0x51: {  	_ =	shalt  }
0x52: {  	_ =	shalt  }
0x53: {  	_ =	shalt  }
0x54: {  	_ =	shalt  }
0x55: {  	_ =	shalt  }
0x56: {  	_ =	shalt  }
0x57: {  	_ =	shalt  }
0x58: {  	_ =	shalt  }
0x59: {  	_ =	shalt  }
0x5a: {  	_ =	shalt  }
0x5b: {  	_ =	shalt  }
0x5c: {  	_ =	shalt  }
0x5d: {  	_ =	shalt  }
0x5e: {  	_ =	shalt  }
0x5f: {  	_ =	shalt  }
0x60: {  	_ =	shalt  }
0x61: {  	_ =	shalt  }
0x62: {  	_ =	shalt  }
0x63: {  	_ =	shalt  }
0x64: {  	_ =	shalt  }
0x65: {  	_ =	shalt  }
0x66: {  	_ =	shalt  }
0x67: {  	_ =	shalt  }
0x68: {  	_ =	shalt  }
0x69: {  	_ =	shalt  }
0x6a: {  	_ =	shalt  }
0x6b: {  	_ =	shalt  }
0x6c: {  	_ =	shalt  }
0x6d: {  	_ =	shalt  }
0x6e: {  	_ =	shalt  }
0x6f: {  	_ =	shalt  }
0x70: {  	_ =	shalt  }
0x71: {  	_ =	shalt  }
0x72: {  	_ =	shalt  }
0x73: {  	_ =	shalt  }
0x74: {  	_ =	shalt  }
0x75: {  	_ =	shalt  }
0x76: {  	_ =	shalt  }
0x77: {  	_ =	shalt  }
0x78: {  	_ =	shalt  }
0x79: {  	_ =	shalt  }
0x7a: {  	_ =	shalt  }
0x7b: {  	_ =	shalt  }
0x7c: {  	_ =	shalt  }
0x7d: {  	_ =	shalt  }
0x7e: {  	_ =	shalt  }
0x7f: {  	_ =	shalt  }
0x80: {  	_ =	shalt  }
0x81: {  	_ =	shalt  }
0x82: {  	_ =	shalt  }
0x83: {  	_ =	shalt  }
0x84: {  	_ =	shalt  }
0x85: {  	_ =	shalt  }
0x86: {  	_ =	shalt  }
0x87: {  	_ =	shalt  }
.Lfunc_end0:
.L_simem_size_0:
called_computation_lowered:
.L_overlay_start_0:
0x88: {  	s2 =	sld [smem:$0x3FD9]  }
0x89: {  	s3 =	sld [smem:$0x3FFE];
	_ =	sdelay $0x1  }
0x8a: {  	s1 =	srdreg.scid  }
0x8b: {  	s0 =	sand.u32 $0x1, s1  }
0x8c: {  	s16 =	sshll.u32 s0, $0xA;
	s2 =	sadd.s32 s3, s2  }
0x8d: {  	s2 =	sadd.s32 s2, s16  }
0x8e: {  	[smem:$0x3FC2] =	sst s2  }
0x8f: {  	_ = 	snop  }
0x90: {  	(tm) =	ssettm $0x1  }
0x91: {  	s17 =	sld [smem:$0x3FFB];
	_ =	sdelay $0x3  }
0x92: {  	_ =	strace s17  }
0x93: {  	s2 =	sld [smem:$0x3FFC];
	_ =	sdelay $0x3  }
0x94: {  	_ =	strace s2  }
0x95: {  	s2 =	sld [smem:$0x3FFD];
	_ =	sdelay $0x3  }
0x96: {  	_ =	strace s2  }
0x97: {  	_ =	strace $0x8FFFFFFF  }
0x98: {  	s18 =	sld [smem:$0x3FDB];
	_ =	sdelay $0x1  }
0x99: {  	s19 =	simm.s32 $_scs_section_size  }
0x9a: {  	s4 =	simm.s32 $_size__tile_overlayer_lowered;
	s5 =	simm.s32 $_tile_overlayer_lowered  }
0x9b: {  	s22 =	simm.s32 $0x1BFF;
	s21 =	sshll.u32 s5, $0x1;
	s2 =	sadd.s32 s19, s18  }
0x9c: {  	s6 =	simm.s32 $0x0;
	s20 =	sshll.u32 s4, $0x1;
	s4 =	sadd.s32 s21, s2  }
0x9d: {  	[timem:s6], [sflag:s22] =	dma.local [hbm:s4], s20  }
0x9e: {  	_ =	swait.ge [sflag:s22], s20  }
0x9f: {  	s3 =	ssub.s32 $0x0, s20;
	[sflag:s22] =	ssyncset.done $0x0  }
0xa0: {  	[sflag:s22] =	ssyncadd.s32 s3;
	_ =	sdelay $0x1  }
0xa1: {  	s23 =	simm.s32 $0x1B8B  }
0xa2: {  	_ =	swait.ge [sflag:s23], $0x1  }
0xa3: {  	[sflag:s23] =	ssyncset.done $0x0  }
0xa4: {  	s25 =	simm.s32 $0x1B8E;
	s24 =	sld [smem:$0x3FFE];
	[sflag:s23] =	ssyncadd.s32 $0xFFFFFFFF  }
0xa5: {  	s26 =	simm.s32 $execute0_lowered;
	[smem:$0x3FD2] =	sst s25  }
0xa6: {  	s4 =	sshll.u32 s26, $0x1;
	_ =	strace $0x80000046;
	[dreg:$0x1] =	wrdreg $0xFFFFFFFF  }
0xa7: {  	s28 =	simm.s32 $_size_execute0_lowered;
	s2 =	sadd.s32 s2, s4;
	[dreg:$0x0] =	wrdreg $0x0  }
0xa8: {  	s4 =	sshll.u32 s28, $0x1;
	[dreg:$0x2] =	wrdreg s2  }
0xa9: {  	[dreg:$0x3] =	wrdreg s4  }
0xaa: {  	[dreg:$0x4] =	wrdreg $0xC0  }
0xab: {  	_ =	task [dreg:s6], $0x5FFFF  }
0xac: {  	[dreg:$0x1] =	wrdreg $0xFFFFFFFF  }
0xad: {  	[dreg:$0x0] =	wrdreg $0x60  }
0xae: {  	[dreg:$0x2] =	wrdreg s24  }
0xaf: {  	[dreg:$0x3] =	wrdreg $0x68000  }
0xb0: {  	[dreg:$0x4] =	wrdreg $0x9  }
0xb1: {  	_ =	task.clear_ibuf [dreg:s6], $0x5FFFF;
	_ =	strace $0x90000046  }
0xb2: {  	s29 =	simm.s32 $0x9;
	_ =	strace $0x80000048  }
0xb3: {  	_ =	swait.ge [sflag:s29], $0x1  }
0xb4: {  	[sflag:s29] =	ssyncadd.s32 $0xFFFFFFFF  }
0xb5: {  	_ =	strace $0x90000048  }
0xb6: {  	_ =	sfence  }
0xb7: {  	s30 =	sld [smem:$0x0];
	_ =	sdelay $0x2  }
0xb8: {  	s31 =	sshll.u32 s1, $0xD;
	s1 =	sshrl.u32 s1, $0x2  }
0xb9: {  	s3 =	sand.u32 $0x4000, s31;
	s1 =	sadd.s32 s1, s30  }
0xba: {  	s0 =	sor.u32 s3, s0;
	s1 =	sshll.u32 s1, $0x11  }
0xbb: {  	s0 =	sor.u32 s1, s0  }
0xbc: {  	s0 =	sadd.s32 $0x8F2B, s0  }
0xbd: {  	[sflag:s0] =	ssyncadd.remote.s32 $0x1  }
0xbe: {  	_ =	sfence.sel $0xFFFF  }
0xbf: {  	[dreg:$0x0] =	wrdreg $0xFFFFFFFF;
	(pc) =	sbr.abs _section_cstart, $3  }
0xc0: {  	[dreg:$0x1] =	wrdreg $0xFFFFFFFF  }
0xc1: {  	_ =	task.clear_ibuf [dreg:s6], $0x2FFFF;
	_ =	strace $0x9FFFFFFF  }
0xc2: {  	(tm) =	ssettm $0x7FFFFFFF  }
0xc3: {  	_ =	shalt  }
tec
execute0_lowered:
.L_overlay_start_1:
0x0: {  	(tag) =	ssettag $0x1  }
0x1: {  	s5 =	rddreg [dreg:$0x0]  }
0x2: {  	s0 =	srdreg.scid;
	s2 =	rddreg [dreg:$0x1]  }
0x3: {  	s3 =	simm.s32 $0x0;
	s4 =	sand.u32 $0x1, s0;
	s0 =	stileid.u32  }
0x4: {  	s12 =	simm.s32 $0x1;
	s13 =	simm.s32 $0x80;
	s7 =	smul.u32 $0x4F000, s0  }
0x5: {  	[smem:$0x7FF] =	sst s3;
	s1 =	sshll.u32 s4, $0x4;
	s8 =	smul.u32 $0x27800, s4  }
0x6: {  	s4 =	ssub.s32 $0x2, s4;
	s15 =	smul.u32 $0x2780, s0;
	s16 =	sshll.u32 s0, $0x6  }
0x7: {  	s6 =	sor.u32 s0, s1;
	s1 =	rddreg [dreg:$0x2];
	_ =	strace $0x80000047  }
0x8: {  	s31 =	sshrl.u32 s4, $0x1;
	s6 =	smul.u32 $0x500, s6;
	s7 =	sshrl.u32 s7, $0x2  }
0x9: {  	s10 =	sadd.s32 s8, s5;
	s11 =	ssub.s32 s4, s31;
	s4 =	sadd.s32 s7, s2  }
0xa: {  	s14 =	sadd.s32 $0xC600, s10;
	s10 =	smax.u32 s11, $0x1;
	s11 =	simm.s32 $0x2800  }
0xb: {  	s9 =	sadd.s32 s6, s5;
	s5 =	sadd.s32 $0x4000, s4;
	s6 =	sadd.s32 $0x8000, s4  }
0xc: {  	s7 =	sadd.s32 $0xC000, s4;
	s8 =	sadd.s32 $0x10000, s4;
	s14 =	sadd.s32 s15, s14  }
0xd: {  	v0 =	vimm.f32 $0.0e+00;
	v1 =	vimm.f32 $1.000000000e+00;
	s15 =	sor.u32 $0x1C01, s16;
	s16 =	sshrl.u32 s4, $0x3;
	s9 =	sadd.s32 $0x2600, s9  }
.LBB2_1:
0xe: {  	s17 =	simm.s32 $0x0;
	s18 =	simm.s32 $0x200  }
.LBB2_2:
0xf: {  	p0 =	sne.s32 s18, $0xFE00;
	[tilespmem:s17+$0x2870] =	vst v0  }
0x10: {  	[tilespmem:s17+$0x2800] =	vst v0  }
0x11: {  	[tilespmem:s17+$0x2810] =	vst v0  }
.Ltmp0:
0x12: {  	[tilespmem:s17+$0x2820] =	vst v0;
	(pc) =	sbr.rel @p0 .LBB2_2-.Ltmp0, $4  }
0x13: {  	[tilespmem:s17+$0x2830] =	vst v0  }
0x14: {  	[tilespmem:s17+$0x2840] =	vst v0  }
0x15: {  	[tilespmem:s17+$0x2850] =	vst v0  }
0x16: {  	[tilespmem:s17+$0x2860] =	vst v0;
	s17 =	sshra.s32 s18, $0x2;
	s18 =	sadd.s32 $0x200, s18  }
0x17: {  	[tilespmem:s17+$0x2870] =	vst v0  }
0x18: {  	[tilespmem:s17+$0x2800] =	vst v0  }
0x19: {  	[tilespmem:s17+$0x2810] =	vst v0  }
0x1a: {  	[tilespmem:s17+$0x2820] =	vst v0  }
0x1b: {  	[tilespmem:s17+$0x2830] =	vst v0  }
0x1c: {  	[tilespmem:s17+$0x2840] =	vst v0  }
0x1d: {  	[tilespmem:s17+$0x2850] =	vst v0  }
0x1e: {  	[tilespmem:s17+$0x2860] =	vst v0  }
0x1f: {  	[spmem:s4] =	stream.linear.scatter [tilespmem:s11], [sflag:$0x1], $0x4000, $0x38;
	[tilespmem:$0x1A400] =	vst v63  }
0x20: {  	_ =	swait.ge [sflag:s12], $0x4000  }
0x21: {  	[sflag:s12] =	ssyncset.done $0x0  }
0x22: {  	[sflag:s12] =	ssyncadd.s32 $0xFFFFC000  }
0x23: {  	[spmem:s5] =	stream.linear.scatter [tilespmem:s11], [sflag:$0x1], $0x4000, $0x38;
	[tilespmem:$0x1A400] =	vst v63  }
0x24: {  	_ =	swait.ge [sflag:s12], $0x4000  }
0x25: {  	[sflag:s12] =	ssyncset.done $0x0  }
0x26: {  	[sflag:s12] =	ssyncadd.s32 $0xFFFFC000  }
0x27: {  	[spmem:s6] =	stream.linear.scatter [tilespmem:s11], [sflag:$0x1], $0x4000, $0x38;
	[tilespmem:$0x1A400] =	vst v63  }
0x28: {  	_ =	swait.ge [sflag:s12], $0x4000  }
0x29: {  	[sflag:s12] =	ssyncset.done $0x0  }
0x2a: {  	[sflag:s12] =	ssyncadd.s32 $0xFFFFC000  }
0x2b: {  	[spmem:s7] =	stream.linear.scatter [tilespmem:s11], [sflag:$0x1], $0x4000, $0x38;
	[tilespmem:$0x1A400] =	vst v63  }
0x2c: {  	_ =	swait.ge [sflag:s12], $0x4000  }
0x2d: {  	[sflag:s12] =	ssyncset.done $0x0  }
0x2e: {  	[sflag:s12] =	ssyncadd.s32 $0xFFFFC000  }
0x2f: {  	[spmem:s8] =	stream.linear.scatter [tilespmem:s11], [sflag:$0x1], $0x3C00, $0x38;
	[tilespmem:$0x1A400] =	vst v63  }
0x30: {  	_ =	swait.ge [sflag:s12], $0x3C00  }
0x31: {  	[sflag:s12] =	ssyncset.done $0x0  }
0x32: {  	s17 =	simm.s32 $0x0;
	s18 =	simm.s32 $0x200;
	[sflag:s12] =	ssyncadd.s32 $0xFFFFC400  }
.LBB2_4:
0x33: {  	p0 =	sne.s32 s18, $0xFE00;
	[tilespmem:s17+$0x2870] =	vst v1  }
0x34: {  	[tilespmem:s17+$0x2800] =	vst v1  }
0x35: {  	[tilespmem:s17+$0x2810] =	vst v1  }
.Ltmp1:
0x36: {  	[tilespmem:s17+$0x2820] =	vst v1;
	(pc) =	sbr.rel @p0 .LBB2_4-.Ltmp1, $4  }
0x37: {  	[tilespmem:s17+$0x2830] =	vst v1  }
0x38: {  	[tilespmem:s17+$0x2840] =	vst v1  }
0x39: {  	[tilespmem:s17+$0x2850] =	vst v1  }
0x3a: {  	[tilespmem:s17+$0x2860] =	vst v1;
	s17 =	sshra.s32 s18, $0x2;
	s18 =	sadd.s32 $0x200, s18  }
0x3b: {  	[tilespmem:s17+$0x2870] =	vst v1  }
0x3c: {  	[tilespmem:s17+$0x2800] =	vst v1  }
0x3d: {  	[tilespmem:s17+$0x2810] =	vst v1  }
0x3e: {  	[tilespmem:s17+$0x2820] =	vst v1  }
0x3f: {  	[tilespmem:s17+$0x2830] =	vst v1  }
0x40: {  	[tilespmem:s17+$0x2840] =	vst v1  }
0x41: {  	[tilespmem:s17+$0x2850] =	vst v1  }
0x42: {  	[tilespmem:s17+$0x2860] =	vst v1;
	s30 =	simm.s32 $0x0  }
0x43: {  	[tilespmem:s30], [sflag:$0x1] =	stream.linear.gather [hbm4b:s9+s30], $0x2800, $0x38;
	[tilespmem:$0x1A400] =	vst v63  }
0x44: {  	_ =	swait.ge [sflag:s12], $0x2800  }
0x45: {  	[sflag:s12] =	ssyncset.done $0x0  }
0x46: {  	[sflag:s12] =	ssyncadd.s32 $0xFFFFD800  }
0x47: {  	s31 =	simm.s32 $0x0;
	[bflag:$0x0] =	sbarrier.arrive $0xFFFF  }
0x48: {  	[spmem:s2] =	stream.indirect.scatter.add.f32 [tilespmem:s11], [sflag:$0x1], $0x80, s31, s13, $0xb8;
	[tilespmem:$0x1A400] =	vst v63  }
0x49: {  	_ =	swait.ge [sflag:s12], $0x4000  }
0x4a: {  	s17 =	simm.s32 $0x200;
	[sflag:s12] =	ssyncset.done $0x0  }
.LBB2_6:
0x4b: {  	s18 =	sshra.s32 s17, $0x2;
	[sflag:s12] =	ssyncadd.s32 $0xFFFFC000;
	p0 =	sne.s32 s17, $0x9E00  }
0x4c: {  	[spmem:s2] =	stream.indirect.scatter.add.f32 [tilespmem:s11], [sflag:$0x1], $0x80, s18, s13, $0xb8;
	[tilespmem:$0x1A400] =	vst v63  }
.Ltmp2:
0x4d: {  	_ = 	snop;
	(pc) =	sbr.rel @p0 .LBB2_6-.Ltmp2, $4  }
0x4e: {  	_ = 	snop  }
0x4f: {  	s17 =	sadd.s32 $0x200, s17  }
0x50: {  	_ =	swait.ge [sflag:s12], $0x4000  }
0x51: {  	[sflag:s12] =	ssyncset.done $0x0  }
0x52: {  	s3 =	sadd.s32 $0x1, s3  }
0x53: {  	[sflag:s12] =	ssyncadd.s32 $0xFFFFC000;
	p0 =	sne.s32 s3, s10  }
.Ltmp3:
0x54: {  	[bflag:$0x0] =	sbarrier.arrive $0xFFFF;
	(pc) =	sbr.rel @p0 .LBB2_1-.Ltmp3, $4  }
0x55: {  	[hbm:s14], [sflag:s15] =	dma.local [spmem:s16], $0x2780  }
0x56: {  	_ =	swait.ge [sflag:s12], $0x2780  }
0x57: {  	[sflag:s12] =	ssyncset.done $0x0  }
0x58: {  	[sflag:s12] =	ssyncadd.s32 $0xFFFFD880  }
0x59: {  	_ =	sfence.sel $0x180000  }
0x5a: {  	[bflag:$0x0] =	sbarrier.arrive $0xFFFF  }
0x5b: {  	p0 =	sne.s32 s0, $0x0;
	_ =	strace $0x90000047  }
0x5c: {  	s0 =	sadd.s32 @!p0 $0x100000, s1;
	[bflag:$0x2] =	sbarrier.arrive $0xFFFF  }
0x5d: {  	[sflag:s0] =	ssyncadd.tile.s32 @!p0 $0x1;
	_ =	shalt  }
.Lfunc_end2:
_tile_overlayer_lowered:
.L_overlay_start_2:
0x5e: {  	(tag) =	ssettag $0x2  }
0x5f: {  	s0 =	rddreg [dreg:$0x0];
	s2 =	stileid.u32  }
0x60: {  	s1 =	rddreg [dreg:$0x1];
	p0 =	sne.s32 s2, $0x0  }
0x61: {  	s3 =	rddreg [dreg:$0x2];
	[bflag:$0x3] =	sbarrier.arrive $0xFFFF;
	s2 =	simm.s32 @!p0 $0x1C01  }
0x62: {  	[timem:s3], [sflag:s2] =	dma.local @!p0 [hbm:s0], s1  }
0x63: {  	s0 =	simm.s32 @!p0 $0x1  }
0x64: {  	_ =	swait.ge @!p0 [sflag:s0], s1  }
0x65: {  	s1 =	ssub.s32 @!p0 $0x0, s1;
	[sflag:s0] =	ssyncset.done @!p0 $0x0  }
0x66: {  	[sflag:s0] =	ssyncadd.s32 @!p0 s1  }
0x67: {  	[bflag:$0x3] =	sbarrier.arrive $0xFFFF  }
0x68: {  	_ =	shalt  }

</sc_bundles>
